<compile_context>
chip_gen: v7x
topology: tpu7x:2x2x1
jax: 0.10.2.dev20260603
libtpu: 0.0.44.dev20260713+nightly
codegen_flags: <defaults>
</compile_context>

<pallas_src>
import functools

import jax
import jax.numpy as jnp
from jax import lax
from jax.experimental import pallas as pl
from jax.experimental.pallas import tpu as pltpu
from jax.experimental.pallas import tpu_sc as plsc

NN = 10000
NG = 64
HID = 256
NE = 320000
ACC_ROWS = 10240
E_PAD = 327680
EBLK = 128
ROWS_ALL = E_PAD // EBLK
TILES = 16
ZROWS = ACC_ROWS // TILES
ROW_BLK = 2000
GRID = NN // ROW_BLK


def _mesh():
    return plsc.VectorSubcoreMesh(core_axis_name="c", subcore_axis_name="s")



def _deg_body(dst_hbm, ones_hbm, zeros_hbm, out_hbm, dstv, onesv, acc):
    c = lax.axis_index("c")
    s = lax.axis_index("s")
    rpt = ROWS_ALL // 32
    pltpu.sync_copy(zeros_hbm.at[pl.ds(s * ZROWS, ZROWS)],
                    acc.at[pl.ds(s * ZROWS, ZROWS)])
    pltpu.sync_copy(ones_hbm, onesv)
    base = (c * TILES + s) * rpt
    pltpu.sync_copy(dst_hbm.at[pl.ds(base, rpt)], dstv)
    plsc.subcore_barrier()

    def blk(j, carry):
        pltpu.sync_copy(onesv, acc.at[dstv.at[j]], add=True)
        return carry

    lax.fori_loop(0, rpt, blk, 0)
    plsc.subcore_barrier()
    pltpu.sync_copy(acc.at[pl.ds(s * ZROWS, ZROWS)],
                    out_hbm.at[c].at[pl.ds(s * ZROWS, ZROWS)])


@functools.cache
def _deg_call():
    return functools.partial(
        pl.kernel,
        mesh=_mesh(),
        out_type=jax.ShapeDtypeStruct((2, ACC_ROWS, 128), jnp.float32),
        scratch_types=[
            pltpu.VMEM((ROWS_ALL // 32, EBLK), jnp.int32),
            pltpu.VMEM((EBLK, 128), jnp.float32),
            pltpu.VMEM_SHARED((ACC_ROWS, 128), jnp.float32),
        ],
    )(_deg_body)


def _agg_pipeline(ch, tbl_hbm, src_view, dst_view, src_base, dst_base, nrows,
                  srcv, dstv, buf0, buf1, acc, semg0, semg1, sems0, sems1):

    def wg(buf, sem):
        pltpu.make_async_copy(tbl_hbm.at[srcv.at[0]], buf, sem).wait()

    def ws(buf, sem):
        pltpu.make_async_copy(buf, acc.at[dstv.at[0]], sem).wait()

    def chunk(ci, carry):
        pltpu.sync_copy(src_view.at[pl.ds(src_base + ci * ch, ch)], srcv)
        pltpu.sync_copy(dst_view.at[pl.ds(dst_base + ci * ch, ch)], dstv)
        pltpu.async_copy(tbl_hbm.at[srcv.at[0]], buf0, semg0)
        wg(buf0, semg0)
        pltpu.async_copy(buf0, acc.at[dstv.at[0]], sems0, add=True)
        pltpu.async_copy(tbl_hbm.at[srcv.at[1]], buf1, semg1)

        def inner(k, c2):
            j = 2 * k + 1
            wg(buf1, semg1)
            ws(buf0, sems0)
            pltpu.async_copy(buf1, acc.at[dstv.at[j]], sems1, add=True)
            pltpu.async_copy(tbl_hbm.at[srcv.at[j + 1]], buf0, semg0)
            wg(buf0, semg0)
            ws(buf1, sems1)
            pltpu.async_copy(buf0, acc.at[dstv.at[j + 1]], sems0, add=True)
            pltpu.async_copy(tbl_hbm.at[srcv.at[j + 2]], buf1, semg1)
            return c2

        lax.fori_loop(0, ch // 2 - 1, inner, 0)
        wg(buf1, semg1)
        ws(buf0, sems0)
        pltpu.async_copy(buf1, acc.at[dstv.at[ch - 1]], sems1, add=True)
        ws(buf1, sems1)
        return carry

    lax.fori_loop(0, nrows // ch, chunk, 0)


CH_ES = 40
CH_CS = 40


def _scratch(ch):
    return [
        pltpu.VMEM((ch, EBLK), jnp.int32),
        pltpu.VMEM((ch, EBLK), jnp.int32),
        pltpu.VMEM((EBLK, 128), jnp.float32),
        pltpu.VMEM((EBLK, 128), jnp.float32),
        pltpu.VMEM_SHARED((ACC_ROWS, 128), jnp.float32),
        pltpu.SemaphoreType.DMA,
        pltpu.SemaphoreType.DMA,
        pltpu.SemaphoreType.DMA,
        pltpu.SemaphoreType.DMA,
    ]


def _agg_es_body(tbl_hbm, src_hbm, dst_hbm, zeros_hbm, out_hbm,
                 srcv, dstv, buf0, buf1, acc, semg0, semg1, sems0, sems1):
    c = lax.axis_index("c")
    s = lax.axis_index("s")
    rpt = ROWS_ALL // 32
    pltpu.sync_copy(zeros_hbm.at[pl.ds(s * ZROWS, ZROWS)],
                    acc.at[pl.ds(s * ZROWS, ZROWS)])
    plsc.subcore_barrier()
    base = (c * TILES + s) * rpt
    _agg_pipeline(CH_ES, tbl_hbm, src_hbm, dst_hbm, base, base, rpt,
                  srcv, dstv, buf0, buf1, acc, semg0, semg1, sems0, sems1)
    plsc.subcore_barrier()
    pltpu.sync_copy(acc.at[pl.ds(s * ZROWS, ZROWS)],
                    out_hbm.at[c].at[pl.ds(s * ZROWS, ZROWS)])


@functools.cache
def _agg_es_call():
    return functools.partial(
        pl.kernel,
        mesh=_mesh(),
        out_type=jax.ShapeDtypeStruct((2, ACC_ROWS, 128), jnp.float32),
        scratch_types=_scratch(CH_ES),
    )(_agg_es_body)


def _agg_cs_body(tbl_hbm, src_hbm, dst_hbm, zeros_hbm, out_hbm,
                 srcv, dstv, buf0, buf1, acc, semg0, semg1, sems0, sems1):
    c = lax.axis_index("c")
    s = lax.axis_index("s")
    rpt = ROWS_ALL // TILES
    pltpu.sync_copy(zeros_hbm.at[pl.ds(s * ZROWS, ZROWS)],
                    acc.at[pl.ds(s * ZROWS, ZROWS)])
    plsc.subcore_barrier()
    _agg_pipeline(CH_CS, tbl_hbm, src_hbm.at[c], dst_hbm, s * rpt, s * rpt,
                  rpt, srcv, dstv, buf0, buf1, acc, semg0, semg1, sems0, sems1)
    plsc.subcore_barrier()
    pltpu.sync_copy(acc.at[pl.ds(s * ZROWS, ZROWS)],
                    out_hbm.at[c].at[pl.ds(s * ZROWS, ZROWS)])


@functools.cache
def _agg_cs_call():
    return functools.partial(
        pl.kernel,
        mesh=_mesh(),
        out_type=jax.ShapeDtypeStruct((2, ACC_ROWS, 128), jnp.float32),
        scratch_types=_scratch(CH_CS),
    )(_agg_cs_body)



def _prep_body(deg_ref, x_ref, dinv_ref, z_ref):
    deg = deg_ref[0, :, 0:1] + deg_ref[1, :, 0:1] + 1.0
    dinv = lax.rsqrt(deg)
    dinv_ref[...] = jnp.broadcast_to(dinv, (ROW_BLK, 128))
    z_ref[...] = dinv * x_ref[...]


def _prep_call(degp, x):
    return pl.pallas_call(
        _prep_body,
        grid=(GRID,),
        in_specs=[
            pl.BlockSpec((2, ROW_BLK, 128), lambda i: (0, i, 0)),
            pl.BlockSpec((ROW_BLK, 128), lambda i: (i, 0)),
        ],
        out_specs=[
            pl.BlockSpec((ROW_BLK, 128), lambda i: (i, 0)),
            pl.BlockSpec((ROW_BLK, 128), lambda i: (i, 0)),
        ],
        out_shape=[
            jax.ShapeDtypeStruct((NN, 128), jnp.float32),
            jax.ShapeDtypeStruct((NN, 128), jnp.float32),
        ],
    )(degp, x)


def _layer1_body(acc_ref, z_ref, dinv_ref, w_ref, b_ref, out_ref):
    dinv = dinv_ref[:, 0:1]
    u = dinv * (acc_ref[0] + acc_ref[1] + z_ref[...])
    pre = jnp.dot(u, w_ref[...], preferred_element_type=jnp.float32) + b_ref[0]
    gn = dinv * jnp.maximum(pre, 0.0)
    out_ref[0] = gn[:, :128]
    out_ref[1] = gn[:, 128:]


def _layer1_call(acc, z, dinv128, w, b8):
    return pl.pallas_call(
        _layer1_body,
        grid=(GRID,),
        in_specs=[
            pl.BlockSpec((2, ROW_BLK, 128), lambda i: (0, i, 0)),
            pl.BlockSpec((ROW_BLK, 128), lambda i: (i, 0)),
            pl.BlockSpec((ROW_BLK, 128), lambda i: (i, 0)),
            pl.BlockSpec((128, HID), lambda i: (0, 0)),
            pl.BlockSpec((8, HID), lambda i: (0, 0)),
        ],
        out_specs=pl.BlockSpec((2, ROW_BLK, 128), lambda i: (0, i, 0)),
        out_shape=jax.ShapeDtypeStruct((2, NN, 128), jnp.float32),
    )(acc, z, dinv128, w, b8)


def _layer2_body(acc_ref, g_ref, dinv_ref, w_ref, b_ref, out_ref):
    dinv = dinv_ref[:, 0:1]
    u0 = dinv * (acc_ref[0] + g_ref[0])
    u1 = dinv * (acc_ref[1] + g_ref[1])
    pre = (jnp.dot(u0, w_ref[0], preferred_element_type=jnp.float32)
           + jnp.dot(u1, w_ref[1], preferred_element_type=jnp.float32)
           + b_ref[0])
    gn = dinv * jnp.maximum(pre, 0.0)
    out_ref[0] = gn[:, :128]
    out_ref[1] = gn[:, 128:]


def _layer2_call(acc, g, dinv128, w2, b8):
    return pl.pallas_call(
        _layer2_body,
        grid=(GRID,),
        in_specs=[
            pl.BlockSpec((2, ROW_BLK, 128), lambda i: (0, i, 0)),
            pl.BlockSpec((2, ROW_BLK, 128), lambda i: (0, i, 0)),
            pl.BlockSpec((ROW_BLK, 128), lambda i: (i, 0)),
            pl.BlockSpec((2, 128, HID), lambda i: (0, 0, 0)),
            pl.BlockSpec((8, HID), lambda i: (0, 0)),
        ],
        out_specs=pl.BlockSpec((2, ROW_BLK, 128), lambda i: (0, i, 0)),
        out_shape=jax.ShapeDtypeStruct((2, NN, 128), jnp.float32),
    )(acc, g, dinv128, w2, b8)


def _final_body(acc_ref, g_ref, dinv_ref, w_ref, b_ref, batch_ref,
                wf1_ref, bf1_ref, wf2_ref, bf2_ref,
                sums_ref, counts_ref, out_ref):
    i = pl.program_id(0)
    dinv = dinv_ref[:, 0:1]
    u0 = dinv * (acc_ref[0] + g_ref[0])
    u1 = dinv * (acc_ref[1] + g_ref[1])
    pre = (jnp.dot(u0, w_ref[0], preferred_element_type=jnp.float32)
           + jnp.dot(u1, w_ref[1], preferred_element_type=jnp.float32)
           + b_ref[0])
    h = jnp.maximum(pre, 0.0)
    seg = batch_ref[:, 0:1]
    gid = lax.broadcasted_iota(jnp.int32, (ROW_BLK, NG), 1)
    mask = (seg == gid).astype(jnp.float32)
    psum = lax.dot_general(mask, h, (((0,), (0,)), ((), ())),
                           preferred_element_type=jnp.float32)
    pcnt = lax.dot_general(mask, jnp.ones((ROW_BLK, HID), jnp.float32),
                           (((0,), (0,)), ((), ())),
                           preferred_element_type=jnp.float32)

    @pl.when(i == 0)
    def _():
        sums_ref[...] = jnp.zeros_like(sums_ref)
        counts_ref[...] = jnp.zeros_like(counts_ref)
        out_ref[...] = jnp.zeros_like(out_ref)

    sums_ref[...] += psum
    counts_ref[...] += pcnt

    @pl.when(i == GRID - 1)
    def _():
        pooled = sums_ref[...] / jnp.maximum(counts_ref[...], 1.0)
        t = jnp.maximum(
            jnp.dot(pooled, wf1_ref[...], preferred_element_type=jnp.float32)
            + bf1_ref[0], 0.0)
        out_ref[...] = (jnp.dot(t, wf2_ref[...],
                                preferred_element_type=jnp.float32)
                        + bf2_ref[0, 0])


def _final_call(acc, g, dinv128, w2, b8, batchr, wf1p, bf1p, wf2p, bf2p):
    return pl.pallas_call(
        _final_body,
        grid=(GRID,),
        in_specs=[
            pl.BlockSpec((2, ROW_BLK, 128), lambda i: (0, i, 0)),
            pl.BlockSpec((2, ROW_BLK, 128), lambda i: (0, i, 0)),
            pl.BlockSpec((ROW_BLK, 128), lambda i: (i, 0)),
            pl.BlockSpec((2, 128, HID), lambda i: (0, 0, 0)),
            pl.BlockSpec((8, HID), lambda i: (0, 0)),
            pl.BlockSpec((ROW_BLK, 128), lambda i: (i, 0)),
            pl.BlockSpec((HID, 128), lambda i: (0, 0)),
            pl.BlockSpec((8, 128), lambda i: (0, 0)),
            pl.BlockSpec((128, 128), lambda i: (0, 0)),
            pl.BlockSpec((8, 128), lambda i: (0, 0)),
        ],
        out_specs=[
            pl.BlockSpec((NG, HID), lambda i: (0, 0)),
            pl.BlockSpec((NG, HID), lambda i: (0, 0)),
            pl.BlockSpec((NG, 128), lambda i: (0, 0)),
        ],
        out_shape=[
            jax.ShapeDtypeStruct((NG, HID), jnp.float32),
            jax.ShapeDtypeStruct((NG, HID), jnp.float32),
            jax.ShapeDtypeStruct((NG, 128), jnp.float32),
        ],
    )(acc, g, dinv128, w2, b8, batchr, wf1p, bf1p, wf2p, bf2p)



def kernel(x, edge_index, batch, W1, b1, W2, b2, W3, b3, Wf1, bf1, Wf2, bf2):
    f32 = jnp.float32
    src = edge_index[0].astype(jnp.int32)
    dst = edge_index[1].astype(jnp.int32)
    pad = E_PAD - NE
    iota = jnp.arange(pad, dtype=jnp.int32)
    src_p = jnp.concatenate(
        [src, iota % NN]).reshape(ROWS_ALL, EBLK)
    dst_p = jnp.concatenate(
        [dst, NN + (iota % (ACC_ROWS - NN))]).reshape(ROWS_ALL, EBLK)
    src2 = jnp.stack([src_p, src_p + NN])

    zeros128 = jnp.zeros((ACC_ROWS, 128), f32)
    ones128 = jnp.ones((EBLK, 128), f32)

    def b8(b):
        return jnp.broadcast_to(b[None, :], (8, b.shape[0]))

    batchr = jnp.broadcast_to(batch.astype(jnp.int32)[:, None], (NN, 128))
    wf1p = jnp.pad(Wf1, ((0, 0), (0, 128 - Wf1.shape[1])))
    bf1p = b8(jnp.pad(bf1, (0, 128 - bf1.shape[0])))
    wf2p = jnp.pad(Wf2, ((0, 128 - Wf2.shape[0]), (0, 128 - Wf2.shape[1])))
    bf2p = b8(jnp.broadcast_to(bf2, (128,)))

    degp = _deg_call()(dst_p, ones128, zeros128)
    dinv128, z = _prep_call(degp, x)

    acc1 = _agg_es_call()(z, src_p, dst_p, zeros128)
    g2 = _layer1_call(acc1, z, dinv128, W1, b8(b1))

    acc2 = _agg_cs_call()(g2.reshape(2 * NN, 128), src2, dst_p, zeros128)
    g3 = _layer2_call(acc2, g2, dinv128, W2.reshape(2, 128, HID), b8(b2))

    acc3 = _agg_cs_call()(g3.reshape(2 * NN, 128), src2, dst_p, zeros128)
    _, _, out = _final_call(acc3, g3, dinv128, W3.reshape(2, 128, HID),
                            b8(b3), batchr, wf1p, bf1p, wf2p, bf2p)
    return out[:, 0]

# --- scband reference (transcript-rebuilt; emitter-appended) ---
"""Pipeline reference for scband-gnn-12369505813134 (READ-ONLY COPY).

The authoritative reference and input builder live on the scoring server;
editing this copy changes nothing except your own understanding.
"""

import jax, jax.numpy as jnp
import numpy as np

N_NODES = 10000
N_EDGES = 320000
N_GRAPHS = 64
IN_DIM = 128
HID = 256


def gcn_conv(x, W, b, src, dst, n):
    # PyG GCNConv: linear transform, add self-loops, symmetric normalization, scatter-add
    h = x @ W
    loop = jnp.arange(n, dtype=src.dtype)
    src_sl = jnp.concatenate([src, loop])
    dst_sl = jnp.concatenate([dst, loop])
    deg = jnp.zeros((n,), dtype=h.dtype).at[dst_sl].add(1.0)
    dinv = jnp.where(deg > 0, deg ** -0.5, 0.0)
    norm = dinv[src_sl] * dinv[dst_sl]
    msg = h[src_sl] * norm[:, None]
    out = jax.ops.segment_sum(msg, dst_sl, num_segments=n)
    return out + b


def setup_inputs(seed: int = 0) -> dict:
    key = jax.random.key(seed)
    ks = jax.random.split(key, 16)
    x = jax.random.normal(ks[0], (N_NODES, IN_DIM), dtype=jnp.float32)
    edge_index = jax.random.randint(ks[1], (2, N_EDGES), 0, N_NODES, dtype=jnp.int64)
    batch = jnp.sort(jax.random.randint(ks[2], (N_NODES,), 0, N_GRAPHS, dtype=jnp.int64))
    def glorot(k, fan_in, fan_out):
        s = (6.0 / (fan_in + fan_out)) ** 0.5
        return jax.random.uniform(k, (fan_in, fan_out), dtype=jnp.float32, minval=-s, maxval=s)
    W1 = glorot(ks[3], IN_DIM, HID); b1 = jnp.zeros((HID,), jnp.float32)
    W2 = glorot(ks[4], HID, HID); b2 = jnp.zeros((HID,), jnp.float32)
    W3 = glorot(ks[5], HID, HID); b3 = jnp.zeros((HID,), jnp.float32)
    Wf1 = glorot(ks[6], HID, 32); bf1 = jnp.zeros((32,), jnp.float32)
    Wf2 = glorot(ks[7], 32, 1); bf2 = jnp.zeros((1,), jnp.float32)
    return {"x": x, "edge_index": edge_index, "batch": batch,
            "W1": W1, "b1": b1, "W2": W2, "b2": b2, "W3": W3, "b3": b3,
            "Wf1": Wf1, "bf1": bf1, "Wf2": Wf2, "bf2": bf2}


def reference(x, edge_index, batch, W1, b1, W2, b2, W3, b3, Wf1, bf1, Wf2, bf2):
    src, dst = edge_index[0], edge_index[1]
    h = jax.nn.relu(gcn_conv(x, W1, b1, src, dst, N_NODES))
    h = jax.nn.relu(gcn_conv(h, W2, b2, src, dst, N_NODES))
    h = jax.nn.relu(gcn_conv(h, W3, b3, src, dst, N_NODES))
    # global_mean_pool over batch segment ids
    sums = jax.ops.segment_sum(h, batch, num_segments=N_GRAPHS)
    counts = jax.ops.segment_sum(jnp.ones((N_NODES,), h.dtype), batch, num_segments=N_GRAPHS)
    pooled = sums / jnp.clip(counts, 1.0)[:, None]
    out = jax.nn.relu(pooled @ Wf1 + bf1) @ Wf2 + bf2
    return out.squeeze()

if __name__ == "__main__":
    import jax
    _d = setup_inputs()
    print(jax.jit(kernel)(*tuple(_d.values())))

</pallas_src>

<mosaic_0001>
#map = affine_map<(d0, d1) -> (0, 0)>
#map1 = affine_map<(d0, d1) -> (0, 0, 0)>
module attributes {stable_mosaic.version = 14 : i64} {
  func.func @_agg_es_body(%arg0: i32, %arg1: i32, %arg2: memref<10000x128xf32, #tpu.memory_space<hbm>>, %arg3: memref<2560x128xi32, #tpu.memory_space<hbm>>, %arg4: memref<2560x128xi32, #tpu.memory_space<hbm>>, %arg5: memref<10240x128xf32, #tpu.memory_space<hbm>>, %arg6: memref<2x10240x128xf32, #tpu.memory_space<hbm>>, %arg7: memref<40x128xi32, #tpu.memory_space<vmem>>, %arg8: memref<40x128xi32, #tpu.memory_space<vmem>>, %arg9: memref<128x128xf32, #tpu.memory_space<vmem>>, %arg10: memref<128x128xf32, #tpu.memory_space<vmem>>, %arg11: memref<10240x128xf32, #tpu.memory_space<vmem_shared>>, %arg12: memref<!tpu.dma_semaphore, #tpu.memory_space<semaphore_mem>>, %arg13: memref<!tpu.dma_semaphore, #tpu.memory_space<semaphore_mem>>, %arg14: memref<!tpu.dma_semaphore, #tpu.memory_space<semaphore_mem>>, %arg15: memref<!tpu.dma_semaphore, #tpu.memory_space<semaphore_mem>>) attributes {dimension_semantics = [#tpu.dimension_semantics<core_parallel>, #tpu.dimension_semantics<subcore_parallel>], iteration_bounds = array<i64: 2, 16>, scalar_prefetch = 0 : i64, scratch_operands = 9 : i64, tpu.core_type = #tpu.core_type<sc_vector_subcore>, window_params = [{transform_indices = #map}, {transform_indices = #map}, {transform_indices = #map}, {transform_indices = #map}, {transform_indices = #map1}]} {
    %mul3A = arith.constant 640 : i32
    %mul3A_0 = arith.muli %arg1, %mul3A : i32
    %mul3A_1 = arith.constant 640 : i32
    %mul3A_2 = arith.muli %arg1, %mul3A_1 : i32
    "tpu.region"() ({
      %run_scoped3A = tpu.sem_alloc : memref<!tpu.dma_semaphore, #tpu.memory_space<semaphore_mem>>
      %dma_start3A = arith.constant 0 : i32
      %dma_start3A_17 = tpu.memref_slice %arg11[%mul3A_2, %dma_start3A] : memref<10240x128xf32, #tpu.memory_space<vmem_shared>> -> memref<640x128xf32, #tpu.memory_space<vmem_shared>>
      %dma_start3A_18 = arith.constant 0 : i32
      %dma_start3A_19 = tpu.memref_slice %arg5[%mul3A_0, %dma_start3A_18] : memref<10240x128xf32, #tpu.memory_space<hbm>> -> memref<640x128xf32, #tpu.memory_space<hbm>>
      tpu.enqueue_dma source(%dma_start3A_19 : memref<640x128xf32, #tpu.memory_space<hbm>>) target(%dma_start3A_17 : memref<640x128xf32, #tpu.memory_space<vmem_shared>>) target_semaphore(%run_scoped3A : memref<!tpu.dma_semaphore, #tpu.memory_space<semaphore_mem>>)
      %dma_wait3A = arith.constant 0 : i32
      %dma_wait3A_20 = tpu.memref_slice %arg11[%mul3A_2, %dma_wait3A] : memref<10240x128xf32, #tpu.memory_space<vmem_shared>> -> memref<640x128xf32, #tpu.memory_space<vmem_shared>>
      %dma_wait3A_21 = arith.constant 0 : i32
      %dma_wait3A_22 = tpu.memref_slice %arg5[%mul3A_0, %dma_wait3A_21] : memref<10240x128xf32, #tpu.memory_space<hbm>> -> memref<640x128xf32, #tpu.memory_space<hbm>>
      tpu.wait_dma2 semaphore(%run_scoped3A : memref<!tpu.dma_semaphore, #tpu.memory_space<semaphore_mem>>) src(%dma_wait3A_22 : memref<640x128xf32, #tpu.memory_space<hbm>>) dst(%dma_wait3A_20 : memref<640x128xf32, #tpu.memory_space<vmem_shared>>)
      tpu.yield
    }) : () -> ()
    %barrier3A = arith.constant 0 : index
    tpu.barrier barrier_id(%barrier3A)
    %mul3A_3 = arith.constant 16 : i32
    %mul3A_4 = arith.muli %arg0, %mul3A_3 : i32
    %add3A = arith.addi %mul3A_4, %arg1 : i32
    %mul3A_5 = arith.constant 80 : i32
    %mul3A_6 = arith.muli %add3A, %mul3A_5 : i32
    %scan3A = arith.constant 0 : i32
    %scan3A_7 = arith.constant 0 : i32
    %scan3A_8 = arith.constant 2 : i32
    %scan3A_9 = arith.addi %scan3A_7, %scan3A_8 : i32
    %scan3A_10 = arith.constant 1 : i32
    scf.for %scan3A_17 = %scan3A_7 to %scan3A_9 step %scan3A_10  : i32 {
      %mul3A_18 = arith.constant 40 : i32
      %mul3A_19 = arith.muli %scan3A_17, %mul3A_18 : i32
      %add3A_20 = arith.addi %mul3A_6, %mul3A_19 : i32
      "tpu.region"() ({
        %run_scoped3A = tpu.sem_alloc : memref<!tpu.dma_semaphore, #tpu.memory_space<semaphore_mem>>
        %dma_start3A_84 = arith.constant 0 : i32
        %dma_start3A_85 = tpu.memref_slice %arg3[%add3A_20, %dma_start3A_84] : memref<2560x128xi32, #tpu.memory_space<hbm>> -> memref<40x128xi32, #tpu.memory_space<hbm>>
        %dma_start3A_86 = arith.constant 0 : i32
        %dma_start3A_87 = tpu.memref_slice %arg3[%add3A_20, %dma_start3A_86] : memref<2560x128xi32, #tpu.memory_space<hbm>> -> memref<40x128xi32, #tpu.memory_space<hbm>>
        tpu.enqueue_dma source(%dma_start3A_87 : memref<40x128xi32, #tpu.memory_space<hbm>>) target(%arg7 : memref<40x128xi32, #tpu.memory_space<vmem>>) target_semaphore(%run_scoped3A : memref<!tpu.dma_semaphore, #tpu.memory_space<semaphore_mem>>)
        %dma_wait3A_88 = arith.constant 0 : i32
        %dma_wait3A_89 = tpu.memref_slice %arg3[%add3A_20, %dma_wait3A_88] : memref<2560x128xi32, #tpu.memory_space<hbm>> -> memref<40x128xi32, #tpu.memory_space<hbm>>
        %dma_wait3A_90 = arith.constant 0 : i32
        %dma_wait3A_91 = tpu.memref_slice %arg3[%add3A_20, %dma_wait3A_90] : memref<2560x128xi32, #tpu.memory_space<hbm>> -> memref<40x128xi32, #tpu.memory_space<hbm>>
        tpu.wait_dma2 semaphore(%run_scoped3A : memref<!tpu.dma_semaphore, #tpu.memory_space<semaphore_mem>>) src(%dma_wait3A_91 : memref<40x128xi32, #tpu.memory_space<hbm>>) dst(%arg7 : memref<40x128xi32, #tpu.memory_space<vmem>>)
        tpu.yield
      }) : () -> ()
      %mul3A_21 = arith.constant 40 : i32
      %mul3A_22 = arith.muli %scan3A_17, %mul3A_21 : i32
      %add3A_23 = arith.addi %mul3A_6, %mul3A_22 : i32
      "tpu.region"() ({
        %run_scoped3A = tpu.sem_alloc : memref<!tpu.dma_semaphore, #tpu.memory_space<semaphore_mem>>
        %dma_start3A_84 = arith.constant 0 : i32
        %dma_start3A_85 = tpu.memref_slice %arg4[%add3A_23, %dma_start3A_84] : memref<2560x128xi32, #tpu.memory_space<hbm>> -> memref<40x128xi32, #tpu.memory_space<hbm>>
        %dma_start3A_86 = arith.constant 0 : i32
        %dma_start3A_87 = tpu.memref_slice %arg4[%add3A_23, %dma_start3A_86] : memref<2560x128xi32, #tpu.memory_space<hbm>> -> memref<40x128xi32, #tpu.memory_space<hbm>>
        tpu.enqueue_dma source(%dma_start3A_87 : memref<40x128xi32, #tpu.memory_space<hbm>>) target(%arg8 : memref<40x128xi32, #tpu.memory_space<vmem>>) target_semaphore(%run_scoped3A : memref<!tpu.dma_semaphore, #tpu.memory_space<semaphore_mem>>)
        %dma_wait3A_88 = arith.constant 0 : i32
        %dma_wait3A_89 = tpu.memref_slice %arg4[%add3A_23, %dma_wait3A_88] : memref<2560x128xi32, #tpu.memory_space<hbm>> -> memref<40x128xi32, #tpu.memory_space<hbm>>
        %dma_wait3A_90 = arith.constant 0 : i32
        %dma_wait3A_91 = tpu.memref_slice %arg4[%add3A_23, %dma_wait3A_90] : memref<2560x128xi32, #tpu.memory_space<hbm>> -> memref<40x128xi32, #tpu.memory_space<hbm>>
        tpu.wait_dma2 semaphore(%run_scoped3A : memref<!tpu.dma_semaphore, #tpu.memory_space<semaphore_mem>>) src(%dma_wait3A_91 : memref<40x128xi32, #tpu.memory_space<hbm>>) dst(%arg8 : memref<40x128xi32, #tpu.memory_space<vmem>>)
        tpu.yield
      }) : () -> ()
      %dma_start3A = arith.constant 0 : i32
      %dma_start3A_24 = arith.constant 0 : i32
      %dma_start3A_25 = tpu.memref_slice %arg7[%dma_start3A, %dma_start3A_24] : memref<40x128xi32, #tpu.memory_space<vmem>> -> memref<1x128xi32, #tpu.memory_space<vmem>>
      %dma_start3A_26 = tpu.memref_squeeze %dma_start3A_25 : memref<1x128xi32, #tpu.memory_space<vmem>> -> memref<128xi32, #tpu.memory_space<vmem>>
      %dma_start3A_27 = arith.constant 0 : i32
      %dma_start3A_28 = arith.constant 0 : i32
      %dma_start3A_29 = tpu.memref_slice %arg2[%dma_start3A_27, %dma_start3A_28] : memref<10000x128xf32, #tpu.memory_space<hbm>> -> memref<10000x128xf32, #tpu.memory_space<hbm>>
      tpu.enqueue_indirect_dma source(%dma_start3A_29 : memref<10000x128xf32, #tpu.memory_space<hbm>>) target(%arg9 : memref<128x128xf32, #tpu.memory_space<vmem>>) offsets(%dma_start3A_26 : memref<128xi32, #tpu.memory_space<vmem>>) semaphore(%arg12 : memref<!tpu.dma_semaphore, #tpu.memory_space<semaphore_mem>>)
      %dma_wait3A = arith.constant 0 : i32
      %dma_wait3A_30 = arith.constant 0 : i32
      %dma_wait3A_31 = tpu.memref_slice %arg7[%dma_wait3A, %dma_wait3A_30] : memref<40x128xi32, #tpu.memory_space<vmem>> -> memref<1x128xi32, #tpu.memory_space<vmem>>
      %dma_wait3A_32 = tpu.memref_squeeze %dma_wait3A_31 : memref<1x128xi32, #tpu.memory_space<vmem>> -> memref<128xi32, #tpu.memory_space<vmem>>
      %dma_wait3A_33 = arith.constant 0 : i32
      %dma_wait3A_34 = arith.constant 0 : i32
      %dma_wait3A_35 = tpu.memref_slice %arg2[%dma_wait3A_33, %dma_wait3A_34] : memref<10000x128xf32, #tpu.memory_space<hbm>> -> memref<10000x128xf32, #tpu.memory_space<hbm>>
      tpu.wait_indirect_dma semaphore(%arg12 : memref<!tpu.dma_semaphore, #tpu.memory_space<semaphore_mem>>) src(%dma_wait3A_35 : memref<10000x128xf32, #tpu.memory_space<hbm>>) dst(%arg9 : memref<128x128xf32, #tpu.memory_space<vmem>>)
      %dma_start3A_36 = arith.constant 0 : i32
      %dma_start3A_37 = arith.constant 0 : i32
      %dma_start3A_38 = tpu.memref_slice %arg8[%dma_start3A_36, %dma_start3A_37] : memref<40x128xi32, #tpu.memory_space<vmem>> -> memref<1x128xi32, #tpu.memory_space<vmem>>
      %dma_start3A_39 = tpu.memref_squeeze %dma_start3A_38 : memref<1x128xi32, #tpu.memory_space<vmem>> -> memref<128xi32, #tpu.memory_space<vmem>>
      %dma_start3A_40 = arith.constant 0 : i32
      %dma_start3A_41 = arith.constant 0 : i32
      %dma_start3A_42 = tpu.memref_slice %arg11[%dma_start3A_40, %dma_start3A_41] : memref<10240x128xf32, #tpu.memory_space<vmem_shared>> -> memref<10240x128xf32, #tpu.memory_space<vmem_shared>>
      tpu.enqueue_indirect_dma source(%arg9 : memref<128x128xf32, #tpu.memory_space<vmem>>) target(%dma_start3A_42 : memref<10240x128xf32, #tpu.memory_space<vmem_shared>>) offsets(%dma_start3A_39 : memref<128xi32, #tpu.memory_space<vmem>>) semaphore(%arg14 : memref<!tpu.dma_semaphore, #tpu.memory_space<semaphore_mem>>) {add = true}
      %dma_start3A_43 = arith.constant 1 : i32
      %dma_start3A_44 = arith.constant 0 : i32
      %dma_start3A_45 = tpu.memref_slice %arg7[%dma_start3A_43, %dma_start3A_44] : memref<40x128xi32, #tpu.memory_space<vmem>> -> memref<1x128xi32, #tpu.memory_space<vmem>>
      %dma_start3A_46 = tpu.memref_squeeze %dma_start3A_45 : memref<1x128xi32, #tpu.memory_space<vmem>> -> memref<128xi32, #tpu.memory_space<vmem>>
      %dma_start3A_47 = arith.constant 0 : i32
      %dma_start3A_48 = arith.constant 0 : i32
      %dma_start3A_49 = tpu.memref_slice %arg2[%dma_start3A_47, %dma_start3A_48] : memref<10000x128xf32, #tpu.memory_space<hbm>> -> memref<10000x128xf32, #tpu.memory_space<hbm>>
      tpu.enqueue_indirect_dma source(%dma_start3A_49 : memref<10000x128xf32, #tpu.memory_space<hbm>>) target(%arg10 : memref<128x128xf32, #tpu.memory_space<vmem>>) offsets(%dma_start3A_46 : memref<128xi32, #tpu.memory_space<vmem>>) semaphore(%arg13 : memref<!tpu.dma_semaphore, #tpu.memory_space<semaphore_mem>>)
      %scan3A_50 = arith.constant 0 : i32
      %scan3A_51 = arith.constant 0 : i32
      %scan3A_52 = arith.constant 19 : i32
      %scan3A_53 = arith.addi %scan3A_51, %scan3A_52 : i32
      %scan3A_54 = arith.constant 1 : i32
      scf.for %scan3A_84 = %scan3A_51 to %scan3A_53 step %scan3A_54  : i32 {
        %mul3A_85 = arith.constant 2 : i32
        %mul3A_86 = arith.muli %mul3A_85, %scan3A_84 : i32
        %add3A_87 = arith.constant 1 : i32
        %add3A_88 = arith.addi %mul3A_86, %add3A_87 : i32
        %dma_wait3A_89 = arith.constant 0 : i32
        %dma_wait3A_90 = arith.constant 0 : i32
        %dma_wait3A_91 = tpu.memref_slice %arg7[%dma_wait3A_89, %dma_wait3A_90] : memref<40x128xi32, #tpu.memory_space<vmem>> -> memref<1x128xi32, #tpu.memory_space<vmem>>
        %dma_wait3A_92 = tpu.memref_squeeze %dma_wait3A_91 : memref<1x128xi32, #tpu.memory_space<vmem>> -> memref<128xi32, #tpu.memory_space<vmem>>
        %dma_wait3A_93 = arith.constant 0 : i32
        %dma_wait3A_94 = arith.constant 0 : i32
        %dma_wait3A_95 = tpu.memref_slice %arg2[%dma_wait3A_93, %dma_wait3A_94] : memref<10000x128xf32, #tpu.memory_space<hbm>> -> memref<10000x128xf32, #tpu.memory_space<hbm>>
        tpu.wait_indirect_dma semaphore(%arg13 : memref<!tpu.dma_semaphore, #tpu.memory_space<semaphore_mem>>) src(%dma_wait3A_95 : memref<10000x128xf32, #tpu.memory_space<hbm>>) dst(%arg10 : memref<128x128xf32, #tpu.memory_space<vmem>>)
        %dma_wait3A_96 = arith.constant 0 : i32
        %dma_wait3A_97 = arith.constant 0 : i32
        %dma_wait3A_98 = tpu.memref_slice %arg8[%dma_wait3A_96, %dma_wait3A_97] : memref<40x128xi32, #tpu.memory_space<vmem>> -> memref<1x128xi32, #tpu.memory_space<vmem>>
        %dma_wait3A_99 = tpu.memref_squeeze %dma_wait3A_98 : memref<1x128xi32, #tpu.memory_space<vmem>> -> memref<128xi32, #tpu.memory_space<vmem>>
        %dma_wait3A_100 = arith.constant 0 : i32
        %dma_wait3A_101 = arith.constant 0 : i32
        %dma_wait3A_102 = tpu.memref_slice %arg11[%dma_wait3A_100, %dma_wait3A_101] : memref<10240x128xf32, #tpu.memory_space<vmem_shared>> -> memref<10240x128xf32, #tpu.memory_space<vmem_shared>>
        tpu.wait_indirect_dma semaphore(%arg14 : memref<!tpu.dma_semaphore, #tpu.memory_space<semaphore_mem>>) src(%arg9 : memref<128x128xf32, #tpu.memory_space<vmem>>) dst(%dma_wait3A_102 : memref<10240x128xf32, #tpu.memory_space<vmem_shared>>)
        %dma_start3A_103 = arith.constant 0 : i32
        %dma_start3A_104 = tpu.memref_slice %arg8[%add3A_88, %dma_start3A_103] : memref<40x128xi32, #tpu.memory_space<vmem>> -> memref<1x128xi32, #tpu.memory_space<vmem>>
        %dma_start3A_105 = tpu.memref_squeeze %dma_start3A_104 : memref<1x128xi32, #tpu.memory_space<vmem>> -> memref<128xi32, #tpu.memory_space<vmem>>
        %dma_start3A_106 = arith.constant 0 : i32
        %dma_start3A_107 = arith.constant 0 : i32
        %dma_start3A_108 = tpu.memref_slice %arg11[%dma_start3A_106, %dma_start3A_107] : memref<10240x128xf32, #tpu.memory_space<vmem_shared>> -> memref<10240x128xf32, #tpu.memory_space<vmem_shared>>
        tpu.enqueue_indirect_dma source(%arg10 : memref<128x128xf32, #tpu.memory_space<vmem>>) target(%dma_start3A_108 : memref<10240x128xf32, #tpu.memory_space<vmem_shared>>) offsets(%dma_start3A_105 : memref<128xi32, #tpu.memory_space<vmem>>) semaphore(%arg15 : memref<!tpu.dma_semaphore, #tpu.memory_space<semaphore_mem>>) {add = true}
        %add3A_109 = arith.constant 1 : i32
        %add3A_110 = arith.addi %add3A_88, %add3A_109 : i32
        %dma_start3A_111 = arith.constant 0 : i32
        %dma_start3A_112 = tpu.memref_slice %arg7[%add3A_110, %dma_start3A_111] : memref<40x128xi32, #tpu.memory_space<vmem>> -> memref<1x128xi32, #tpu.memory_space<vmem>>
        %dma_start3A_113 = tpu.memref_squeeze %dma_start3A_112 : memref<1x128xi32, #tpu.memory_space<vmem>> -> memref<128xi32, #tpu.memory_space<vmem>>
        %dma_start3A_114 = arith.constant 0 : i32
        %dma_start3A_115 = arith.constant 0 : i32
        %dma_start3A_116 = tpu.memref_slice %arg2[%dma_start3A_114, %dma_start3A_115] : memref<10000x128xf32, #tpu.memory_space<hbm>> -> memref<10000x128xf32, #tpu.memory_space<hbm>>
        tpu.enqueue_indirect_dma source(%dma_start3A_116 : memref<10000x128xf32, #tpu.memory_space<hbm>>) target(%arg9 : memref<128x128xf32, #tpu.memory_space<vmem>>) offsets(%dma_start3A_113 : memref<128xi32, #tpu.memory_space<vmem>>) semaphore(%arg12 : memref<!tpu.dma_semaphore, #tpu.memory_space<semaphore_mem>>)
        %dma_wait3A_117 = arith.constant 0 : i32
        %dma_wait3A_118 = arith.constant 0 : i32
        %dma_wait3A_119 = tpu.memref_slice %arg7[%dma_wait3A_117, %dma_wait3A_118] : memref<40x128xi32, #tpu.memory_space<vmem>> -> memref<1x128xi32, #tpu.memory_space<vmem>>
        %dma_wait3A_120 = tpu.memref_squeeze %dma_wait3A_119 : memref<1x128xi32, #tpu.memory_space<vmem>> -> memref<128xi32, #tpu.memory_space<vmem>>
        %dma_wait3A_121 = arith.constant 0 : i32
        %dma_wait3A_122 = arith.constant 0 : i32
        %dma_wait3A_123 = tpu.memref_slice %arg2[%dma_wait3A_121, %dma_wait3A_122] : memref<10000x128xf32, #tpu.memory_space<hbm>> -> memref<10000x128xf32, #tpu.memory_space<hbm>>
        tpu.wait_indirect_dma semaphore(%arg12 : memref<!tpu.dma_semaphore, #tpu.memory_space<semaphore_mem>>) src(%dma_wait3A_123 : memref<10000x128xf32, #tpu.memory_space<hbm>>) dst(%arg9 : memref<128x128xf32, #tpu.memory_space<vmem>>)
        %dma_wait3A_124 = arith.constant 0 : i32
        %dma_wait3A_125 = arith.constant 0 : i32
        %dma_wait3A_126 = tpu.memref_slice %arg8[%dma_wait3A_124, %dma_wait3A_125] : memref<40x128xi32, #tpu.memory_space<vmem>> -> memref<1x128xi32, #tpu.memory_space<vmem>>
        %dma_wait3A_127 = tpu.memref_squeeze %dma_wait3A_126 : memref<1x128xi32, #tpu.memory_space<vmem>> -> memref<128xi32, #tpu.memory_space<vmem>>
        %dma_wait3A_128 = arith.constant 0 : i32
        %dma_wait3A_129 = arith.constant 0 : i32
        %dma_wait3A_130 = tpu.memref_slice %arg11[%dma_wait3A_128, %dma_wait3A_129] : memref<10240x128xf32, #tpu.memory_space<vmem_shared>> -> memref<10240x128xf32, #tpu.memory_space<vmem_shared>>
        tpu.wait_indirect_dma semaphore(%arg15 : memref<!tpu.dma_semaphore, #tpu.memory_space<semaphore_mem>>) src(%arg10 : memref<128x128xf32, #tpu.memory_space<vmem>>) dst(%dma_wait3A_130 : memref<10240x128xf32, #tpu.memory_space<vmem_shared>>)
        %add3A_131 = arith.constant 1 : i32
        %add3A_132 = arith.addi %add3A_88, %add3A_131 : i32
        %dma_start3A_133 = arith.constant 0 : i32
        %dma_start3A_134 = tpu.memref_slice %arg8[%add3A_132, %dma_start3A_133] : memref<40x128xi32, #tpu.memory_space<vmem>> -> memref<1x128xi32, #tpu.memory_space<vmem>>
        %dma_start3A_135 = tpu.memref_squeeze %dma_start3A_134 : memref<1x128xi32, #tpu.memory_space<vmem>> -> memref<128xi32, #tpu.memory_space<vmem>>
        %dma_start3A_136 = arith.constant 0 : i32
        %dma_start3A_137 = arith.constant 0 : i32
        %dma_start3A_138 = tpu.memref_slice %arg11[%dma_start3A_136, %dma_start3A_137] : memref<10240x128xf32, #tpu.memory_space<vmem_shared>> -> memref<10240x128xf32, #tpu.memory_space<vmem_shared>>
        tpu.enqueue_indirect_dma source(%arg9 : memref<128x128xf32, #tpu.memory_space<vmem>>) target(%dma_start3A_138 : memref<10240x128xf32, #tpu.memory_space<vmem_shared>>) offsets(%dma_start3A_135 : memref<128xi32, #tpu.memory_space<vmem>>) semaphore(%arg14 : memref<!tpu.dma_semaphore, #tpu.memory_space<semaphore_mem>>) {add = true}
        %add3A_139 = arith.constant 2 : i32
        %add3A_140 = arith.addi %add3A_88, %add3A_139 : i32
        %dma_start3A_141 = arith.constant 0 : i32
        %dma_start3A_142 = tpu.memref_slice %arg7[%add3A_140, %dma_start3A_141] : memref<40x128xi32, #tpu.memory_space<vmem>> -> memref<1x128xi32, #tpu.memory_space<vmem>>
        %dma_start3A_143 = tpu.memref_squeeze %dma_start3A_142 : memref<1x128xi32, #tpu.memory_space<vmem>> -> memref<128xi32, #tpu.memory_space<vmem>>
        %dma_start3A_144 = arith.constant 0 : i32
        %dma_start3A_145 = arith.constant 0 : i32
        %dma_start3A_146 = tpu.memref_slice %arg2[%dma_start3A_144, %dma_start3A_145] : memref<10000x128xf32, #tpu.memory_space<hbm>> -> memref<10000x128xf32, #tpu.memory_space<hbm>>
        tpu.enqueue_indirect_dma source(%dma_start3A_146 : memref<10000x128xf32, #tpu.memory_space<hbm>>) target(%arg10 : memref<128x128xf32, #tpu.memory_space<vmem>>) offsets(%dma_start3A_143 : memref<128xi32, #tpu.memory_space<vmem>>) semaphore(%arg13 : memref<!tpu.dma_semaphore, #tpu.memory_space<semaphore_mem>>)
      }
      %scan3A_55 = arith.constant 19 : i32
      %dma_wait3A_56 = arith.constant 0 : i32
      %dma_wait3A_57 = arith.constant 0 : i32
      %dma_wait3A_58 = tpu.memref_slice %arg7[%dma_wait3A_56, %dma_wait3A_57] : memref<40x128xi32, #tpu.memory_space<vmem>> -> memref<1x128xi32, #tpu.memory_space<vmem>>
      %dma_wait3A_59 = tpu.memref_squeeze %dma_wait3A_58 : memref<1x128xi32, #tpu.memory_space<vmem>> -> memref<128xi32, #tpu.memory_space<vmem>>
      %dma_wait3A_60 = arith.constant 0 : i32
      %dma_wait3A_61 = arith.constant 0 : i32
      %dma_wait3A_62 = tpu.memref_slice %arg2[%dma_wait3A_60, %dma_wait3A_61] : memref<10000x128xf32, #tpu.memory_space<hbm>> -> memref<10000x128xf32, #tpu.memory_space<hbm>>
      tpu.wait_indirect_dma semaphore(%arg13 : memref<!tpu.dma_semaphore, #tpu.memory_space<semaphore_mem>>) src(%dma_wait3A_62 : memref<10000x128xf32, #tpu.memory_space<hbm>>) dst(%arg10 : memref<128x128xf32, #tpu.memory_space<vmem>>)
      %dma_wait3A_63 = arith.constant 0 : i32
      %dma_wait3A_64 = arith.constant 0 : i32
      %dma_wait3A_65 = tpu.memref_slice %arg8[%dma_wait3A_63, %dma_wait3A_64] : memref<40x128xi32, #tpu.memory_space<vmem>> -> memref<1x128xi32, #tpu.memory_space<vmem>>
      %dma_wait3A_66 = tpu.memref_squeeze %dma_wait3A_65 : memref<1x128xi32, #tpu.memory_space<vmem>> -> memref<128xi32, #tpu.memory_space<vmem>>
      %dma_wait3A_67 = arith.constant 0 : i32
      %dma_wait3A_68 = arith.constant 0 : i32
      %dma_wait3A_69 = tpu.memref_slice %arg11[%dma_wait3A_67, %dma_wait3A_68] : memref<10240x128xf32, #tpu.memory_space<vmem_shared>> -> memref<10240x128xf32, #tpu.memory_space<vmem_shared>>
      tpu.wait_indirect_dma semaphore(%arg14 : memref<!tpu.dma_semaphore, #tpu.memory_space<semaphore_mem>>) src(%arg9 : memref<128x128xf32, #tpu.memory_space<vmem>>) dst(%dma_wait3A_69 : memref<10240x128xf32, #tpu.memory_space<vmem_shared>>)
      %dma_start3A_70 = arith.constant 39 : i32
      %dma_start3A_71 = arith.constant 0 : i32
      %dma_start3A_72 = tpu.memref_slice %arg8[%dma_start3A_70, %dma_start3A_71] : memref<40x128xi32, #tpu.memory_space<vmem>> -> memref<1x128xi32, #tpu.memory_space<vmem>>
      %dma_start3A_73 = tpu.memref_squeeze %dma_start3A_72 : memref<1x128xi32, #tpu.memory_space<vmem>> -> memref<128xi32, #tpu.memory_space<vmem>>
      %dma_start3A_74 = arith.constant 0 : i32
      %dma_start3A_75 = arith.constant 0 : i32
      %dma_start3A_76 = tpu.memref_slice %arg11[%dma_start3A_74, %dma_start3A_75] : memref<10240x128xf32, #tpu.memory_space<vmem_shared>> -> memref<10240x128xf32, #tpu.memory_space<vmem_shared>>
      tpu.enqueue_indirect_dma source(%arg10 : memref<128x128xf32, #tpu.memory_space<vmem>>) target(%dma_start3A_76 : memref<10240x128xf32, #tpu.memory_space<vmem_shared>>) offsets(%dma_start3A_73 : memref<128xi32, #tpu.memory_space<vmem>>) semaphore(%arg15 : memref<!tpu.dma_semaphore, #tpu.memory_space<semaphore_mem>>) {add = true}
      %dma_wait3A_77 = arith.constant 0 : i32
      %dma_wait3A_78 = arith.constant 0 : i32
      %dma_wait3A_79 = tpu.memref_slice %arg8[%dma_wait3A_77, %dma_wait3A_78] : memref<40x128xi32, #tpu.memory_space<vmem>> -> memref<1x128xi32, #tpu.memory_space<vmem>>
      %dma_wait3A_80 = tpu.memref_squeeze %dma_wait3A_79 : memref<1x128xi32, #tpu.memory_space<vmem>> -> memref<128xi32, #tpu.memory_space<vmem>>
      %dma_wait3A_81 = arith.constant 0 : i32
      %dma_wait3A_82 = arith.constant 0 : i32
      %dma_wait3A_83 = tpu.memref_slice %arg11[%dma_wait3A_81, %dma_wait3A_82] : memref<10240x128xf32, #tpu.memory_space<vmem_shared>> -> memref<10240x128xf32, #tpu.memory_space<vmem_shared>>
      tpu.wait_indirect_dma semaphore(%arg15 : memref<!tpu.dma_semaphore, #tpu.memory_space<semaphore_mem>>) src(%arg10 : memref<128x128xf32, #tpu.memory_space<vmem>>) dst(%dma_wait3A_83 : memref<10240x128xf32, #tpu.memory_space<vmem_shared>>)
    }
    %scan3A_11 = arith.constant 2 : i32
    %barrier3A_12 = arith.constant 0 : index
    tpu.barrier barrier_id(%barrier3A_12)
    %mul3A_13 = arith.constant 640 : i32
    %mul3A_14 = arith.muli %arg1, %mul3A_13 : i32
    %mul3A_15 = arith.constant 640 : i32
    %mul3A_16 = arith.muli %arg1, %mul3A_15 : i32
    "tpu.region"() ({
      %run_scoped3A = tpu.sem_alloc : memref<!tpu.dma_semaphore, #tpu.memory_space<semaphore_mem>>
      %dma_start3A = arith.constant 0 : i32
      %dma_start3A_17 = arith.constant 0 : i32
      %dma_start3A_18 = tpu.memref_slice %arg6[%arg0, %dma_start3A, %dma_start3A_17] : memref<2x10240x128xf32, #tpu.memory_space<hbm>> -> memref<1x10240x128xf32, #tpu.memory_space<hbm>>
      %dma_start3A_19 = tpu.memref_squeeze %dma_start3A_18 : memref<1x10240x128xf32, #tpu.memory_space<hbm>> -> memref<10240x128xf32, #tpu.memory_space<hbm>>
      %dma_start3A_20 = arith.constant 0 : i32
      %dma_start3A_21 = tpu.memref_slice %dma_start3A_19[%mul3A_16, %dma_start3A_20] : memref<10240x128xf32, #tpu.memory_space<hbm>> -> memref<640x128xf32, #tpu.memory_space<hbm>>
      %dma_start3A_22 = arith.constant 0 : i32
      %dma_start3A_23 = tpu.memref_slice %arg11[%mul3A_14, %dma_start3A_22] : memref<10240x128xf32, #tpu.memory_space<vmem_shared>> -> memref<640x128xf32, #tpu.memory_space<vmem_shared>>
      tpu.enqueue_dma source(%dma_start3A_23 : memref<640x128xf32, #tpu.memory_space<vmem_shared>>) target(%dma_start3A_21 : memref<640x128xf32, #tpu.memory_space<hbm>>) target_semaphore(%run_scoped3A : memref<!tpu.dma_semaphore, #tpu.memory_space<semaphore_mem>>)
      %dma_wait3A = arith.constant 0 : i32
      %dma_wait3A_24 = arith.constant 0 : i32
      %dma_wait3A_25 = tpu.memref_slice %arg6[%arg0, %dma_wait3A, %dma_wait3A_24] : memref<2x10240x128xf32, #tpu.memory_space<hbm>> -> memref<1x10240x128xf32, #tpu.memory_space<hbm>>
      %dma_wait3A_26 = tpu.memref_squeeze %dma_wait3A_25 : memref<1x10240x128xf32, #tpu.memory_space<hbm>> -> memref<10240x128xf32, #tpu.memory_space<hbm>>
      %dma_wait3A_27 = arith.constant 0 : i32
      %dma_wait3A_28 = tpu.memref_slice %dma_wait3A_26[%mul3A_16, %dma_wait3A_27] : memref<10240x128xf32, #tpu.memory_space<hbm>> -> memref<640x128xf32, #tpu.memory_space<hbm>>
      %dma_wait3A_29 = arith.constant 0 : i32
      %dma_wait3A_30 = tpu.memref_slice %arg11[%mul3A_14, %dma_wait3A_29] : memref<10240x128xf32, #tpu.memory_space<vmem_shared>> -> memref<640x128xf32, #tpu.memory_space<vmem_shared>>
      tpu.wait_dma2 semaphore(%run_scoped3A : memref<!tpu.dma_semaphore, #tpu.memory_space<semaphore_mem>>) src(%dma_wait3A_30 : memref<640x128xf32, #tpu.memory_space<vmem_shared>>) dst(%dma_wait3A_28 : memref<640x128xf32, #tpu.memory_space<hbm>>)
      tpu.yield
    }) : () -> ()
    return
  }
}

#map = affine_map<(d0, d1) -> (0, 0)>
#map1 = affine_map<(d0, d1) -> (0, 0, 0)>
module attributes {stable_mosaic.version = 14 : i64} {
  func.func @_deg_body(%arg0: i32, %arg1: i32, %arg2: memref<2560x128xi32, #tpu.memory_space<hbm>>, %arg3: memref<128x128xf32, #tpu.memory_space<hbm>>, %arg4: memref<10240x128xf32, #tpu.memory_space<hbm>>, %arg5: memref<2x10240x128xf32, #tpu.memory_space<hbm>>, %arg6: memref<80x128xi32, #tpu.memory_space<vmem>>, %arg7: memref<128x128xf32, #tpu.memory_space<vmem>>, %arg8: memref<10240x128xf32, #tpu.memory_space<vmem_shared>>) attributes {dimension_semantics = [#tpu.dimension_semantics<core_parallel>, #tpu.dimension_semantics<subcore_parallel>], iteration_bounds = array<i64: 2, 16>, scalar_prefetch = 0 : i64, scratch_operands = 3 : i64, tpu.core_type = #tpu.core_type<sc_vector_subcore>, window_params = [{transform_indices = #map}, {transform_indices = #map}, {transform_indices = #map}, {transform_indices = #map1}]} {
    %mul3A = arith.constant 640 : i32
    %mul3A_0 = arith.muli %arg1, %mul3A : i32
    %mul3A_1 = arith.constant 640 : i32
    %mul3A_2 = arith.muli %arg1, %mul3A_1 : i32
    "tpu.region"() ({
      %run_scoped3A = tpu.sem_alloc : memref<!tpu.dma_semaphore, #tpu.memory_space<semaphore_mem>>
      %dma_start3A = arith.constant 0 : i32
      %dma_start3A_17 = tpu.memref_slice %arg8[%mul3A_2, %dma_start3A] : memref<10240x128xf32, #tpu.memory_space<vmem_shared>> -> memref<640x128xf32, #tpu.memory_space<vmem_shared>>
      %dma_start3A_18 = arith.constant 0 : i32
      %dma_start3A_19 = tpu.memref_slice %arg4[%mul3A_0, %dma_start3A_18] : memref<10240x128xf32, #tpu.memory_space<hbm>> -> memref<640x128xf32, #tpu.memory_space<hbm>>
      tpu.enqueue_dma source(%dma_start3A_19 : memref<640x128xf32, #tpu.memory_space<hbm>>) target(%dma_start3A_17 : memref<640x128xf32, #tpu.memory_space<vmem_shared>>) target_semaphore(%run_scoped3A : memref<!tpu.dma_semaphore, #tpu.memory_space<semaphore_mem>>)
      %dma_wait3A = arith.constant 0 : i32
      %dma_wait3A_20 = tpu.memref_slice %arg8[%mul3A_2, %dma_wait3A] : memref<10240x128xf32, #tpu.memory_space<vmem_shared>> -> memref<640x128xf32, #tpu.memory_space<vmem_shared>>
      %dma_wait3A_21 = arith.constant 0 : i32
      %dma_wait3A_22 = tpu.memref_slice %arg4[%mul3A_0, %dma_wait3A_21] : memref<10240x128xf32, #tpu.memory_space<hbm>> -> memref<640x128xf32, #tpu.memory_space<hbm>>
      tpu.wait_dma2 semaphore(%run_scoped3A : memref<!tpu.dma_semaphore, #tpu.memory_space<semaphore_mem>>) src(%dma_wait3A_22 : memref<640x128xf32, #tpu.memory_space<hbm>>) dst(%dma_wait3A_20 : memref<640x128xf32, #tpu.memory_space<vmem_shared>>)
      tpu.yield
    }) : () -> ()
    "tpu.region"() ({
      %run_scoped3A = tpu.sem_alloc : memref<!tpu.dma_semaphore, #tpu.memory_space<semaphore_mem>>
      tpu.enqueue_dma source(%arg3 : memref<128x128xf32, #tpu.memory_space<hbm>>) target(%arg7 : memref<128x128xf32, #tpu.memory_space<vmem>>) target_semaphore(%run_scoped3A : memref<!tpu.dma_semaphore, #tpu.memory_space<semaphore_mem>>)
      tpu.wait_dma2 semaphore(%run_scoped3A : memref<!tpu.dma_semaphore, #tpu.memory_space<semaphore_mem>>) src(%arg3 : memref<128x128xf32, #tpu.memory_space<hbm>>) dst(%arg7 : memref<128x128xf32, #tpu.memory_space<vmem>>)
      tpu.yield
    }) : () -> ()
    %mul3A_3 = arith.constant 16 : i32
    %mul3A_4 = arith.muli %arg0, %mul3A_3 : i32
    %add3A = arith.addi %mul3A_4, %arg1 : i32
    %mul3A_5 = arith.constant 80 : i32
    %mul3A_6 = arith.muli %add3A, %mul3A_5 : i32
    "tpu.region"() ({
      %run_scoped3A = tpu.sem_alloc : memref<!tpu.dma_semaphore, #tpu.memory_space<semaphore_mem>>
      %dma_start3A = arith.constant 0 : i32
      %dma_start3A_17 = tpu.memref_slice %arg2[%mul3A_6, %dma_start3A] : memref<2560x128xi32, #tpu.memory_space<hbm>> -> memref<80x128xi32, #tpu.memory_space<hbm>>
      %dma_start3A_18 = arith.constant 0 : i32
      %dma_start3A_19 = tpu.memref_slice %arg2[%mul3A_6, %dma_start3A_18] : memref<2560x128xi32, #tpu.memory_space<hbm>> -> memref<80x128xi32, #tpu.memory_space<hbm>>
      tpu.enqueue_dma source(%dma_start3A_19 : memref<80x128xi32, #tpu.memory_space<hbm>>) target(%arg6 : memref<80x128xi32, #tpu.memory_space<vmem>>) target_semaphore(%run_scoped3A : memref<!tpu.dma_semaphore, #tpu.memory_space<semaphore_mem>>)
      %dma_wait3A = arith.constant 0 : i32
      %dma_wait3A_20 = tpu.memref_slice %arg2[%mul3A_6, %dma_wait3A] : memref<2560x128xi32, #tpu.memory_space<hbm>> -> memref<80x128xi32, #tpu.memory_space<hbm>>
      %dma_wait3A_21 = arith.constant 0 : i32
      %dma_wait3A_22 = tpu.memref_slice %arg2[%mul3A_6, %dma_wait3A_21] : memref<2560x128xi32, #tpu.memory_space<hbm>> -> memref<80x128xi32, #tpu.memory_space<hbm>>
      tpu.wait_dma2 semaphore(%run_scoped3A : memref<!tpu.dma_semaphore, #tpu.memory_space<semaphore_mem>>) src(%dma_wait3A_22 : memref<80x128xi32, #tpu.memory_space<hbm>>) dst(%arg6 : memref<80x128xi32, #tpu.memory_space<vmem>>)
      tpu.yield
    }) : () -> ()
    %barrier3A = arith.constant 0 : index
    tpu.barrier barrier_id(%barrier3A)
    %scan3A = arith.constant 0 : i32
    %scan3A_7 = arith.constant 0 : i32
    %scan3A_8 = arith.constant 80 : i32
    %scan3A_9 = arith.addi %scan3A_7, %scan3A_8 : i32
    %scan3A_10 = arith.constant 1 : i32
    scf.for %scan3A_17 = %scan3A_7 to %scan3A_9 step %scan3A_10  : i32 {
      "tpu.region"() ({
        %run_scoped3A = tpu.sem_alloc : memref<!tpu.dma_semaphore, #tpu.memory_space<semaphore_mem>>
        %dma_start3A = arith.constant 0 : i32
        %dma_start3A_18 = tpu.memref_slice %arg6[%scan3A_17, %dma_start3A] : memref<80x128xi32, #tpu.memory_space<vmem>> -> memref<1x128xi32, #tpu.memory_space<vmem>>
        %dma_start3A_19 = tpu.memref_squeeze %dma_start3A_18 : memref<1x128xi32, #tpu.memory_space<vmem>> -> memref<128xi32, #tpu.memory_space<vmem>>
        %dma_start3A_20 = arith.constant 0 : i32
        %dma_start3A_21 = arith.constant 0 : i32
        %dma_start3A_22 = tpu.memref_slice %arg8[%dma_start3A_20, %dma_start3A_21] : memref<10240x128xf32, #tpu.memory_space<vmem_shared>> -> memref<10240x128xf32, #tpu.memory_space<vmem_shared>>
        tpu.enqueue_indirect_dma source(%arg7 : memref<128x128xf32, #tpu.memory_space<vmem>>) target(%dma_start3A_22 : memref<10240x128xf32, #tpu.memory_space<vmem_shared>>) offsets(%dma_start3A_19 : memref<128xi32, #tpu.memory_space<vmem>>) semaphore(%run_scoped3A : memref<!tpu.dma_semaphore, #tpu.memory_space<semaphore_mem>>) {add = true}
        %dma_wait3A = arith.constant 0 : i32
        %dma_wait3A_23 = tpu.memref_slice %arg6[%scan3A_17, %dma_wait3A] : memref<80x128xi32, #tpu.memory_space<vmem>> -> memref<1x128xi32, #tpu.memory_space<vmem>>
        %dma_wait3A_24 = tpu.memref_squeeze %dma_wait3A_23 : memref<1x128xi32, #tpu.memory_space<vmem>> -> memref<128xi32, #tpu.memory_space<vmem>>
        %dma_wait3A_25 = arith.constant 0 : i32
        %dma_wait3A_26 = arith.constant 0 : i32
        %dma_wait3A_27 = tpu.memref_slice %arg8[%dma_wait3A_25, %dma_wait3A_26] : memref<10240x128xf32, #tpu.memory_space<vmem_shared>> -> memref<10240x128xf32, #tpu.memory_space<vmem_shared>>
        tpu.wait_indirect_dma semaphore(%run_scoped3A : memref<!tpu.dma_semaphore, #tpu.memory_space<semaphore_mem>>) src(%arg7 : memref<128x128xf32, #tpu.memory_space<vmem>>) dst(%dma_wait3A_27 : memref<10240x128xf32, #tpu.memory_space<vmem_shared>>)
        tpu.yield
      }) : () -> ()
    }
    %scan3A_11 = arith.constant 80 : i32
    %barrier3A_12 = arith.constant 0 : index
    tpu.barrier barrier_id(%barrier3A_12)
    %mul3A_13 = arith.constant 640 : i32
    %mul3A_14 = arith.muli %arg1, %mul3A_13 : i32
    %mul3A_15 = arith.constant 640 : i32
    %mul3A_16 = arith.muli %arg1, %mul3A_15 : i32
    "tpu.region"() ({
      %run_scoped3A = tpu.sem_alloc : memref<!tpu.dma_semaphore, #tpu.memory_space<semaphore_mem>>
      %dma_start3A = arith.constant 0 : i32
      %dma_start3A_17 = arith.constant 0 : i32
      %dma_start3A_18 = tpu.memref_slice %arg5[%arg0, %dma_start3A, %dma_start3A_17] : memref<2x10240x128xf32, #tpu.memory_space<hbm>> -> memref<1x10240x128xf32, #tpu.memory_space<hbm>>
      %dma_start3A_19 = tpu.memref_squeeze %dma_start3A_18 : memref<1x10240x128xf32, #tpu.memory_space<hbm>> -> memref<10240x128xf32, #tpu.memory_space<hbm>>
      %dma_start3A_20 = arith.constant 0 : i32
      %dma_start3A_21 = tpu.memref_slice %dma_start3A_19[%mul3A_16, %dma_start3A_20] : memref<10240x128xf32, #tpu.memory_space<hbm>> -> memref<640x128xf32, #tpu.memory_space<hbm>>
      %dma_start3A_22 = arith.constant 0 : i32
      %dma_start3A_23 = tpu.memref_slice %arg8[%mul3A_14, %dma_start3A_22] : memref<10240x128xf32, #tpu.memory_space<vmem_shared>> -> memref<640x128xf32, #tpu.memory_space<vmem_shared>>
      tpu.enqueue_dma source(%dma_start3A_23 : memref<640x128xf32, #tpu.memory_space<vmem_shared>>) target(%dma_start3A_21 : memref<640x128xf32, #tpu.memory_space<hbm>>) target_semaphore(%run_scoped3A : memref<!tpu.dma_semaphore, #tpu.memory_space<semaphore_mem>>)
      %dma_wait3A = arith.constant 0 : i32
      %dma_wait3A_24 = arith.constant 0 : i32
      %dma_wait3A_25 = tpu.memref_slice %arg5[%arg0, %dma_wait3A, %dma_wait3A_24] : memref<2x10240x128xf32, #tpu.memory_space<hbm>> -> memref<1x10240x128xf32, #tpu.memory_space<hbm>>
      %dma_wait3A_26 = tpu.memref_squeeze %dma_wait3A_25 : memref<1x10240x128xf32, #tpu.memory_space<hbm>> -> memref<10240x128xf32, #tpu.memory_space<hbm>>
      %dma_wait3A_27 = arith.constant 0 : i32
      %dma_wait3A_28 = tpu.memref_slice %dma_wait3A_26[%mul3A_16, %dma_wait3A_27] : memref<10240x128xf32, #tpu.memory_space<hbm>> -> memref<640x128xf32, #tpu.memory_space<hbm>>
      %dma_wait3A_29 = arith.constant 0 : i32
      %dma_wait3A_30 = tpu.memref_slice %arg8[%mul3A_14, %dma_wait3A_29] : memref<10240x128xf32, #tpu.memory_space<vmem_shared>> -> memref<640x128xf32, #tpu.memory_space<vmem_shared>>
      tpu.wait_dma2 semaphore(%run_scoped3A : memref<!tpu.dma_semaphore, #tpu.memory_space<semaphore_mem>>) src(%dma_wait3A_30 : memref<640x128xf32, #tpu.memory_space<vmem_shared>>) dst(%dma_wait3A_28 : memref<640x128xf32, #tpu.memory_space<hbm>>)
      tpu.yield
    }) : () -> ()
    return
  }
}

#map = affine_map<(d0, d1) -> (0, 0)>
#map1 = affine_map<(d0, d1) -> (0, 0, 0)>
module attributes {stable_mosaic.version = 14 : i64} {
  func.func @_agg_cs_body(%arg0: i32, %arg1: i32, %arg2: memref<20000x128xf32, #tpu.memory_space<hbm>>, %arg3: memref<2x2560x128xi32, #tpu.memory_space<hbm>>, %arg4: memref<2560x128xi32, #tpu.memory_space<hbm>>, %arg5: memref<10240x128xf32, #tpu.memory_space<hbm>>, %arg6: memref<2x10240x128xf32, #tpu.memory_space<hbm>>, %arg7: memref<40x128xi32, #tpu.memory_space<vmem>>, %arg8: memref<40x128xi32, #tpu.memory_space<vmem>>, %arg9: memref<128x128xf32, #tpu.memory_space<vmem>>, %arg10: memref<128x128xf32, #tpu.memory_space<vmem>>, %arg11: memref<10240x128xf32, #tpu.memory_space<vmem_shared>>, %arg12: memref<!tpu.dma_semaphore, #tpu.memory_space<semaphore_mem>>, %arg13: memref<!tpu.dma_semaphore, #tpu.memory_space<semaphore_mem>>, %arg14: memref<!tpu.dma_semaphore, #tpu.memory_space<semaphore_mem>>, %arg15: memref<!tpu.dma_semaphore, #tpu.memory_space<semaphore_mem>>) attributes {dimension_semantics = [#tpu.dimension_semantics<core_parallel>, #tpu.dimension_semantics<subcore_parallel>], iteration_bounds = array<i64: 2, 16>, scalar_prefetch = 0 : i64, scratch_operands = 9 : i64, tpu.core_type = #tpu.core_type<sc_vector_subcore>, window_params = [{transform_indices = #map}, {transform_indices = #map1}, {transform_indices = #map}, {transform_indices = #map}, {transform_indices = #map1}]} {
    %mul3A = arith.constant 640 : i32
    %mul3A_0 = arith.muli %arg1, %mul3A : i32
    %mul3A_1 = arith.constant 640 : i32
    %mul3A_2 = arith.muli %arg1, %mul3A_1 : i32
    "tpu.region"() ({
      %run_scoped3A = tpu.sem_alloc : memref<!tpu.dma_semaphore, #tpu.memory_space<semaphore_mem>>
      %dma_start3A = arith.constant 0 : i32
      %dma_start3A_17 = tpu.memref_slice %arg11[%mul3A_2, %dma_start3A] : memref<10240x128xf32, #tpu.memory_space<vmem_shared>> -> memref<640x128xf32, #tpu.memory_space<vmem_shared>>
      %dma_start3A_18 = arith.constant 0 : i32
      %dma_start3A_19 = tpu.memref_slice %arg5[%mul3A_0, %dma_start3A_18] : memref<10240x128xf32, #tpu.memory_space<hbm>> -> memref<640x128xf32, #tpu.memory_space<hbm>>
      tpu.enqueue_dma source(%dma_start3A_19 : memref<640x128xf32, #tpu.memory_space<hbm>>) target(%dma_start3A_17 : memref<640x128xf32, #tpu.memory_space<vmem_shared>>) target_semaphore(%run_scoped3A : memref<!tpu.dma_semaphore, #tpu.memory_space<semaphore_mem>>)
      %dma_wait3A = arith.constant 0 : i32
      %dma_wait3A_20 = tpu.memref_slice %arg11[%mul3A_2, %dma_wait3A] : memref<10240x128xf32, #tpu.memory_space<vmem_shared>> -> memref<640x128xf32, #tpu.memory_space<vmem_shared>>
      %dma_wait3A_21 = arith.constant 0 : i32
      %dma_wait3A_22 = tpu.memref_slice %arg5[%mul3A_0, %dma_wait3A_21] : memref<10240x128xf32, #tpu.memory_space<hbm>> -> memref<640x128xf32, #tpu.memory_space<hbm>>
      tpu.wait_dma2 semaphore(%run_scoped3A : memref<!tpu.dma_semaphore, #tpu.memory_space<semaphore_mem>>) src(%dma_wait3A_22 : memref<640x128xf32, #tpu.memory_space<hbm>>) dst(%dma_wait3A_20 : memref<640x128xf32, #tpu.memory_space<vmem_shared>>)
      tpu.yield
    }) : () -> ()
    %barrier3A = arith.constant 0 : index
    tpu.barrier barrier_id(%barrier3A)
    %mul3A_3 = arith.constant 160 : i32
    %mul3A_4 = arith.muli %arg1, %mul3A_3 : i32
    %mul3A_5 = arith.constant 160 : i32
    %mul3A_6 = arith.muli %arg1, %mul3A_5 : i32
    %scan3A = arith.constant 0 : i32
    %scan3A_7 = arith.constant 0 : i32
    %scan3A_8 = arith.constant 4 : i32
    %scan3A_9 = arith.addi %scan3A_7, %scan3A_8 : i32
    %scan3A_10 = arith.constant 1 : i32
    scf.for %scan3A_17 = %scan3A_7 to %scan3A_9 step %scan3A_10  : i32 {
      %mul3A_18 = arith.constant 40 : i32
      %mul3A_19 = arith.muli %scan3A_17, %mul3A_18 : i32
      %add3A = arith.addi %mul3A_4, %mul3A_19 : i32
      "tpu.region"() ({
        %run_scoped3A = tpu.sem_alloc : memref<!tpu.dma_semaphore, #tpu.memory_space<semaphore_mem>>
        %dma_start3A_83 = arith.constant 0 : i32
        %dma_start3A_84 = arith.constant 0 : i32
        %dma_start3A_85 = tpu.memref_slice %arg3[%arg0, %dma_start3A_83, %dma_start3A_84] : memref<2x2560x128xi32, #tpu.memory_space<hbm>> -> memref<1x2560x128xi32, #tpu.memory_space<hbm>>
        %dma_start3A_86 = tpu.memref_squeeze %dma_start3A_85 : memref<1x2560x128xi32, #tpu.memory_space<hbm>> -> memref<2560x128xi32, #tpu.memory_space<hbm>>
        %dma_start3A_87 = arith.constant 0 : i32
        %dma_start3A_88 = tpu.memref_slice %dma_start3A_86[%add3A, %dma_start3A_87] : memref<2560x128xi32, #tpu.memory_space<hbm>> -> memref<40x128xi32, #tpu.memory_space<hbm>>
        %dma_start3A_89 = arith.constant 0 : i32
        %dma_start3A_90 = arith.constant 0 : i32
        %dma_start3A_91 = tpu.memref_slice %arg3[%arg0, %dma_start3A_89, %dma_start3A_90] : memref<2x2560x128xi32, #tpu.memory_space<hbm>> -> memref<1x2560x128xi32, #tpu.memory_space<hbm>>
        %dma_start3A_92 = tpu.memref_squeeze %dma_start3A_91 : memref<1x2560x128xi32, #tpu.memory_space<hbm>> -> memref<2560x128xi32, #tpu.memory_space<hbm>>
        %dma_start3A_93 = arith.constant 0 : i32
        %dma_start3A_94 = tpu.memref_slice %dma_start3A_92[%add3A, %dma_start3A_93] : memref<2560x128xi32, #tpu.memory_space<hbm>> -> memref<40x128xi32, #tpu.memory_space<hbm>>
        tpu.enqueue_dma source(%dma_start3A_94 : memref<40x128xi32, #tpu.memory_space<hbm>>) target(%arg7 : memref<40x128xi32, #tpu.memory_space<vmem>>) target_semaphore(%run_scoped3A : memref<!tpu.dma_semaphore, #tpu.memory_space<semaphore_mem>>)
        %dma_wait3A_95 = arith.constant 0 : i32
        %dma_wait3A_96 = arith.constant 0 : i32
        %dma_wait3A_97 = tpu.memref_slice %arg3[%arg0, %dma_wait3A_95, %dma_wait3A_96] : memref<2x2560x128xi32, #tpu.memory_space<hbm>> -> memref<1x2560x128xi32, #tpu.memory_space<hbm>>
        %dma_wait3A_98 = tpu.memref_squeeze %dma_wait3A_97 : memref<1x2560x128xi32, #tpu.memory_space<hbm>> -> memref<2560x128xi32, #tpu.memory_space<hbm>>
        %dma_wait3A_99 = arith.constant 0 : i32
        %dma_wait3A_100 = tpu.memref_slice %dma_wait3A_98[%add3A, %dma_wait3A_99] : memref<2560x128xi32, #tpu.memory_space<hbm>> -> memref<40x128xi32, #tpu.memory_space<hbm>>
        %dma_wait3A_101 = arith.constant 0 : i32
        %dma_wait3A_102 = arith.constant 0 : i32
        %dma_wait3A_103 = tpu.memref_slice %arg3[%arg0, %dma_wait3A_101, %dma_wait3A_102] : memref<2x2560x128xi32, #tpu.memory_space<hbm>> -> memref<1x2560x128xi32, #tpu.memory_space<hbm>>
        %dma_wait3A_104 = tpu.memref_squeeze %dma_wait3A_103 : memref<1x2560x128xi32, #tpu.memory_space<hbm>> -> memref<2560x128xi32, #tpu.memory_space<hbm>>
        %dma_wait3A_105 = arith.constant 0 : i32
        %dma_wait3A_106 = tpu.memref_slice %dma_wait3A_104[%add3A, %dma_wait3A_105] : memref<2560x128xi32, #tpu.memory_space<hbm>> -> memref<40x128xi32, #tpu.memory_space<hbm>>
        tpu.wait_dma2 semaphore(%run_scoped3A : memref<!tpu.dma_semaphore, #tpu.memory_space<semaphore_mem>>) src(%dma_wait3A_106 : memref<40x128xi32, #tpu.memory_space<hbm>>) dst(%arg7 : memref<40x128xi32, #tpu.memory_space<vmem>>)
        tpu.yield
      }) : () -> ()
      %mul3A_20 = arith.constant 40 : i32
      %mul3A_21 = arith.muli %scan3A_17, %mul3A_20 : i32
      %add3A_22 = arith.addi %mul3A_6, %mul3A_21 : i32
      "tpu.region"() ({
        %run_scoped3A = tpu.sem_alloc : memref<!tpu.dma_semaphore, #tpu.memory_space<semaphore_mem>>
        %dma_start3A_83 = arith.constant 0 : i32
        %dma_start3A_84 = tpu.memref_slice %arg4[%add3A_22, %dma_start3A_83] : memref<2560x128xi32, #tpu.memory_space<hbm>> -> memref<40x128xi32, #tpu.memory_space<hbm>>
        %dma_start3A_85 = arith.constant 0 : i32
        %dma_start3A_86 = tpu.memref_slice %arg4[%add3A_22, %dma_start3A_85] : memref<2560x128xi32, #tpu.memory_space<hbm>> -> memref<40x128xi32, #tpu.memory_space<hbm>>
        tpu.enqueue_dma source(%dma_start3A_86 : memref<40x128xi32, #tpu.memory_space<hbm>>) target(%arg8 : memref<40x128xi32, #tpu.memory_space<vmem>>) target_semaphore(%run_scoped3A : memref<!tpu.dma_semaphore, #tpu.memory_space<semaphore_mem>>)
        %dma_wait3A_87 = arith.constant 0 : i32
        %dma_wait3A_88 = tpu.memref_slice %arg4[%add3A_22, %dma_wait3A_87] : memref<2560x128xi32, #tpu.memory_space<hbm>> -> memref<40x128xi32, #tpu.memory_space<hbm>>
        %dma_wait3A_89 = arith.constant 0 : i32
        %dma_wait3A_90 = tpu.memref_slice %arg4[%add3A_22, %dma_wait3A_89] : memref<2560x128xi32, #tpu.memory_space<hbm>> -> memref<40x128xi32, #tpu.memory_space<hbm>>
        tpu.wait_dma2 semaphore(%run_scoped3A : memref<!tpu.dma_semaphore, #tpu.memory_space<semaphore_mem>>) src(%dma_wait3A_90 : memref<40x128xi32, #tpu.memory_space<hbm>>) dst(%arg8 : memref<40x128xi32, #tpu.memory_space<vmem>>)
        tpu.yield
      }) : () -> ()
      %dma_start3A = arith.constant 0 : i32
      %dma_start3A_23 = arith.constant 0 : i32
      %dma_start3A_24 = tpu.memref_slice %arg7[%dma_start3A, %dma_start3A_23] : memref<40x128xi32, #tpu.memory_space<vmem>> -> memref<1x128xi32, #tpu.memory_space<vmem>>
      %dma_start3A_25 = tpu.memref_squeeze %dma_start3A_24 : memref<1x128xi32, #tpu.memory_space<vmem>> -> memref<128xi32, #tpu.memory_space<vmem>>
      %dma_start3A_26 = arith.constant 0 : i32
      %dma_start3A_27 = arith.constant 0 : i32
      %dma_start3A_28 = tpu.memref_slice %arg2[%dma_start3A_26, %dma_start3A_27] : memref<20000x128xf32, #tpu.memory_space<hbm>> -> memref<20000x128xf32, #tpu.memory_space<hbm>>
      tpu.enqueue_indirect_dma source(%dma_start3A_28 : memref<20000x128xf32, #tpu.memory_space<hbm>>) target(%arg9 : memref<128x128xf32, #tpu.memory_space<vmem>>) offsets(%dma_start3A_25 : memref<128xi32, #tpu.memory_space<vmem>>) semaphore(%arg12 : memref<!tpu.dma_semaphore, #tpu.memory_space<semaphore_mem>>)
      %dma_wait3A = arith.constant 0 : i32
      %dma_wait3A_29 = arith.constant 0 : i32
      %dma_wait3A_30 = tpu.memref_slice %arg7[%dma_wait3A, %dma_wait3A_29] : memref<40x128xi32, #tpu.memory_space<vmem>> -> memref<1x128xi32, #tpu.memory_space<vmem>>
      %dma_wait3A_31 = tpu.memref_squeeze %dma_wait3A_30 : memref<1x128xi32, #tpu.memory_space<vmem>> -> memref<128xi32, #tpu.memory_space<vmem>>
      %dma_wait3A_32 = arith.constant 0 : i32
      %dma_wait3A_33 = arith.constant 0 : i32
      %dma_wait3A_34 = tpu.memref_slice %arg2[%dma_wait3A_32, %dma_wait3A_33] : memref<20000x128xf32, #tpu.memory_space<hbm>> -> memref<20000x128xf32, #tpu.memory_space<hbm>>
      tpu.wait_indirect_dma semaphore(%arg12 : memref<!tpu.dma_semaphore, #tpu.memory_space<semaphore_mem>>) src(%dma_wait3A_34 : memref<20000x128xf32, #tpu.memory_space<hbm>>) dst(%arg9 : memref<128x128xf32, #tpu.memory_space<vmem>>)
      %dma_start3A_35 = arith.constant 0 : i32
      %dma_start3A_36 = arith.constant 0 : i32
      %dma_start3A_37 = tpu.memref_slice %arg8[%dma_start3A_35, %dma_start3A_36] : memref<40x128xi32, #tpu.memory_space<vmem>> -> memref<1x128xi32, #tpu.memory_space<vmem>>
      %dma_start3A_38 = tpu.memref_squeeze %dma_start3A_37 : memref<1x128xi32, #tpu.memory_space<vmem>> -> memref<128xi32, #tpu.memory_space<vmem>>
      %dma_start3A_39 = arith.constant 0 : i32
      %dma_start3A_40 = arith.constant 0 : i32
      %dma_start3A_41 = tpu.memref_slice %arg11[%dma_start3A_39, %dma_start3A_40] : memref<10240x128xf32, #tpu.memory_space<vmem_shared>> -> memref<10240x128xf32, #tpu.memory_space<vmem_shared>>
      tpu.enqueue_indirect_dma source(%arg9 : memref<128x128xf32, #tpu.memory_space<vmem>>) target(%dma_start3A_41 : memref<10240x128xf32, #tpu.memory_space<vmem_shared>>) offsets(%dma_start3A_38 : memref<128xi32, #tpu.memory_space<vmem>>) semaphore(%arg14 : memref<!tpu.dma_semaphore, #tpu.memory_space<semaphore_mem>>) {add = true}
      %dma_start3A_42 = arith.constant 1 : i32
      %dma_start3A_43 = arith.constant 0 : i32
      %dma_start3A_44 = tpu.memref_slice %arg7[%dma_start3A_42, %dma_start3A_43] : memref<40x128xi32, #tpu.memory_space<vmem>> -> memref<1x128xi32, #tpu.memory_space<vmem>>
      %dma_start3A_45 = tpu.memref_squeeze %dma_start3A_44 : memref<1x128xi32, #tpu.memory_space<vmem>> -> memref<128xi32, #tpu.memory_space<vmem>>
      %dma_start3A_46 = arith.constant 0 : i32
      %dma_start3A_47 = arith.constant 0 : i32
      %dma_start3A_48 = tpu.memref_slice %arg2[%dma_start3A_46, %dma_start3A_47] : memref<20000x128xf32, #tpu.memory_space<hbm>> -> memref<20000x128xf32, #tpu.memory_space<hbm>>
      tpu.enqueue_indirect_dma source(%dma_start3A_48 : memref<20000x128xf32, #tpu.memory_space<hbm>>) target(%arg10 : memref<128x128xf32, #tpu.memory_space<vmem>>) offsets(%dma_start3A_45 : memref<128xi32, #tpu.memory_space<vmem>>) semaphore(%arg13 : memref<!tpu.dma_semaphore, #tpu.memory_space<semaphore_mem>>)
      %scan3A_49 = arith.constant 0 : i32
      %scan3A_50 = arith.constant 0 : i32
      %scan3A_51 = arith.constant 19 : i32
      %scan3A_52 = arith.addi %scan3A_50, %scan3A_51 : i32
      %scan3A_53 = arith.constant 1 : i32
      scf.for %scan3A_83 = %scan3A_50 to %scan3A_52 step %scan3A_53  : i32 {
        %mul3A_84 = arith.constant 2 : i32
        %mul3A_85 = arith.muli %mul3A_84, %scan3A_83 : i32
        %add3A_86 = arith.constant 1 : i32
        %add3A_87 = arith.addi %mul3A_85, %add3A_86 : i32
        %dma_wait3A_88 = arith.constant 0 : i32
        %dma_wait3A_89 = arith.constant 0 : i32
        %dma_wait3A_90 = tpu.memref_slice %arg7[%dma_wait3A_88, %dma_wait3A_89] : memref<40x128xi32, #tpu.memory_space<vmem>> -> memref<1x128xi32, #tpu.memory_space<vmem>>
        %dma_wait3A_91 = tpu.memref_squeeze %dma_wait3A_90 : memref<1x128xi32, #tpu.memory_space<vmem>> -> memref<128xi32, #tpu.memory_space<vmem>>
        %dma_wait3A_92 = arith.constant 0 : i32
        %dma_wait3A_93 = arith.constant 0 : i32
        %dma_wait3A_94 = tpu.memref_slice %arg2[%dma_wait3A_92, %dma_wait3A_93] : memref<20000x128xf32, #tpu.memory_space<hbm>> -> memref<20000x128xf32, #tpu.memory_space<hbm>>
        tpu.wait_indirect_dma semaphore(%arg13 : memref<!tpu.dma_semaphore, #tpu.memory_space<semaphore_mem>>) src(%dma_wait3A_94 : memref<20000x128xf32, #tpu.memory_space<hbm>>) dst(%arg10 : memref<128x128xf32, #tpu.memory_space<vmem>>)
        %dma_wait3A_95 = arith.constant 0 : i32
        %dma_wait3A_96 = arith.constant 0 : i32
        %dma_wait3A_97 = tpu.memref_slice %arg8[%dma_wait3A_95, %dma_wait3A_96] : memref<40x128xi32, #tpu.memory_space<vmem>> -> memref<1x128xi32, #tpu.memory_space<vmem>>
        %dma_wait3A_98 = tpu.memref_squeeze %dma_wait3A_97 : memref<1x128xi32, #tpu.memory_space<vmem>> -> memref<128xi32, #tpu.memory_space<vmem>>
        %dma_wait3A_99 = arith.constant 0 : i32
        %dma_wait3A_100 = arith.constant 0 : i32
        %dma_wait3A_101 = tpu.memref_slice %arg11[%dma_wait3A_99, %dma_wait3A_100] : memref<10240x128xf32, #tpu.memory_space<vmem_shared>> -> memref<10240x128xf32, #tpu.memory_space<vmem_shared>>
        tpu.wait_indirect_dma semaphore(%arg14 : memref<!tpu.dma_semaphore, #tpu.memory_space<semaphore_mem>>) src(%arg9 : memref<128x128xf32, #tpu.memory_space<vmem>>) dst(%dma_wait3A_101 : memref<10240x128xf32, #tpu.memory_space<vmem_shared>>)
        %dma_start3A_102 = arith.constant 0 : i32
        %dma_start3A_103 = tpu.memref_slice %arg8[%add3A_87, %dma_start3A_102] : memref<40x128xi32, #tpu.memory_space<vmem>> -> memref<1x128xi32, #tpu.memory_space<vmem>>
        %dma_start3A_104 = tpu.memref_squeeze %dma_start3A_103 : memref<1x128xi32, #tpu.memory_space<vmem>> -> memref<128xi32, #tpu.memory_space<vmem>>
        %dma_start3A_105 = arith.constant 0 : i32
        %dma_start3A_106 = arith.constant 0 : i32
        %dma_start3A_107 = tpu.memref_slice %arg11[%dma_start3A_105, %dma_start3A_106] : memref<10240x128xf32, #tpu.memory_space<vmem_shared>> -> memref<10240x128xf32, #tpu.memory_space<vmem_shared>>
        tpu.enqueue_indirect_dma source(%arg10 : memref<128x128xf32, #tpu.memory_space<vmem>>) target(%dma_start3A_107 : memref<10240x128xf32, #tpu.memory_space<vmem_shared>>) offsets(%dma_start3A_104 : memref<128xi32, #tpu.memory_space<vmem>>) semaphore(%arg15 : memref<!tpu.dma_semaphore, #tpu.memory_space<semaphore_mem>>) {add = true}
        %add3A_108 = arith.constant 1 : i32
        %add3A_109 = arith.addi %add3A_87, %add3A_108 : i32
        %dma_start3A_110 = arith.constant 0 : i32
        %dma_start3A_111 = tpu.memref_slice %arg7[%add3A_109, %dma_start3A_110] : memref<40x128xi32, #tpu.memory_space<vmem>> -> memref<1x128xi32, #tpu.memory_space<vmem>>
        %dma_start3A_112 = tpu.memref_squeeze %dma_start3A_111 : memref<1x128xi32, #tpu.memory_space<vmem>> -> memref<128xi32, #tpu.memory_space<vmem>>
        %dma_start3A_113 = arith.constant 0 : i32
        %dma_start3A_114 = arith.constant 0 : i32
        %dma_start3A_115 = tpu.memref_slice %arg2[%dma_start3A_113, %dma_start3A_114] : memref<20000x128xf32, #tpu.memory_space<hbm>> -> memref<20000x128xf32, #tpu.memory_space<hbm>>
        tpu.enqueue_indirect_dma source(%dma_start3A_115 : memref<20000x128xf32, #tpu.memory_space<hbm>>) target(%arg9 : memref<128x128xf32, #tpu.memory_space<vmem>>) offsets(%dma_start3A_112 : memref<128xi32, #tpu.memory_space<vmem>>) semaphore(%arg12 : memref<!tpu.dma_semaphore, #tpu.memory_space<semaphore_mem>>)
        %dma_wait3A_116 = arith.constant 0 : i32
        %dma_wait3A_117 = arith.constant 0 : i32
        %dma_wait3A_118 = tpu.memref_slice %arg7[%dma_wait3A_116, %dma_wait3A_117] : memref<40x128xi32, #tpu.memory_space<vmem>> -> memref<1x128xi32, #tpu.memory_space<vmem>>
        %dma_wait3A_119 = tpu.memref_squeeze %dma_wait3A_118 : memref<1x128xi32, #tpu.memory_space<vmem>> -> memref<128xi32, #tpu.memory_space<vmem>>
        %dma_wait3A_120 = arith.constant 0 : i32
        %dma_wait3A_121 = arith.constant 0 : i32
        %dma_wait3A_122 = tpu.memref_slice %arg2[%dma_wait3A_120, %dma_wait3A_121] : memref<20000x128xf32, #tpu.memory_space<hbm>> -> memref<20000x128xf32, #tpu.memory_space<hbm>>
        tpu.wait_indirect_dma semaphore(%arg12 : memref<!tpu.dma_semaphore, #tpu.memory_space<semaphore_mem>>) src(%dma_wait3A_122 : memref<20000x128xf32, #tpu.memory_space<hbm>>) dst(%arg9 : memref<128x128xf32, #tpu.memory_space<vmem>>)
        %dma_wait3A_123 = arith.constant 0 : i32
        %dma_wait3A_124 = arith.constant 0 : i32
        %dma_wait3A_125 = tpu.memref_slice %arg8[%dma_wait3A_123, %dma_wait3A_124] : memref<40x128xi32, #tpu.memory_space<vmem>> -> memref<1x128xi32, #tpu.memory_space<vmem>>
        %dma_wait3A_126 = tpu.memref_squeeze %dma_wait3A_125 : memref<1x128xi32, #tpu.memory_space<vmem>> -> memref<128xi32, #tpu.memory_space<vmem>>
        %dma_wait3A_127 = arith.constant 0 : i32
        %dma_wait3A_128 = arith.constant 0 : i32
        %dma_wait3A_129 = tpu.memref_slice %arg11[%dma_wait3A_127, %dma_wait3A_128] : memref<10240x128xf32, #tpu.memory_space<vmem_shared>> -> memref<10240x128xf32, #tpu.memory_space<vmem_shared>>
        tpu.wait_indirect_dma semaphore(%arg15 : memref<!tpu.dma_semaphore, #tpu.memory_space<semaphore_mem>>) src(%arg10 : memref<128x128xf32, #tpu.memory_space<vmem>>) dst(%dma_wait3A_129 : memref<10240x128xf32, #tpu.memory_space<vmem_shared>>)
        %add3A_130 = arith.constant 1 : i32
        %add3A_131 = arith.addi %add3A_87, %add3A_130 : i32
        %dma_start3A_132 = arith.constant 0 : i32
        %dma_start3A_133 = tpu.memref_slice %arg8[%add3A_131, %dma_start3A_132] : memref<40x128xi32, #tpu.memory_space<vmem>> -> memref<1x128xi32, #tpu.memory_space<vmem>>
        %dma_start3A_134 = tpu.memref_squeeze %dma_start3A_133 : memref<1x128xi32, #tpu.memory_space<vmem>> -> memref<128xi32, #tpu.memory_space<vmem>>
        %dma_start3A_135 = arith.constant 0 : i32
        %dma_start3A_136 = arith.constant 0 : i32
        %dma_start3A_137 = tpu.memref_slice %arg11[%dma_start3A_135, %dma_start3A_136] : memref<10240x128xf32, #tpu.memory_space<vmem_shared>> -> memref<10240x128xf32, #tpu.memory_space<vmem_shared>>
        tpu.enqueue_indirect_dma source(%arg9 : memref<128x128xf32, #tpu.memory_space<vmem>>) target(%dma_start3A_137 : memref<10240x128xf32, #tpu.memory_space<vmem_shared>>) offsets(%dma_start3A_134 : memref<128xi32, #tpu.memory_space<vmem>>) semaphore(%arg14 : memref<!tpu.dma_semaphore, #tpu.memory_space<semaphore_mem>>) {add = true}
        %add3A_138 = arith.constant 2 : i32
        %add3A_139 = arith.addi %add3A_87, %add3A_138 : i32
        %dma_start3A_140 = arith.constant 0 : i32
        %dma_start3A_141 = tpu.memref_slice %arg7[%add3A_139, %dma_start3A_140] : memref<40x128xi32, #tpu.memory_space<vmem>> -> memref<1x128xi32, #tpu.memory_space<vmem>>
        %dma_start3A_142 = tpu.memref_squeeze %dma_start3A_141 : memref<1x128xi32, #tpu.memory_space<vmem>> -> memref<128xi32, #tpu.memory_space<vmem>>
        %dma_start3A_143 = arith.constant 0 : i32
        %dma_start3A_144 = arith.constant 0 : i32
        %dma_start3A_145 = tpu.memref_slice %arg2[%dma_start3A_143, %dma_start3A_144] : memref<20000x128xf32, #tpu.memory_space<hbm>> -> memref<20000x128xf32, #tpu.memory_space<hbm>>
        tpu.enqueue_indirect_dma source(%dma_start3A_145 : memref<20000x128xf32, #tpu.memory_space<hbm>>) target(%arg10 : memref<128x128xf32, #tpu.memory_space<vmem>>) offsets(%dma_start3A_142 : memref<128xi32, #tpu.memory_space<vmem>>) semaphore(%arg13 : memref<!tpu.dma_semaphore, #tpu.memory_space<semaphore_mem>>)
      }
      %scan3A_54 = arith.constant 19 : i32
      %dma_wait3A_55 = arith.constant 0 : i32
      %dma_wait3A_56 = arith.constant 0 : i32
      %dma_wait3A_57 = tpu.memref_slice %arg7[%dma_wait3A_55, %dma_wait3A_56] : memref<40x128xi32, #tpu.memory_space<vmem>> -> memref<1x128xi32, #tpu.memory_space<vmem>>
      %dma_wait3A_58 = tpu.memref_squeeze %dma_wait3A_57 : memref<1x128xi32, #tpu.memory_space<vmem>> -> memref<128xi32, #tpu.memory_space<vmem>>
      %dma_wait3A_59 = arith.constant 0 : i32
      %dma_wait3A_60 = arith.constant 0 : i32
      %dma_wait3A_61 = tpu.memref_slice %arg2[%dma_wait3A_59, %dma_wait3A_60] : memref<20000x128xf32, #tpu.memory_space<hbm>> -> memref<20000x128xf32, #tpu.memory_space<hbm>>
      tpu.wait_indirect_dma semaphore(%arg13 : memref<!tpu.dma_semaphore, #tpu.memory_space<semaphore_mem>>) src(%dma_wait3A_61 : memref<20000x128xf32, #tpu.memory_space<hbm>>) dst(%arg10 : memref<128x128xf32, #tpu.memory_space<vmem>>)
      %dma_wait3A_62 = arith.constant 0 : i32
      %dma_wait3A_63 = arith.constant 0 : i32
      %dma_wait3A_64 = tpu.memref_slice %arg8[%dma_wait3A_62, %dma_wait3A_63] : memref<40x128xi32, #tpu.memory_space<vmem>> -> memref<1x128xi32, #tpu.memory_space<vmem>>
      %dma_wait3A_65 = tpu.memref_squeeze %dma_wait3A_64 : memref<1x128xi32, #tpu.memory_space<vmem>> -> memref<128xi32, #tpu.memory_space<vmem>>
      %dma_wait3A_66 = arith.constant 0 : i32
      %dma_wait3A_67 = arith.constant 0 : i32
      %dma_wait3A_68 = tpu.memref_slice %arg11[%dma_wait3A_66, %dma_wait3A_67] : memref<10240x128xf32, #tpu.memory_space<vmem_shared>> -> memref<10240x128xf32, #tpu.memory_space<vmem_shared>>
      tpu.wait_indirect_dma semaphore(%arg14 : memref<!tpu.dma_semaphore, #tpu.memory_space<semaphore_mem>>) src(%arg9 : memref<128x128xf32, #tpu.memory_space<vmem>>) dst(%dma_wait3A_68 : memref<10240x128xf32, #tpu.memory_space<vmem_shared>>)
      %dma_start3A_69 = arith.constant 39 : i32
      %dma_start3A_70 = arith.constant 0 : i32
      %dma_start3A_71 = tpu.memref_slice %arg8[%dma_start3A_69, %dma_start3A_70] : memref<40x128xi32, #tpu.memory_space<vmem>> -> memref<1x128xi32, #tpu.memory_space<vmem>>
      %dma_start3A_72 = tpu.memref_squeeze %dma_start3A_71 : memref<1x128xi32, #tpu.memory_space<vmem>> -> memref<128xi32, #tpu.memory_space<vmem>>
      %dma_start3A_73 = arith.constant 0 : i32
      %dma_start3A_74 = arith.constant 0 : i32
      %dma_start3A_75 = tpu.memref_slice %arg11[%dma_start3A_73, %dma_start3A_74] : memref<10240x128xf32, #tpu.memory_space<vmem_shared>> -> memref<10240x128xf32, #tpu.memory_space<vmem_shared>>
      tpu.enqueue_indirect_dma source(%arg10 : memref<128x128xf32, #tpu.memory_space<vmem>>) target(%dma_start3A_75 : memref<10240x128xf32, #tpu.memory_space<vmem_shared>>) offsets(%dma_start3A_72 : memref<128xi32, #tpu.memory_space<vmem>>) semaphore(%arg15 : memref<!tpu.dma_semaphore, #tpu.memory_space<semaphore_mem>>) {add = true}
      %dma_wait3A_76 = arith.constant 0 : i32
      %dma_wait3A_77 = arith.constant 0 : i32
      %dma_wait3A_78 = tpu.memref_slice %arg8[%dma_wait3A_76, %dma_wait3A_77] : memref<40x128xi32, #tpu.memory_space<vmem>> -> memref<1x128xi32, #tpu.memory_space<vmem>>
      %dma_wait3A_79 = tpu.memref_squeeze %dma_wait3A_78 : memref<1x128xi32, #tpu.memory_space<vmem>> -> memref<128xi32, #tpu.memory_space<vmem>>
      %dma_wait3A_80 = arith.constant 0 : i32
      %dma_wait3A_81 = arith.constant 0 : i32
      %dma_wait3A_82 = tpu.memref_slice %arg11[%dma_wait3A_80, %dma_wait3A_81] : memref<10240x128xf32, #tpu.memory_space<vmem_shared>> -> memref<10240x128xf32, #tpu.memory_space<vmem_shared>>
      tpu.wait_indirect_dma semaphore(%arg15 : memref<!tpu.dma_semaphore, #tpu.memory_space<semaphore_mem>>) src(%arg10 : memref<128x128xf32, #tpu.memory_space<vmem>>) dst(%dma_wait3A_82 : memref<10240x128xf32, #tpu.memory_space<vmem_shared>>)
    }
    %scan3A_11 = arith.constant 4 : i32
    %barrier3A_12 = arith.constant 0 : index
    tpu.barrier barrier_id(%barrier3A_12)
    %mul3A_13 = arith.constant 640 : i32
    %mul3A_14 = arith.muli %arg1, %mul3A_13 : i32
    %mul3A_15 = arith.constant 640 : i32
    %mul3A_16 = arith.muli %arg1, %mul3A_15 : i32
    "tpu.region"() ({
      %run_scoped3A = tpu.sem_alloc : memref<!tpu.dma_semaphore, #tpu.memory_space<semaphore_mem>>
      %dma_start3A = arith.constant 0 : i32
      %dma_start3A_17 = arith.constant 0 : i32
      %dma_start3A_18 = tpu.memref_slice %arg6[%arg0, %dma_start3A, %dma_start3A_17] : memref<2x10240x128xf32, #tpu.memory_space<hbm>> -> memref<1x10240x128xf32, #tpu.memory_space<hbm>>
      %dma_start3A_19 = tpu.memref_squeeze %dma_start3A_18 : memref<1x10240x128xf32, #tpu.memory_space<hbm>> -> memref<10240x128xf32, #tpu.memory_space<hbm>>
      %dma_start3A_20 = arith.constant 0 : i32
      %dma_start3A_21 = tpu.memref_slice %dma_start3A_19[%mul3A_16, %dma_start3A_20] : memref<10240x128xf32, #tpu.memory_space<hbm>> -> memref<640x128xf32, #tpu.memory_space<hbm>>
      %dma_start3A_22 = arith.constant 0 : i32
      %dma_start3A_23 = tpu.memref_slice %arg11[%mul3A_14, %dma_start3A_22] : memref<10240x128xf32, #tpu.memory_space<vmem_shared>> -> memref<640x128xf32, #tpu.memory_space<vmem_shared>>
      tpu.enqueue_dma source(%dma_start3A_23 : memref<640x128xf32, #tpu.memory_space<vmem_shared>>) target(%dma_start3A_21 : memref<640x128xf32, #tpu.memory_space<hbm>>) target_semaphore(%run_scoped3A : memref<!tpu.dma_semaphore, #tpu.memory_space<semaphore_mem>>)
      %dma_wait3A = arith.constant 0 : i32
      %dma_wait3A_24 = arith.constant 0 : i32
      %dma_wait3A_25 = tpu.memref_slice %arg6[%arg0, %dma_wait3A, %dma_wait3A_24] : memref<2x10240x128xf32, #tpu.memory_space<hbm>> -> memref<1x10240x128xf32, #tpu.memory_space<hbm>>
      %dma_wait3A_26 = tpu.memref_squeeze %dma_wait3A_25 : memref<1x10240x128xf32, #tpu.memory_space<hbm>> -> memref<10240x128xf32, #tpu.memory_space<hbm>>
      %dma_wait3A_27 = arith.constant 0 : i32
      %dma_wait3A_28 = tpu.memref_slice %dma_wait3A_26[%mul3A_16, %dma_wait3A_27] : memref<10240x128xf32, #tpu.memory_space<hbm>> -> memref<640x128xf32, #tpu.memory_space<hbm>>
      %dma_wait3A_29 = arith.constant 0 : i32
      %dma_wait3A_30 = tpu.memref_slice %arg11[%mul3A_14, %dma_wait3A_29] : memref<10240x128xf32, #tpu.memory_space<vmem_shared>> -> memref<640x128xf32, #tpu.memory_space<vmem_shared>>
      tpu.wait_dma2 semaphore(%run_scoped3A : memref<!tpu.dma_semaphore, #tpu.memory_space<semaphore_mem>>) src(%dma_wait3A_30 : memref<640x128xf32, #tpu.memory_space<vmem_shared>>) dst(%dma_wait3A_28 : memref<640x128xf32, #tpu.memory_space<hbm>>)
      tpu.yield
    }) : () -> ()
    return
  }
}

#map = affine_map<(d0, d1) -> (0, 0)>
#map1 = affine_map<(d0, d1) -> (0, 0, 0)>
module attributes {stable_mosaic.version = 14 : i64} {
  func.func @_agg_cs_body(%arg0: i32, %arg1: i32, %arg2: memref<20000x128xf32, #tpu.memory_space<hbm>>, %arg3: memref<2x2560x128xi32, #tpu.memory_space<hbm>>, %arg4: memref<2560x128xi32, #tpu.memory_space<hbm>>, %arg5: memref<10240x128xf32, #tpu.memory_space<hbm>>, %arg6: memref<2x10240x128xf32, #tpu.memory_space<hbm>>, %arg7: memref<40x128xi32, #tpu.memory_space<vmem>>, %arg8: memref<40x128xi32, #tpu.memory_space<vmem>>, %arg9: memref<128x128xf32, #tpu.memory_space<vmem>>, %arg10: memref<128x128xf32, #tpu.memory_space<vmem>>, %arg11: memref<10240x128xf32, #tpu.memory_space<vmem_shared>>, %arg12: memref<!tpu.dma_semaphore, #tpu.memory_space<semaphore_mem>>, %arg13: memref<!tpu.dma_semaphore, #tpu.memory_space<semaphore_mem>>, %arg14: memref<!tpu.dma_semaphore, #tpu.memory_space<semaphore_mem>>, %arg15: memref<!tpu.dma_semaphore, #tpu.memory_space<semaphore_mem>>) attributes {dimension_semantics = [#tpu.dimension_semantics<core_parallel>, #tpu.dimension_semantics<subcore_parallel>], iteration_bounds = array<i64: 2, 16>, scalar_prefetch = 0 : i64, scratch_operands = 9 : i64, tpu.core_type = #tpu.core_type<sc_vector_subcore>, window_params = [{transform_indices = #map}, {transform_indices = #map1}, {transform_indices = #map}, {transform_indices = #map}, {transform_indices = #map1}]} {
    %mul3A = arith.constant 640 : i32
    %mul3A_0 = arith.muli %arg1, %mul3A : i32
    %mul3A_1 = arith.constant 640 : i32
    %mul3A_2 = arith.muli %arg1, %mul3A_1 : i32
    "tpu.region"() ({
      %run_scoped3A = tpu.sem_alloc : memref<!tpu.dma_semaphore, #tpu.memory_space<semaphore_mem>>
      %dma_start3A = arith.constant 0 : i32
      %dma_start3A_17 = tpu.memref_slice %arg11[%mul3A_2, %dma_start3A] : memref<10240x128xf32, #tpu.memory_space<vmem_shared>> -> memref<640x128xf32, #tpu.memory_space<vmem_shared>>
      %dma_start3A_18 = arith.constant 0 : i32
      %dma_start3A_19 = tpu.memref_slice %arg5[%mul3A_0, %dma_start3A_18] : memref<10240x128xf32, #tpu.memory_space<hbm>> -> memref<640x128xf32, #tpu.memory_space<hbm>>
      tpu.enqueue_dma source(%dma_start3A_19 : memref<640x128xf32, #tpu.memory_space<hbm>>) target(%dma_start3A_17 : memref<640x128xf32, #tpu.memory_space<vmem_shared>>) target_semaphore(%run_scoped3A : memref<!tpu.dma_semaphore, #tpu.memory_space<semaphore_mem>>)
      %dma_wait3A = arith.constant 0 : i32
      %dma_wait3A_20 = tpu.memref_slice %arg11[%mul3A_2, %dma_wait3A] : memref<10240x128xf32, #tpu.memory_space<vmem_shared>> -> memref<640x128xf32, #tpu.memory_space<vmem_shared>>
      %dma_wait3A_21 = arith.constant 0 : i32
      %dma_wait3A_22 = tpu.memref_slice %arg5[%mul3A_0, %dma_wait3A_21] : memref<10240x128xf32, #tpu.memory_space<hbm>> -> memref<640x128xf32, #tpu.memory_space<hbm>>
      tpu.wait_dma2 semaphore(%run_scoped3A : memref<!tpu.dma_semaphore, #tpu.memory_space<semaphore_mem>>) src(%dma_wait3A_22 : memref<640x128xf32, #tpu.memory_space<hbm>>) dst(%dma_wait3A_20 : memref<640x128xf32, #tpu.memory_space<vmem_shared>>)
      tpu.yield
    }) : () -> ()
    %barrier3A = arith.constant 0 : index
    tpu.barrier barrier_id(%barrier3A)
    %mul3A_3 = arith.constant 160 : i32
    %mul3A_4 = arith.muli %arg1, %mul3A_3 : i32
    %mul3A_5 = arith.constant 160 : i32
    %mul3A_6 = arith.muli %arg1, %mul3A_5 : i32
    %scan3A = arith.constant 0 : i32
    %scan3A_7 = arith.constant 0 : i32
    %scan3A_8 = arith.constant 4 : i32
    %scan3A_9 = arith.addi %scan3A_7, %scan3A_8 : i32
    %scan3A_10 = arith.constant 1 : i32
    scf.for %scan3A_17 = %scan3A_7 to %scan3A_9 step %scan3A_10  : i32 {
      %mul3A_18 = arith.constant 40 : i32
      %mul3A_19 = arith.muli %scan3A_17, %mul3A_18 : i32
      %add3A = arith.addi %mul3A_4, %mul3A_19 : i32
      "tpu.region"() ({
        %run_scoped3A = tpu.sem_alloc : memref<!tpu.dma_semaphore, #tpu.memory_space<semaphore_mem>>
        %dma_start3A_83 = arith.constant 0 : i32
        %dma_start3A_84 = arith.constant 0 : i32
        %dma_start3A_85 = tpu.memref_slice %arg3[%arg0, %dma_start3A_83, %dma_start3A_84] : memref<2x2560x128xi32, #tpu.memory_space<hbm>> -> memref<1x2560x128xi32, #tpu.memory_space<hbm>>
        %dma_start3A_86 = tpu.memref_squeeze %dma_start3A_85 : memref<1x2560x128xi32, #tpu.memory_space<hbm>> -> memref<2560x128xi32, #tpu.memory_space<hbm>>
        %dma_start3A_87 = arith.constant 0 : i32
        %dma_start3A_88 = tpu.memref_slice %dma_start3A_86[%add3A, %dma_start3A_87] : memref<2560x128xi32, #tpu.memory_space<hbm>> -> memref<40x128xi32, #tpu.memory_space<hbm>>
        %dma_start3A_89 = arith.constant 0 : i32
        %dma_start3A_90 = arith.constant 0 : i32
        %dma_start3A_91 = tpu.memref_slice %arg3[%arg0, %dma_start3A_89, %dma_start3A_90] : memref<2x2560x128xi32, #tpu.memory_space<hbm>> -> memref<1x2560x128xi32, #tpu.memory_space<hbm>>
        %dma_start3A_92 = tpu.memref_squeeze %dma_start3A_91 : memref<1x2560x128xi32, #tpu.memory_space<hbm>> -> memref<2560x128xi32, #tpu.memory_space<hbm>>
        %dma_start3A_93 = arith.constant 0 : i32
        %dma_start3A_94 = tpu.memref_slice %dma_start3A_92[%add3A, %dma_start3A_93] : memref<2560x128xi32, #tpu.memory_space<hbm>> -> memref<40x128xi32, #tpu.memory_space<hbm>>
        tpu.enqueue_dma source(%dma_start3A_94 : memref<40x128xi32, #tpu.memory_space<hbm>>) target(%arg7 : memref<40x128xi32, #tpu.memory_space<vmem>>) target_semaphore(%run_scoped3A : memref<!tpu.dma_semaphore, #tpu.memory_space<semaphore_mem>>)
        %dma_wait3A_95 = arith.constant 0 : i32
        %dma_wait3A_96 = arith.constant 0 : i32
        %dma_wait3A_97 = tpu.memref_slice %arg3[%arg0, %dma_wait3A_95, %dma_wait3A_96] : memref<2x2560x128xi32, #tpu.memory_space<hbm>> -> memref<1x2560x128xi32, #tpu.memory_space<hbm>>
        %dma_wait3A_98 = tpu.memref_squeeze %dma_wait3A_97 : memref<1x2560x128xi32, #tpu.memory_space<hbm>> -> memref<2560x128xi32, #tpu.memory_space<hbm>>
        %dma_wait3A_99 = arith.constant 0 : i32
        %dma_wait3A_100 = tpu.memref_slice %dma_wait3A_98[%add3A, %dma_wait3A_99] : memref<2560x128xi32, #tpu.memory_space<hbm>> -> memref<40x128xi32, #tpu.memory_space<hbm>>
        %dma_wait3A_101 = arith.constant 0 : i32
        %dma_wait3A_102 = arith.constant 0 : i32
        %dma_wait3A_103 = tpu.memref_slice %arg3[%arg0, %dma_wait3A_101, %dma_wait3A_102] : memref<2x2560x128xi32, #tpu.memory_space<hbm>> -> memref<1x2560x128xi32, #tpu.memory_space<hbm>>
        %dma_wait3A_104 = tpu.memref_squeeze %dma_wait3A_103 : memref<1x2560x128xi32, #tpu.memory_space<hbm>> -> memref<2560x128xi32, #tpu.memory_space<hbm>>
        %dma_wait3A_105 = arith.constant 0 : i32
        %dma_wait3A_106 = tpu.memref_slice %dma_wait3A_104[%add3A, %dma_wait3A_105] : memref<2560x128xi32, #tpu.memory_space<hbm>> -> memref<40x128xi32, #tpu.memory_space<hbm>>
        tpu.wait_dma2 semaphore(%run_scoped3A : memref<!tpu.dma_semaphore, #tpu.memory_space<semaphore_mem>>) src(%dma_wait3A_106 : memref<40x128xi32, #tpu.memory_space<hbm>>) dst(%arg7 : memref<40x128xi32, #tpu.memory_space<vmem>>)
        tpu.yield
      }) : () -> ()
      %mul3A_20 = arith.constant 40 : i32
      %mul3A_21 = arith.muli %scan3A_17, %mul3A_20 : i32
      %add3A_22 = arith.addi %mul3A_6, %mul3A_21 : i32
      "tpu.region"() ({
        %run_scoped3A = tpu.sem_alloc : memref<!tpu.dma_semaphore, #tpu.memory_space<semaphore_mem>>
        %dma_start3A_83 = arith.constant 0 : i32
        %dma_start3A_84 = tpu.memref_slice %arg4[%add3A_22, %dma_start3A_83] : memref<2560x128xi32, #tpu.memory_space<hbm>> -> memref<40x128xi32, #tpu.memory_space<hbm>>
        %dma_start3A_85 = arith.constant 0 : i32
        %dma_start3A_86 = tpu.memref_slice %arg4[%add3A_22, %dma_start3A_85] : memref<2560x128xi32, #tpu.memory_space<hbm>> -> memref<40x128xi32, #tpu.memory_space<hbm>>
        tpu.enqueue_dma source(%dma_start3A_86 : memref<40x128xi32, #tpu.memory_space<hbm>>) target(%arg8 : memref<40x128xi32, #tpu.memory_space<vmem>>) target_semaphore(%run_scoped3A : memref<!tpu.dma_semaphore, #tpu.memory_space<semaphore_mem>>)
        %dma_wait3A_87 = arith.constant 0 : i32
        %dma_wait3A_88 = tpu.memref_slice %arg4[%add3A_22, %dma_wait3A_87] : memref<2560x128xi32, #tpu.memory_space<hbm>> -> memref<40x128xi32, #tpu.memory_space<hbm>>
        %dma_wait3A_89 = arith.constant 0 : i32
        %dma_wait3A_90 = tpu.memref_slice %arg4[%add3A_22, %dma_wait3A_89] : memref<2560x128xi32, #tpu.memory_space<hbm>> -> memref<40x128xi32, #tpu.memory_space<hbm>>
        tpu.wait_dma2 semaphore(%run_scoped3A : memref<!tpu.dma_semaphore, #tpu.memory_space<semaphore_mem>>) src(%dma_wait3A_90 : memref<40x128xi32, #tpu.memory_space<hbm>>) dst(%arg8 : memref<40x128xi32, #tpu.memory_space<vmem>>)
        tpu.yield
      }) : () -> ()
      %dma_start3A = arith.constant 0 : i32
      %dma_start3A_23 = arith.constant 0 : i32
      %dma_start3A_24 = tpu.memref_slice %arg7[%dma_start3A, %dma_start3A_23] : memref<40x128xi32, #tpu.memory_space<vmem>> -> memref<1x128xi32, #tpu.memory_space<vmem>>
      %dma_start3A_25 = tpu.memref_squeeze %dma_start3A_24 : memref<1x128xi32, #tpu.memory_space<vmem>> -> memref<128xi32, #tpu.memory_space<vmem>>
      %dma_start3A_26 = arith.constant 0 : i32
      %dma_start3A_27 = arith.constant 0 : i32
      %dma_start3A_28 = tpu.memref_slice %arg2[%dma_start3A_26, %dma_start3A_27] : memref<20000x128xf32, #tpu.memory_space<hbm>> -> memref<20000x128xf32, #tpu.memory_space<hbm>>
      tpu.enqueue_indirect_dma source(%dma_start3A_28 : memref<20000x128xf32, #tpu.memory_space<hbm>>) target(%arg9 : memref<128x128xf32, #tpu.memory_space<vmem>>) offsets(%dma_start3A_25 : memref<128xi32, #tpu.memory_space<vmem>>) semaphore(%arg12 : memref<!tpu.dma_semaphore, #tpu.memory_space<semaphore_mem>>)
      %dma_wait3A = arith.constant 0 : i32
      %dma_wait3A_29 = arith.constant 0 : i32
      %dma_wait3A_30 = tpu.memref_slice %arg7[%dma_wait3A, %dma_wait3A_29] : memref<40x128xi32, #tpu.memory_space<vmem>> -> memref<1x128xi32, #tpu.memory_space<vmem>>
      %dma_wait3A_31 = tpu.memref_squeeze %dma_wait3A_30 : memref<1x128xi32, #tpu.memory_space<vmem>> -> memref<128xi32, #tpu.memory_space<vmem>>
      %dma_wait3A_32 = arith.constant 0 : i32
      %dma_wait3A_33 = arith.constant 0 : i32
      %dma_wait3A_34 = tpu.memref_slice %arg2[%dma_wait3A_32, %dma_wait3A_33] : memref<20000x128xf32, #tpu.memory_space<hbm>> -> memref<20000x128xf32, #tpu.memory_space<hbm>>
      tpu.wait_indirect_dma semaphore(%arg12 : memref<!tpu.dma_semaphore, #tpu.memory_space<semaphore_mem>>) src(%dma_wait3A_34 : memref<20000x128xf32, #tpu.memory_space<hbm>>) dst(%arg9 : memref<128x128xf32, #tpu.memory_space<vmem>>)
      %dma_start3A_35 = arith.constant 0 : i32
      %dma_start3A_36 = arith.constant 0 : i32
      %dma_start3A_37 = tpu.memref_slice %arg8[%dma_start3A_35, %dma_start3A_36] : memref<40x128xi32, #tpu.memory_space<vmem>> -> memref<1x128xi32, #tpu.memory_space<vmem>>
      %dma_start3A_38 = tpu.memref_squeeze %dma_start3A_37 : memref<1x128xi32, #tpu.memory_space<vmem>> -> memref<128xi32, #tpu.memory_space<vmem>>
      %dma_start3A_39 = arith.constant 0 : i32
      %dma_start3A_40 = arith.constant 0 : i32
      %dma_start3A_41 = tpu.memref_slice %arg11[%dma_start3A_39, %dma_start3A_40] : memref<10240x128xf32, #tpu.memory_space<vmem_shared>> -> memref<10240x128xf32, #tpu.memory_space<vmem_shared>>
      tpu.enqueue_indirect_dma source(%arg9 : memref<128x128xf32, #tpu.memory_space<vmem>>) target(%dma_start3A_41 : memref<10240x128xf32, #tpu.memory_space<vmem_shared>>) offsets(%dma_start3A_38 : memref<128xi32, #tpu.memory_space<vmem>>) semaphore(%arg14 : memref<!tpu.dma_semaphore, #tpu.memory_space<semaphore_mem>>) {add = true}
      %dma_start3A_42 = arith.constant 1 : i32
      %dma_start3A_43 = arith.constant 0 : i32
      %dma_start3A_44 = tpu.memref_slice %arg7[%dma_start3A_42, %dma_start3A_43] : memref<40x128xi32, #tpu.memory_space<vmem>> -> memref<1x128xi32, #tpu.memory_space<vmem>>
      %dma_start3A_45 = tpu.memref_squeeze %dma_start3A_44 : memref<1x128xi32, #tpu.memory_space<vmem>> -> memref<128xi32, #tpu.memory_space<vmem>>
      %dma_start3A_46 = arith.constant 0 : i32
      %dma_start3A_47 = arith.constant 0 : i32
      %dma_start3A_48 = tpu.memref_slice %arg2[%dma_start3A_46, %dma_start3A_47] : memref<20000x128xf32, #tpu.memory_space<hbm>> -> memref<20000x128xf32, #tpu.memory_space<hbm>>
      tpu.enqueue_indirect_dma source(%dma_start3A_48 : memref<20000x128xf32, #tpu.memory_space<hbm>>) target(%arg10 : memref<128x128xf32, #tpu.memory_space<vmem>>) offsets(%dma_start3A_45 : memref<128xi32, #tpu.memory_space<vmem>>) semaphore(%arg13 : memref<!tpu.dma_semaphore, #tpu.memory_space<semaphore_mem>>)
      %scan3A_49 = arith.constant 0 : i32
      %scan3A_50 = arith.constant 0 : i32
      %scan3A_51 = arith.constant 19 : i32
      %scan3A_52 = arith.addi %scan3A_50, %scan3A_51 : i32
      %scan3A_53 = arith.constant 1 : i32
      scf.for %scan3A_83 = %scan3A_50 to %scan3A_52 step %scan3A_53  : i32 {
        %mul3A_84 = arith.constant 2 : i32
        %mul3A_85 = arith.muli %mul3A_84, %scan3A_83 : i32
        %add3A_86 = arith.constant 1 : i32
        %add3A_87 = arith.addi %mul3A_85, %add3A_86 : i32
        %dma_wait3A_88 = arith.constant 0 : i32
        %dma_wait3A_89 = arith.constant 0 : i32
        %dma_wait3A_90 = tpu.memref_slice %arg7[%dma_wait3A_88, %dma_wait3A_89] : memref<40x128xi32, #tpu.memory_space<vmem>> -> memref<1x128xi32, #tpu.memory_space<vmem>>
        %dma_wait3A_91 = tpu.memref_squeeze %dma_wait3A_90 : memref<1x128xi32, #tpu.memory_space<vmem>> -> memref<128xi32, #tpu.memory_space<vmem>>
        %dma_wait3A_92 = arith.constant 0 : i32
        %dma_wait3A_93 = arith.constant 0 : i32
        %dma_wait3A_94 = tpu.memref_slice %arg2[%dma_wait3A_92, %dma_wait3A_93] : memref<20000x128xf32, #tpu.memory_space<hbm>> -> memref<20000x128xf32, #tpu.memory_space<hbm>>
        tpu.wait_indirect_dma semaphore(%arg13 : memref<!tpu.dma_semaphore, #tpu.memory_space<semaphore_mem>>) src(%dma_wait3A_94 : memref<20000x128xf32, #tpu.memory_space<hbm>>) dst(%arg10 : memref<128x128xf32, #tpu.memory_space<vmem>>)
        %dma_wait3A_95 = arith.constant 0 : i32
        %dma_wait3A_96 = arith.constant 0 : i32
        %dma_wait3A_97 = tpu.memref_slice %arg8[%dma_wait3A_95, %dma_wait3A_96] : memref<40x128xi32, #tpu.memory_space<vmem>> -> memref<1x128xi32, #tpu.memory_space<vmem>>
        %dma_wait3A_98 = tpu.memref_squeeze %dma_wait3A_97 : memref<1x128xi32, #tpu.memory_space<vmem>> -> memref<128xi32, #tpu.memory_space<vmem>>
        %dma_wait3A_99 = arith.constant 0 : i32
        %dma_wait3A_100 = arith.constant 0 : i32
        %dma_wait3A_101 = tpu.memref_slice %arg11[%dma_wait3A_99, %dma_wait3A_100] : memref<10240x128xf32, #tpu.memory_space<vmem_shared>> -> memref<10240x128xf32, #tpu.memory_space<vmem_shared>>
        tpu.wait_indirect_dma semaphore(%arg14 : memref<!tpu.dma_semaphore, #tpu.memory_space<semaphore_mem>>) src(%arg9 : memref<128x128xf32, #tpu.memory_space<vmem>>) dst(%dma_wait3A_101 : memref<10240x128xf32, #tpu.memory_space<vmem_shared>>)
        %dma_start3A_102 = arith.constant 0 : i32
        %dma_start3A_103 = tpu.memref_slice %arg8[%add3A_87, %dma_start3A_102] : memref<40x128xi32, #tpu.memory_space<vmem>> -> memref<1x128xi32, #tpu.memory_space<vmem>>
        %dma_start3A_104 = tpu.memref_squeeze %dma_start3A_103 : memref<1x128xi32, #tpu.memory_space<vmem>> -> memref<128xi32, #tpu.memory_space<vmem>>
        %dma_start3A_105 = arith.constant 0 : i32
        %dma_start3A_106 = arith.constant 0 : i32
        %dma_start3A_107 = tpu.memref_slice %arg11[%dma_start3A_105, %dma_start3A_106] : memref<10240x128xf32, #tpu.memory_space<vmem_shared>> -> memref<10240x128xf32, #tpu.memory_space<vmem_shared>>
        tpu.enqueue_indirect_dma source(%arg10 : memref<128x128xf32, #tpu.memory_space<vmem>>) target(%dma_start3A_107 : memref<10240x128xf32, #tpu.memory_space<vmem_shared>>) offsets(%dma_start3A_104 : memref<128xi32, #tpu.memory_space<vmem>>) semaphore(%arg15 : memref<!tpu.dma_semaphore, #tpu.memory_space<semaphore_mem>>) {add = true}
        %add3A_108 = arith.constant 1 : i32
        %add3A_109 = arith.addi %add3A_87, %add3A_108 : i32
        %dma_start3A_110 = arith.constant 0 : i32
        %dma_start3A_111 = tpu.memref_slice %arg7[%add3A_109, %dma_start3A_110] : memref<40x128xi32, #tpu.memory_space<vmem>> -> memref<1x128xi32, #tpu.memory_space<vmem>>
        %dma_start3A_112 = tpu.memref_squeeze %dma_start3A_111 : memref<1x128xi32, #tpu.memory_space<vmem>> -> memref<128xi32, #tpu.memory_space<vmem>>
        %dma_start3A_113 = arith.constant 0 : i32
        %dma_start3A_114 = arith.constant 0 : i32
        %dma_start3A_115 = tpu.memref_slice %arg2[%dma_start3A_113, %dma_start3A_114] : memref<20000x128xf32, #tpu.memory_space<hbm>> -> memref<20000x128xf32, #tpu.memory_space<hbm>>
        tpu.enqueue_indirect_dma source(%dma_start3A_115 : memref<20000x128xf32, #tpu.memory_space<hbm>>) target(%arg9 : memref<128x128xf32, #tpu.memory_space<vmem>>) offsets(%dma_start3A_112 : memref<128xi32, #tpu.memory_space<vmem>>) semaphore(%arg12 : memref<!tpu.dma_semaphore, #tpu.memory_space<semaphore_mem>>)
        %dma_wait3A_116 = arith.constant 0 : i32
        %dma_wait3A_117 = arith.constant 0 : i32
        %dma_wait3A_118 = tpu.memref_slice %arg7[%dma_wait3A_116, %dma_wait3A_117] : memref<40x128xi32, #tpu.memory_space<vmem>> -> memref<1x128xi32, #tpu.memory_space<vmem>>
        %dma_wait3A_119 = tpu.memref_squeeze %dma_wait3A_118 : memref<1x128xi32, #tpu.memory_space<vmem>> -> memref<128xi32, #tpu.memory_space<vmem>>
        %dma_wait3A_120 = arith.constant 0 : i32
        %dma_wait3A_121 = arith.constant 0 : i32
        %dma_wait3A_122 = tpu.memref_slice %arg2[%dma_wait3A_120, %dma_wait3A_121] : memref<20000x128xf32, #tpu.memory_space<hbm>> -> memref<20000x128xf32, #tpu.memory_space<hbm>>
        tpu.wait_indirect_dma semaphore(%arg12 : memref<!tpu.dma_semaphore, #tpu.memory_space<semaphore_mem>>) src(%dma_wait3A_122 : memref<20000x128xf32, #tpu.memory_space<hbm>>) dst(%arg9 : memref<128x128xf32, #tpu.memory_space<vmem>>)
        %dma_wait3A_123 = arith.constant 0 : i32
        %dma_wait3A_124 = arith.constant 0 : i32
        %dma_wait3A_125 = tpu.memref_slice %arg8[%dma_wait3A_123, %dma_wait3A_124] : memref<40x128xi32, #tpu.memory_space<vmem>> -> memref<1x128xi32, #tpu.memory_space<vmem>>
        %dma_wait3A_126 = tpu.memref_squeeze %dma_wait3A_125 : memref<1x128xi32, #tpu.memory_space<vmem>> -> memref<128xi32, #tpu.memory_space<vmem>>
        %dma_wait3A_127 = arith.constant 0 : i32
        %dma_wait3A_128 = arith.constant 0 : i32
        %dma_wait3A_129 = tpu.memref_slice %arg11[%dma_wait3A_127, %dma_wait3A_128] : memref<10240x128xf32, #tpu.memory_space<vmem_shared>> -> memref<10240x128xf32, #tpu.memory_space<vmem_shared>>
        tpu.wait_indirect_dma semaphore(%arg15 : memref<!tpu.dma_semaphore, #tpu.memory_space<semaphore_mem>>) src(%arg10 : memref<128x128xf32, #tpu.memory_space<vmem>>) dst(%dma_wait3A_129 : memref<10240x128xf32, #tpu.memory_space<vmem_shared>>)
        %add3A_130 = arith.constant 1 : i32
        %add3A_131 = arith.addi %add3A_87, %add3A_130 : i32
        %dma_start3A_132 = arith.constant 0 : i32
        %dma_start3A_133 = tpu.memref_slice %arg8[%add3A_131, %dma_start3A_132] : memref<40x128xi32, #tpu.memory_space<vmem>> -> memref<1x128xi32, #tpu.memory_space<vmem>>
        %dma_start3A_134 = tpu.memref_squeeze %dma_start3A_133 : memref<1x128xi32, #tpu.memory_space<vmem>> -> memref<128xi32, #tpu.memory_space<vmem>>
        %dma_start3A_135 = arith.constant 0 : i32
        %dma_start3A_136 = arith.constant 0 : i32
        %dma_start3A_137 = tpu.memref_slice %arg11[%dma_start3A_135, %dma_start3A_136] : memref<10240x128xf32, #tpu.memory_space<vmem_shared>> -> memref<10240x128xf32, #tpu.memory_space<vmem_shared>>
        tpu.enqueue_indirect_dma source(%arg9 : memref<128x128xf32, #tpu.memory_space<vmem>>) target(%dma_start3A_137 : memref<10240x128xf32, #tpu.memory_space<vmem_shared>>) offsets(%dma_start3A_134 : memref<128xi32, #tpu.memory_space<vmem>>) semaphore(%arg14 : memref<!tpu.dma_semaphore, #tpu.memory_space<semaphore_mem>>) {add = true}
        %add3A_138 = arith.constant 2 : i32
        %add3A_139 = arith.addi %add3A_87, %add3A_138 : i32
        %dma_start3A_140 = arith.constant 0 : i32
        %dma_start3A_141 = tpu.memref_slice %arg7[%add3A_139, %dma_start3A_140] : memref<40x128xi32, #tpu.memory_space<vmem>> -> memref<1x128xi32, #tpu.memory_space<vmem>>
        %dma_start3A_142 = tpu.memref_squeeze %dma_start3A_141 : memref<1x128xi32, #tpu.memory_space<vmem>> -> memref<128xi32, #tpu.memory_space<vmem>>
        %dma_start3A_143 = arith.constant 0 : i32
        %dma_start3A_144 = arith.constant 0 : i32
        %dma_start3A_145 = tpu.memref_slice %arg2[%dma_start3A_143, %dma_start3A_144] : memref<20000x128xf32, #tpu.memory_space<hbm>> -> memref<20000x128xf32, #tpu.memory_space<hbm>>
        tpu.enqueue_indirect_dma source(%dma_start3A_145 : memref<20000x128xf32, #tpu.memory_space<hbm>>) target(%arg10 : memref<128x128xf32, #tpu.memory_space<vmem>>) offsets(%dma_start3A_142 : memref<128xi32, #tpu.memory_space<vmem>>) semaphore(%arg13 : memref<!tpu.dma_semaphore, #tpu.memory_space<semaphore_mem>>)
      }
      %scan3A_54 = arith.constant 19 : i32
      %dma_wait3A_55 = arith.constant 0 : i32
      %dma_wait3A_56 = arith.constant 0 : i32
      %dma_wait3A_57 = tpu.memref_slice %arg7[%dma_wait3A_55, %dma_wait3A_56] : memref<40x128xi32, #tpu.memory_space<vmem>> -> memref<1x128xi32, #tpu.memory_space<vmem>>
      %dma_wait3A_58 = tpu.memref_squeeze %dma_wait3A_57 : memref<1x128xi32, #tpu.memory_space<vmem>> -> memref<128xi32, #tpu.memory_space<vmem>>
      %dma_wait3A_59 = arith.constant 0 : i32
      %dma_wait3A_60 = arith.constant 0 : i32
      %dma_wait3A_61 = tpu.memref_slice %arg2[%dma_wait3A_59, %dma_wait3A_60] : memref<20000x128xf32, #tpu.memory_space<hbm>> -> memref<20000x128xf32, #tpu.memory_space<hbm>>
      tpu.wait_indirect_dma semaphore(%arg13 : memref<!tpu.dma_semaphore, #tpu.memory_space<semaphore_mem>>) src(%dma_wait3A_61 : memref<20000x128xf32, #tpu.memory_space<hbm>>) dst(%arg10 : memref<128x128xf32, #tpu.memory_space<vmem>>)
      %dma_wait3A_62 = arith.constant 0 : i32
      %dma_wait3A_63 = arith.constant 0 : i32
      %dma_wait3A_64 = tpu.memref_slice %arg8[%dma_wait3A_62, %dma_wait3A_63] : memref<40x128xi32, #tpu.memory_space<vmem>> -> memref<1x128xi32, #tpu.memory_space<vmem>>
      %dma_wait3A_65 = tpu.memref_squeeze %dma_wait3A_64 : memref<1x128xi32, #tpu.memory_space<vmem>> -> memref<128xi32, #tpu.memory_space<vmem>>
      %dma_wait3A_66 = arith.constant 0 : i32
      %dma_wait3A_67 = arith.constant 0 : i32
      %dma_wait3A_68 = tpu.memref_slice %arg11[%dma_wait3A_66, %dma_wait3A_67] : memref<10240x128xf32, #tpu.memory_space<vmem_shared>> -> memref<10240x128xf32, #tpu.memory_space<vmem_shared>>
      tpu.wait_indirect_dma semaphore(%arg14 : memref<!tpu.dma_semaphore, #tpu.memory_space<semaphore_mem>>) src(%arg9 : memref<128x128xf32, #tpu.memory_space<vmem>>) dst(%dma_wait3A_68 : memref<10240x128xf32, #tpu.memory_space<vmem_shared>>)
      %dma_start3A_69 = arith.constant 39 : i32
      %dma_start3A_70 = arith.constant 0 : i32
      %dma_start3A_71 = tpu.memref_slice %arg8[%dma_start3A_69, %dma_start3A_70] : memref<40x128xi32, #tpu.memory_space<vmem>> -> memref<1x128xi32, #tpu.memory_space<vmem>>
      %dma_start3A_72 = tpu.memref_squeeze %dma_start3A_71 : memref<1x128xi32, #tpu.memory_space<vmem>> -> memref<128xi32, #tpu.memory_space<vmem>>
      %dma_start3A_73 = arith.constant 0 : i32
      %dma_start3A_74 = arith.constant 0 : i32
      %dma_start3A_75 = tpu.memref_slice %arg11[%dma_start3A_73, %dma_start3A_74] : memref<10240x128xf32, #tpu.memory_space<vmem_shared>> -> memref<10240x128xf32, #tpu.memory_space<vmem_shared>>
      tpu.enqueue_indirect_dma source(%arg10 : memref<128x128xf32, #tpu.memory_space<vmem>>) target(%dma_start3A_75 : memref<10240x128xf32, #tpu.memory_space<vmem_shared>>) offsets(%dma_start3A_72 : memref<128xi32, #tpu.memory_space<vmem>>) semaphore(%arg15 : memref<!tpu.dma_semaphore, #tpu.memory_space<semaphore_mem>>) {add = true}
      %dma_wait3A_76 = arith.constant 0 : i32
      %dma_wait3A_77 = arith.constant 0 : i32
      %dma_wait3A_78 = tpu.memref_slice %arg8[%dma_wait3A_76, %dma_wait3A_77] : memref<40x128xi32, #tpu.memory_space<vmem>> -> memref<1x128xi32, #tpu.memory_space<vmem>>
      %dma_wait3A_79 = tpu.memref_squeeze %dma_wait3A_78 : memref<1x128xi32, #tpu.memory_space<vmem>> -> memref<128xi32, #tpu.memory_space<vmem>>
      %dma_wait3A_80 = arith.constant 0 : i32
      %dma_wait3A_81 = arith.constant 0 : i32
      %dma_wait3A_82 = tpu.memref_slice %arg11[%dma_wait3A_80, %dma_wait3A_81] : memref<10240x128xf32, #tpu.memory_space<vmem_shared>> -> memref<10240x128xf32, #tpu.memory_space<vmem_shared>>
      tpu.wait_indirect_dma semaphore(%arg15 : memref<!tpu.dma_semaphore, #tpu.memory_space<semaphore_mem>>) src(%arg10 : memref<128x128xf32, #tpu.memory_space<vmem>>) dst(%dma_wait3A_82 : memref<10240x128xf32, #tpu.memory_space<vmem_shared>>)
    }
    %scan3A_11 = arith.constant 4 : i32
    %barrier3A_12 = arith.constant 0 : index
    tpu.barrier barrier_id(%barrier3A_12)
    %mul3A_13 = arith.constant 640 : i32
    %mul3A_14 = arith.muli %arg1, %mul3A_13 : i32
    %mul3A_15 = arith.constant 640 : i32
    %mul3A_16 = arith.muli %arg1, %mul3A_15 : i32
    "tpu.region"() ({
      %run_scoped3A = tpu.sem_alloc : memref<!tpu.dma_semaphore, #tpu.memory_space<semaphore_mem>>
      %dma_start3A = arith.constant 0 : i32
      %dma_start3A_17 = arith.constant 0 : i32
      %dma_start3A_18 = tpu.memref_slice %arg6[%arg0, %dma_start3A, %dma_start3A_17] : memref<2x10240x128xf32, #tpu.memory_space<hbm>> -> memref<1x10240x128xf32, #tpu.memory_space<hbm>>
      %dma_start3A_19 = tpu.memref_squeeze %dma_start3A_18 : memref<1x10240x128xf32, #tpu.memory_space<hbm>> -> memref<10240x128xf32, #tpu.memory_space<hbm>>
      %dma_start3A_20 = arith.constant 0 : i32
      %dma_start3A_21 = tpu.memref_slice %dma_start3A_19[%mul3A_16, %dma_start3A_20] : memref<10240x128xf32, #tpu.memory_space<hbm>> -> memref<640x128xf32, #tpu.memory_space<hbm>>
      %dma_start3A_22 = arith.constant 0 : i32
      %dma_start3A_23 = tpu.memref_slice %arg11[%mul3A_14, %dma_start3A_22] : memref<10240x128xf32, #tpu.memory_space<vmem_shared>> -> memref<640x128xf32, #tpu.memory_space<vmem_shared>>
      tpu.enqueue_dma source(%dma_start3A_23 : memref<640x128xf32, #tpu.memory_space<vmem_shared>>) target(%dma_start3A_21 : memref<640x128xf32, #tpu.memory_space<hbm>>) target_semaphore(%run_scoped3A : memref<!tpu.dma_semaphore, #tpu.memory_space<semaphore_mem>>)
      %dma_wait3A = arith.constant 0 : i32
      %dma_wait3A_24 = arith.constant 0 : i32
      %dma_wait3A_25 = tpu.memref_slice %arg6[%arg0, %dma_wait3A, %dma_wait3A_24] : memref<2x10240x128xf32, #tpu.memory_space<hbm>> -> memref<1x10240x128xf32, #tpu.memory_space<hbm>>
      %dma_wait3A_26 = tpu.memref_squeeze %dma_wait3A_25 : memref<1x10240x128xf32, #tpu.memory_space<hbm>> -> memref<10240x128xf32, #tpu.memory_space<hbm>>
      %dma_wait3A_27 = arith.constant 0 : i32
      %dma_wait3A_28 = tpu.memref_slice %dma_wait3A_26[%mul3A_16, %dma_wait3A_27] : memref<10240x128xf32, #tpu.memory_space<hbm>> -> memref<640x128xf32, #tpu.memory_space<hbm>>
      %dma_wait3A_29 = arith.constant 0 : i32
      %dma_wait3A_30 = tpu.memref_slice %arg11[%mul3A_14, %dma_wait3A_29] : memref<10240x128xf32, #tpu.memory_space<vmem_shared>> -> memref<640x128xf32, #tpu.memory_space<vmem_shared>>
      tpu.wait_dma2 semaphore(%run_scoped3A : memref<!tpu.dma_semaphore, #tpu.memory_space<semaphore_mem>>) src(%dma_wait3A_30 : memref<640x128xf32, #tpu.memory_space<vmem_shared>>) dst(%dma_wait3A_28 : memref<640x128xf32, #tpu.memory_space<hbm>>)
      tpu.yield
    }) : () -> ()
    return
  }
}

module attributes {stable_mosaic.version = 14 : i64} {
  func.func @_prep_body(%arg0: i32, %arg1: memref<2x2000x128xf32, #tpu.memory_space<vmem>>, %arg2: memref<2000x128xf32, #tpu.memory_space<vmem>>, %arg3: memref<2000x128xf32, #tpu.memory_space<vmem>>, %arg4: memref<2000x128xf32, #tpu.memory_space<vmem>>) attributes {dimension_semantics = [#tpu.dimension_semantics<arbitrary>], iteration_bounds = array<i64: 5>, scalar_prefetch = 0 : i64, scratch_operands = 0 : i64, tpu.core_type = #tpu.core_type<tc>, window_params = [{transform_indices = @transform_0, window_bounds = array<i64: 2, 2000, 128>}, {transform_indices = @transform_1, window_bounds = array<i64: 2000, 128>}, {transform_indices = @transform_2, window_bounds = array<i64: 2000, 128>}, {transform_indices = @transform_3, window_bounds = array<i64: 2000, 128>}]} {
    %get3A = arith.constant 0 : index
    %get3A_0 = arith.constant 0 : index
    %get3A_1 = arith.constant 0 : index
    %get3A_2 = vector.load %arg1[%get3A, %get3A_0, %get3A_1] : memref<2x2000x128xf32, #tpu.memory_space<vmem>>, vector<1x2000x1xf32>
    %get3A_3 = vector.shape_cast %get3A_2 : vector<1x2000x1xf32> to vector<2000x1xf32>
    %get3A_4 = arith.constant 1 : index
    %get3A_5 = arith.constant 0 : index
    %get3A_6 = arith.constant 0 : index
    %get3A_7 = vector.load %arg1[%get3A_4, %get3A_5, %get3A_6] : memref<2x2000x128xf32, #tpu.memory_space<vmem>>, vector<1x2000x1xf32>
    %get3A_8 = vector.shape_cast %get3A_7 : vector<1x2000x1xf32> to vector<2000x1xf32>
    %add3A = arith.addf %get3A_3, %get3A_8 : vector<2000x1xf32>
    %add3A_9 = arith.constant 1.000000e+00 : f32
    %add3A_10 = vector.broadcast %add3A_9 : f32 to vector<2000x1xf32>
    %add3A_11 = arith.addf %add3A, %add3A_10 : vector<2000x1xf32>
    %rsqrt3A = math.rsqrt %add3A_11 : vector<2000x1xf32>
    %broadcast_in_dim3A = vector.shape_cast %rsqrt3A : vector<2000x1xf32> to vector<2000x1xf32>
    %broadcast_in_dim3A_12 = vector.broadcast %broadcast_in_dim3A : vector<2000x1xf32> to vector<2000x128xf32>
    %swap3A = arith.constant 0 : index
    %swap3A_13 = arith.constant 0 : index
    %swap3A_14 = vector.load %arg3[%swap3A, %swap3A_13] : memref<2000x128xf32, #tpu.memory_space<vmem>>, vector<2000x128xf32>
    tpu.vector_store %arg3[%swap3A, %swap3A_13], %broadcast_in_dim3A_12 {strides = array<i32>} : memref<2000x128xf32, #tpu.memory_space<vmem>>, vector<2000x128xf32>,
    %get3A_15 = arith.constant 0 : index
    %get3A_16 = arith.constant 0 : index
    %get3A_17 = vector.load %arg2[%get3A_15, %get3A_16] : memref<2000x128xf32, #tpu.memory_space<vmem>>, vector<2000x128xf32>
    %mul3A = vector.broadcast %rsqrt3A : vector<2000x1xf32> to vector<2000x128xf32>
    %mul3A_18 = arith.mulf %mul3A, %get3A_17 : vector<2000x128xf32>
    %swap3A_19 = arith.constant 0 : index
    %swap3A_20 = arith.constant 0 : index
    %swap3A_21 = vector.load %arg4[%swap3A_19, %swap3A_20] : memref<2000x128xf32, #tpu.memory_space<vmem>>, vector<2000x128xf32>
    tpu.vector_store %arg4[%swap3A_19, %swap3A_20], %mul3A_18 {strides = array<i32>} : memref<2000x128xf32, #tpu.memory_space<vmem>>, vector<2000x128xf32>,
    return
  }
  func.func @transform_0(%arg0: i32) -> (i32, i32, i32) {
    %c0_i32 = arith.constant 0 : i32
    %c0_i32_0 = arith.constant 0 : i32
    %c0_i32_1 = arith.constant 0 : i32
    return %c0_i32, %arg0, %c0_i32_0 : i32, i32, i32
  }
  func.func @transform_1(%arg0: i32) -> (i32, i32) {
    %c0_i32 = arith.constant 0 : i32
    %c0_i32_0 = arith.constant 0 : i32
    return %arg0, %c0_i32 : i32, i32
  }
  func.func @transform_2(%arg0: i32) -> (i32, i32) {
    %c0_i32 = arith.constant 0 : i32
    %c0_i32_0 = arith.constant 0 : i32
    return %arg0, %c0_i32 : i32, i32
  }
  func.func @transform_3(%arg0: i32) -> (i32, i32) {
    %c0_i32 = arith.constant 0 : i32
    %c0_i32_0 = arith.constant 0 : i32
    return %arg0, %c0_i32 : i32, i32
  }
}

module attributes {stable_mosaic.version = 14 : i64} {
  func.func @_layer1_body(%arg0: i32, %arg1: memref<2x2000x128xf32, #tpu.memory_space<vmem>>, %arg2: memref<2000x128xf32, #tpu.memory_space<vmem>>, %arg3: memref<2000x128xf32, #tpu.memory_space<vmem>>, %arg4: memref<128x256xf32, #tpu.memory_space<vmem>>, %arg5: memref<8x256xf32, #tpu.memory_space<vmem>>, %arg6: memref<2x2000x128xf32, #tpu.memory_space<vmem>>) attributes {dimension_semantics = [#tpu.dimension_semantics<arbitrary>], iteration_bounds = array<i64: 5>, scalar_prefetch = 0 : i64, scratch_operands = 0 : i64, tpu.core_type = #tpu.core_type<tc>, window_params = [{transform_indices = @transform_0, window_bounds = array<i64: 2, 2000, 128>}, {transform_indices = @transform_1, window_bounds = array<i64: 2000, 128>}, {transform_indices = @transform_2, window_bounds = array<i64: 2000, 128>}, {pipeline_mode = #tpu.pipeline_mode<synchronous>, transform_indices = @transform_3, window_bounds = array<i64: 128, 256>}, {pipeline_mode = #tpu.pipeline_mode<synchronous>, transform_indices = @transform_4, window_bounds = array<i64: 8, 256>}, {transform_indices = @transform_5, window_bounds = array<i64: 2, 2000, 128>}]} {
    %get3A = arith.constant 0 : index
    %get3A_0 = arith.constant 0 : index
    %get3A_1 = vector.load %arg3[%get3A, %get3A_0] : memref<2000x128xf32, #tpu.memory_space<vmem>>, vector<2000x1xf32>
    %get3A_2 = arith.constant 0 : index
    %get3A_3 = arith.constant 0 : index
    %get3A_4 = arith.constant 0 : index
    %get3A_5 = vector.load %arg1[%get3A_2, %get3A_3, %get3A_4] : memref<2x2000x128xf32, #tpu.memory_space<vmem>>, vector<1x2000x128xf32>
    %get3A_6 = vector.shape_cast %get3A_5 : vector<1x2000x128xf32> to vector<2000x128xf32>
    %get3A_7 = arith.constant 1 : index
    %get3A_8 = arith.constant 0 : index
    %get3A_9 = arith.constant 0 : index
    %get3A_10 = vector.load %arg1[%get3A_7, %get3A_8, %get3A_9] : memref<2x2000x128xf32, #tpu.memory_space<vmem>>, vector<1x2000x128xf32>
    %get3A_11 = vector.shape_cast %get3A_10 : vector<1x2000x128xf32> to vector<2000x128xf32>
    %add3A = arith.addf %get3A_6, %get3A_11 : vector<2000x128xf32>
    %get3A_12 = arith.constant 0 : index
    %get3A_13 = arith.constant 0 : index
    %get3A_14 = vector.load %arg2[%get3A_12, %get3A_13] : memref<2000x128xf32, #tpu.memory_space<vmem>>, vector<2000x128xf32>
    %add3A_15 = arith.addf %add3A, %get3A_14 : vector<2000x128xf32>
    %mul3A = vector.broadcast %get3A_1 : vector<2000x1xf32> to vector<2000x128xf32>
    %mul3A_16 = arith.mulf %mul3A, %add3A_15 : vector<2000x128xf32>
    %get3A_17 = arith.constant 0 : index
    %get3A_18 = arith.constant 0 : index
    %get3A_19 = vector.load %arg4[%get3A_17, %get3A_18] : memref<128x256xf32, #tpu.memory_space<vmem>>, vector<128x256xf32>
    %dot_general3A = arith.constant dense<0.000000e+00> : vector<2000x256xf32>
    %dot_general3A_20 = tpu.matmul %mul3A_16, %get3A_19, %dot_general3A {dimension_numbers = #tpu.dot_dimension_numbers<[1], [0], [0], [1], [0, 0, 1, 1], [], []>, transpose_lhs_hint = false} : vector<2000x128xf32>, vector<128x256xf32>, vector<2000x256xf32> -> vector<2000x256xf32>
    %get3A_21 = arith.constant 0 : index
    %get3A_22 = arith.constant 0 : index
    %get3A_23 = vector.load %arg5[%get3A_21, %get3A_22] : memref<8x256xf32, #tpu.memory_space<vmem>>, vector<1x256xf32>
    %get3A_24 = vector.shape_cast %get3A_23 : vector<1x256xf32> to vector<256xf32>
    %broadcast_in_dim3A = vector.shape_cast %get3A_24 : vector<256xf32> to vector<1x256xf32>
    %add3A_25 = vector.broadcast %broadcast_in_dim3A : vector<1x256xf32> to vector<2000x256xf32>
    %add3A_26 = arith.addf %dot_general3A_20, %add3A_25 : vector<2000x256xf32>
    %max3A = arith.constant 0.000000e+00 : f32
    %max3A_27 = vector.broadcast %max3A : f32 to vector<2000x256xf32>
    %max3A_28 = arith.maximumf %add3A_26, %max3A_27 : vector<2000x256xf32>
    %mul3A_29 = vector.broadcast %get3A_1 : vector<2000x1xf32> to vector<2000x256xf32>
    %mul3A_30 = arith.mulf %mul3A_29, %max3A_28 : vector<2000x256xf32>
    %slice3A = vector.extract_strided_slice %mul3A_30 {offsets = [0, 0], sizes = [2000, 128], strides = [1, 1]} : vector<2000x256xf32> to vector<2000x128xf32>
    %swap3A = arith.constant 0 : index
    %swap3A_31 = arith.constant 0 : index
    %swap3A_32 = arith.constant 0 : index
    %swap3A_33 = vector.load %arg6[%swap3A, %swap3A_31, %swap3A_32] : memref<2x2000x128xf32, #tpu.memory_space<vmem>>, vector<1x2000x128xf32>
    %swap3A_34 = vector.shape_cast %swap3A_33 : vector<1x2000x128xf32> to vector<2000x128xf32>
    %swap3A_35 = vector.shape_cast %slice3A : vector<2000x128xf32> to vector<1x2000x128xf32>
    tpu.vector_store %arg6[%swap3A, %swap3A_31, %swap3A_32], %swap3A_35 {strides = array<i32>} : memref<2x2000x128xf32, #tpu.memory_space<vmem>>, vector<1x2000x128xf32>,
    %slice3A_36 = vector.extract_strided_slice %mul3A_30 {offsets = [0, 128], sizes = [2000, 128], strides = [1, 1]} : vector<2000x256xf32> to vector<2000x128xf32>
    %swap3A_37 = arith.constant 1 : index
    %swap3A_38 = arith.constant 0 : index
    %swap3A_39 = arith.constant 0 : index
    %swap3A_40 = vector.load %arg6[%swap3A_37, %swap3A_38, %swap3A_39] : memref<2x2000x128xf32, #tpu.memory_space<vmem>>, vector<1x2000x128xf32>
    %swap3A_41 = vector.shape_cast %swap3A_40 : vector<1x2000x128xf32> to vector<2000x128xf32>
    %swap3A_42 = vector.shape_cast %slice3A_36 : vector<2000x128xf32> to vector<1x2000x128xf32>
    tpu.vector_store %arg6[%swap3A_37, %swap3A_38, %swap3A_39], %swap3A_42 {strides = array<i32>} : memref<2x2000x128xf32, #tpu.memory_space<vmem>>, vector<1x2000x128xf32>,
    return
  }
  func.func @transform_0(%arg0: i32) -> (i32, i32, i32) {
    %c0_i32 = arith.constant 0 : i32
    %c0_i32_0 = arith.constant 0 : i32
    %c0_i32_1 = arith.constant 0 : i32
    return %c0_i32, %arg0, %c0_i32_0 : i32, i32, i32
  }
  func.func @transform_1(%arg0: i32) -> (i32, i32) {
    %c0_i32 = arith.constant 0 : i32
    %c0_i32_0 = arith.constant 0 : i32
    return %arg0, %c0_i32 : i32, i32
  }
  func.func @transform_2(%arg0: i32) -> (i32, i32) {
    %c0_i32 = arith.constant 0 : i32
    %c0_i32_0 = arith.constant 0 : i32
    return %arg0, %c0_i32 : i32, i32
  }
  func.func @transform_3(%arg0: i32) -> (i32, i32) {
    %c0_i32 = arith.constant 0 : i32
    %c0_i32_0 = arith.constant 0 : i32
    %c0_i32_1 = arith.constant 0 : i32
    return %c0_i32, %c0_i32_0 : i32, i32
  }
  func.func @transform_4(%arg0: i32) -> (i32, i32) {
    %c0_i32 = arith.constant 0 : i32
    %c0_i32_0 = arith.constant 0 : i32
    %c0_i32_1 = arith.constant 0 : i32
    return %c0_i32, %c0_i32_0 : i32, i32
  }
  func.func @transform_5(%arg0: i32) -> (i32, i32, i32) {
    %c0_i32 = arith.constant 0 : i32
    %c0_i32_0 = arith.constant 0 : i32
    %c0_i32_1 = arith.constant 0 : i32
    return %c0_i32, %arg0, %c0_i32_0 : i32, i32, i32
  }
}

module attributes {stable_mosaic.version = 14 : i64} {
  func.func @_layer2_body(%arg0: i32, %arg1: memref<2x2000x128xf32, #tpu.memory_space<vmem>>, %arg2: memref<2x2000x128xf32, #tpu.memory_space<vmem>>, %arg3: memref<2000x128xf32, #tpu.memory_space<vmem>>, %arg4: memref<2x128x256xf32, #tpu.memory_space<vmem>>, %arg5: memref<8x256xf32, #tpu.memory_space<vmem>>, %arg6: memref<2x2000x128xf32, #tpu.memory_space<vmem>>) attributes {dimension_semantics = [#tpu.dimension_semantics<arbitrary>], iteration_bounds = array<i64: 5>, scalar_prefetch = 0 : i64, scratch_operands = 0 : i64, tpu.core_type = #tpu.core_type<tc>, window_params = [{transform_indices = @transform_0, window_bounds = array<i64: 2, 2000, 128>}, {transform_indices = @transform_1, window_bounds = array<i64: 2, 2000, 128>}, {transform_indices = @transform_2, window_bounds = array<i64: 2000, 128>}, {pipeline_mode = #tpu.pipeline_mode<synchronous>, transform_indices = @transform_3, window_bounds = array<i64: 2, 128, 256>}, {pipeline_mode = #tpu.pipeline_mode<synchronous>, transform_indices = @transform_4, window_bounds = array<i64: 8, 256>}, {transform_indices = @transform_5, window_bounds = array<i64: 2, 2000, 128>}]} {
    %get3A = arith.constant 0 : index
    %get3A_0 = arith.constant 0 : index
    %get3A_1 = vector.load %arg3[%get3A, %get3A_0] : memref<2000x128xf32, #tpu.memory_space<vmem>>, vector<2000x1xf32>
    %get3A_2 = arith.constant 0 : index
    %get3A_3 = arith.constant 0 : index
    %get3A_4 = arith.constant 0 : index
    %get3A_5 = vector.load %arg1[%get3A_2, %get3A_3, %get3A_4] : memref<2x2000x128xf32, #tpu.memory_space<vmem>>, vector<1x2000x128xf32>
    %get3A_6 = vector.shape_cast %get3A_5 : vector<1x2000x128xf32> to vector<2000x128xf32>
    %get3A_7 = arith.constant 0 : index
    %get3A_8 = arith.constant 0 : index
    %get3A_9 = arith.constant 0 : index
    %get3A_10 = vector.load %arg2[%get3A_7, %get3A_8, %get3A_9] : memref<2x2000x128xf32, #tpu.memory_space<vmem>>, vector<1x2000x128xf32>
    %get3A_11 = vector.shape_cast %get3A_10 : vector<1x2000x128xf32> to vector<2000x128xf32>
    %add3A = arith.addf %get3A_6, %get3A_11 : vector<2000x128xf32>
    %mul3A = vector.broadcast %get3A_1 : vector<2000x1xf32> to vector<2000x128xf32>
    %mul3A_12 = arith.mulf %mul3A, %add3A : vector<2000x128xf32>
    %get3A_13 = arith.constant 1 : index
    %get3A_14 = arith.constant 0 : index
    %get3A_15 = arith.constant 0 : index
    %get3A_16 = vector.load %arg1[%get3A_13, %get3A_14, %get3A_15] : memref<2x2000x128xf32, #tpu.memory_space<vmem>>, vector<1x2000x128xf32>
    %get3A_17 = vector.shape_cast %get3A_16 : vector<1x2000x128xf32> to vector<2000x128xf32>
    %get3A_18 = arith.constant 1 : index
    %get3A_19 = arith.constant 0 : index
    %get3A_20 = arith.constant 0 : index
    %get3A_21 = vector.load %arg2[%get3A_18, %get3A_19, %get3A_20] : memref<2x2000x128xf32, #tpu.memory_space<vmem>>, vector<1x2000x128xf32>
    %get3A_22 = vector.shape_cast %get3A_21 : vector<1x2000x128xf32> to vector<2000x128xf32>
    %add3A_23 = arith.addf %get3A_17, %get3A_22 : vector<2000x128xf32>
    %mul3A_24 = vector.broadcast %get3A_1 : vector<2000x1xf32> to vector<2000x128xf32>
    %mul3A_25 = arith.mulf %mul3A_24, %add3A_23 : vector<2000x128xf32>
    %get3A_26 = arith.constant 0 : index
    %get3A_27 = arith.constant 0 : index
    %get3A_28 = arith.constant 0 : index
    %get3A_29 = vector.load %arg4[%get3A_26, %get3A_27, %get3A_28] : memref<2x128x256xf32, #tpu.memory_space<vmem>>, vector<1x128x256xf32>
    %get3A_30 = vector.shape_cast %get3A_29 : vector<1x128x256xf32> to vector<128x256xf32>
    %dot_general3A = arith.constant dense<0.000000e+00> : vector<2000x256xf32>
    %dot_general3A_31 = tpu.matmul %mul3A_12, %get3A_30, %dot_general3A {dimension_numbers = #tpu.dot_dimension_numbers<[1], [0], [0], [1], [0, 0, 1, 1], [], []>, transpose_lhs_hint = false} : vector<2000x128xf32>, vector<128x256xf32>, vector<2000x256xf32> -> vector<2000x256xf32>
    %get3A_32 = arith.constant 1 : index
    %get3A_33 = arith.constant 0 : index
    %get3A_34 = arith.constant 0 : index
    %get3A_35 = vector.load %arg4[%get3A_32, %get3A_33, %get3A_34] : memref<2x128x256xf32, #tpu.memory_space<vmem>>, vector<1x128x256xf32>
    %get3A_36 = vector.shape_cast %get3A_35 : vector<1x128x256xf32> to vector<128x256xf32>
    %dot_general3A_37 = arith.constant dense<0.000000e+00> : vector<2000x256xf32>
    %dot_general3A_38 = tpu.matmul %mul3A_25, %get3A_36, %dot_general3A_37 {dimension_numbers = #tpu.dot_dimension_numbers<[1], [0], [0], [1], [0, 0, 1, 1], [], []>, transpose_lhs_hint = false} : vector<2000x128xf32>, vector<128x256xf32>, vector<2000x256xf32> -> vector<2000x256xf32>
    %add3A_39 = arith.addf %dot_general3A_31, %dot_general3A_38 : vector<2000x256xf32>
    %get3A_40 = arith.constant 0 : index
    %get3A_41 = arith.constant 0 : index
    %get3A_42 = vector.load %arg5[%get3A_40, %get3A_41] : memref<8x256xf32, #tpu.memory_space<vmem>>, vector<1x256xf32>
    %get3A_43 = vector.shape_cast %get3A_42 : vector<1x256xf32> to vector<256xf32>
    %broadcast_in_dim3A = vector.shape_cast %get3A_43 : vector<256xf32> to vector<1x256xf32>
    %add3A_44 = vector.broadcast %broadcast_in_dim3A : vector<1x256xf32> to vector<2000x256xf32>
    %add3A_45 = arith.addf %add3A_39, %add3A_44 : vector<2000x256xf32>
    %max3A = arith.constant 0.000000e+00 : f32
    %max3A_46 = vector.broadcast %max3A : f32 to vector<2000x256xf32>
    %max3A_47 = arith.maximumf %add3A_45, %max3A_46 : vector<2000x256xf32>
    %mul3A_48 = vector.broadcast %get3A_1 : vector<2000x1xf32> to vector<2000x256xf32>
    %mul3A_49 = arith.mulf %mul3A_48, %max3A_47 : vector<2000x256xf32>
    %slice3A = vector.extract_strided_slice %mul3A_49 {offsets = [0, 0], sizes = [2000, 128], strides = [1, 1]} : vector<2000x256xf32> to vector<2000x128xf32>
    %swap3A = arith.constant 0 : index
    %swap3A_50 = arith.constant 0 : index
    %swap3A_51 = arith.constant 0 : index
    %swap3A_52 = vector.load %arg6[%swap3A, %swap3A_50, %swap3A_51] : memref<2x2000x128xf32, #tpu.memory_space<vmem>>, vector<1x2000x128xf32>
    %swap3A_53 = vector.shape_cast %swap3A_52 : vector<1x2000x128xf32> to vector<2000x128xf32>
    %swap3A_54 = vector.shape_cast %slice3A : vector<2000x128xf32> to vector<1x2000x128xf32>
    tpu.vector_store %arg6[%swap3A, %swap3A_50, %swap3A_51], %swap3A_54 {strides = array<i32>} : memref<2x2000x128xf32, #tpu.memory_space<vmem>>, vector<1x2000x128xf32>,
    %slice3A_55 = vector.extract_strided_slice %mul3A_49 {offsets = [0, 128], sizes = [2000, 128], strides = [1, 1]} : vector<2000x256xf32> to vector<2000x128xf32>
    %swap3A_56 = arith.constant 1 : index
    %swap3A_57 = arith.constant 0 : index
    %swap3A_58 = arith.constant 0 : index
    %swap3A_59 = vector.load %arg6[%swap3A_56, %swap3A_57, %swap3A_58] : memref<2x2000x128xf32, #tpu.memory_space<vmem>>, vector<1x2000x128xf32>
    %swap3A_60 = vector.shape_cast %swap3A_59 : vector<1x2000x128xf32> to vector<2000x128xf32>
    %swap3A_61 = vector.shape_cast %slice3A_55 : vector<2000x128xf32> to vector<1x2000x128xf32>
    tpu.vector_store %arg6[%swap3A_56, %swap3A_57, %swap3A_58], %swap3A_61 {strides = array<i32>} : memref<2x2000x128xf32, #tpu.memory_space<vmem>>, vector<1x2000x128xf32>,
    return
  }
  func.func @transform_0(%arg0: i32) -> (i32, i32, i32) {
    %c0_i32 = arith.constant 0 : i32
    %c0_i32_0 = arith.constant 0 : i32
    %c0_i32_1 = arith.constant 0 : i32
    return %c0_i32, %arg0, %c0_i32_0 : i32, i32, i32
  }
  func.func @transform_1(%arg0: i32) -> (i32, i32, i32) {
    %c0_i32 = arith.constant 0 : i32
    %c0_i32_0 = arith.constant 0 : i32
    %c0_i32_1 = arith.constant 0 : i32
    return %c0_i32, %arg0, %c0_i32_0 : i32, i32, i32
  }
  func.func @transform_2(%arg0: i32) -> (i32, i32) {
    %c0_i32 = arith.constant 0 : i32
    %c0_i32_0 = arith.constant 0 : i32
    return %arg0, %c0_i32 : i32, i32
  }
  func.func @transform_3(%arg0: i32) -> (i32, i32, i32) {
    %c0_i32 = arith.constant 0 : i32
    %c0_i32_0 = arith.constant 0 : i32
    %c0_i32_1 = arith.constant 0 : i32
    %c0_i32_2 = arith.constant 0 : i32
    return %c0_i32, %c0_i32_0, %c0_i32_1 : i32, i32, i32
  }
  func.func @transform_4(%arg0: i32) -> (i32, i32) {
    %c0_i32 = arith.constant 0 : i32
    %c0_i32_0 = arith.constant 0 : i32
    %c0_i32_1 = arith.constant 0 : i32
    return %c0_i32, %c0_i32_0 : i32, i32
  }
  func.func @transform_5(%arg0: i32) -> (i32, i32, i32) {
    %c0_i32 = arith.constant 0 : i32
    %c0_i32_0 = arith.constant 0 : i32
    %c0_i32_1 = arith.constant 0 : i32
    return %c0_i32, %arg0, %c0_i32_0 : i32, i32, i32
  }
}

module attributes {stable_mosaic.version = 14 : i64} {
  func.func @_final_body(%arg0: i32, %arg1: memref<2x2000x128xf32, #tpu.memory_space<vmem>>, %arg2: memref<2x2000x128xf32, #tpu.memory_space<vmem>>, %arg3: memref<2000x128xf32, #tpu.memory_space<vmem>>, %arg4: memref<2x128x256xf32, #tpu.memory_space<vmem>>, %arg5: memref<8x256xf32, #tpu.memory_space<vmem>>, %arg6: memref<2000x128xi32, #tpu.memory_space<vmem>>, %arg7: memref<256x128xf32, #tpu.memory_space<vmem>>, %arg8: memref<8x128xf32, #tpu.memory_space<vmem>>, %arg9: memref<128x128xf32, #tpu.memory_space<vmem>>, %arg10: memref<8x128xf32, #tpu.memory_space<vmem>>, %arg11: memref<64x256xf32, #tpu.memory_space<vmem>>, %arg12: memref<64x256xf32, #tpu.memory_space<vmem>>, %arg13: memref<64x128xf32, #tpu.memory_space<vmem>>) attributes {dimension_semantics = [#tpu.dimension_semantics<arbitrary>], iteration_bounds = array<i64: 5>, scalar_prefetch = 0 : i64, scratch_operands = 0 : i64, tpu.core_type = #tpu.core_type<tc>, window_params = [{transform_indices = @transform_0, window_bounds = array<i64: 2, 2000, 128>}, {transform_indices = @transform_1, window_bounds = array<i64: 2, 2000, 128>}, {transform_indices = @transform_2, window_bounds = array<i64: 2000, 128>}, {pipeline_mode = #tpu.pipeline_mode<synchronous>, transform_indices = @transform_3, window_bounds = array<i64: 2, 128, 256>}, {pipeline_mode = #tpu.pipeline_mode<synchronous>, transform_indices = @transform_4, window_bounds = array<i64: 8, 256>}, {transform_indices = @transform_5, window_bounds = array<i64: 2000, 128>}, {pipeline_mode = #tpu.pipeline_mode<synchronous>, transform_indices = @transform_6, window_bounds = array<i64: 256, 128>}, {pipeline_mode = #tpu.pipeline_mode<synchronous>, transform_indices = @transform_7, window_bounds = array<i64: 8, 128>}, {pipeline_mode = #tpu.pipeline_mode<synchronous>, transform_indices = @transform_8, window_bounds = array<i64: 128, 128>}, {pipeline_mode = #tpu.pipeline_mode<synchronous>, transform_indices = @transform_9, window_bounds = array<i64: 8, 128>}, {pipeline_mode = #tpu.pipeline_mode<synchronous>, transform_indices = @transform_10, window_bounds = array<i64: 64, 256>}, {pipeline_mode = #tpu.pipeline_mode<synchronous>, transform_indices = @transform_11, window_bounds = array<i64: 64, 256>}, {pipeline_mode = #tpu.pipeline_mode<synchronous>, transform_indices = @transform_12, window_bounds = array<i64: 64, 128>}]} {
    %get3A = arith.constant 0 : index
    %get3A_0 = arith.constant 0 : index
    %get3A_1 = vector.load %arg3[%get3A, %get3A_0] : memref<2000x128xf32, #tpu.memory_space<vmem>>, vector<2000x1xf32>
    %get3A_2 = arith.constant 0 : index
    %get3A_3 = arith.constant 0 : index
    %get3A_4 = arith.constant 0 : index
    %get3A_5 = vector.load %arg1[%get3A_2, %get3A_3, %get3A_4] : memref<2x2000x128xf32, #tpu.memory_space<vmem>>, vector<1x2000x128xf32>
    %get3A_6 = vector.shape_cast %get3A_5 : vector<1x2000x128xf32> to vector<2000x128xf32>
    %get3A_7 = arith.constant 0 : index
    %get3A_8 = arith.constant 0 : index
    %get3A_9 = arith.constant 0 : index
    %get3A_10 = vector.load %arg2[%get3A_7, %get3A_8, %get3A_9] : memref<2x2000x128xf32, #tpu.memory_space<vmem>>, vector<1x2000x128xf32>
    %get3A_11 = vector.shape_cast %get3A_10 : vector<1x2000x128xf32> to vector<2000x128xf32>
    %add3A = arith.addf %get3A_6, %get3A_11 : vector<2000x128xf32>
    %mul3A = vector.broadcast %get3A_1 : vector<2000x1xf32> to vector<2000x128xf32>
    %mul3A_12 = arith.mulf %mul3A, %add3A : vector<2000x128xf32>
    %get3A_13 = arith.constant 1 : index
    %get3A_14 = arith.constant 0 : index
    %get3A_15 = arith.constant 0 : index
    %get3A_16 = vector.load %arg1[%get3A_13, %get3A_14, %get3A_15] : memref<2x2000x128xf32, #tpu.memory_space<vmem>>, vector<1x2000x128xf32>
    %get3A_17 = vector.shape_cast %get3A_16 : vector<1x2000x128xf32> to vector<2000x128xf32>
    %get3A_18 = arith.constant 1 : index
    %get3A_19 = arith.constant 0 : index
    %get3A_20 = arith.constant 0 : index
    %get3A_21 = vector.load %arg2[%get3A_18, %get3A_19, %get3A_20] : memref<2x2000x128xf32, #tpu.memory_space<vmem>>, vector<1x2000x128xf32>
    %get3A_22 = vector.shape_cast %get3A_21 : vector<1x2000x128xf32> to vector<2000x128xf32>
    %add3A_23 = arith.addf %get3A_17, %get3A_22 : vector<2000x128xf32>
    %mul3A_24 = vector.broadcast %get3A_1 : vector<2000x1xf32> to vector<2000x128xf32>
    %mul3A_25 = arith.mulf %mul3A_24, %add3A_23 : vector<2000x128xf32>
    %get3A_26 = arith.constant 0 : index
    %get3A_27 = arith.constant 0 : index
    %get3A_28 = arith.constant 0 : index
    %get3A_29 = vector.load %arg4[%get3A_26, %get3A_27, %get3A_28] : memref<2x128x256xf32, #tpu.memory_space<vmem>>, vector<1x128x256xf32>
    %get3A_30 = vector.shape_cast %get3A_29 : vector<1x128x256xf32> to vector<128x256xf32>
    %dot_general3A = arith.constant dense<0.000000e+00> : vector<2000x256xf32>
    %dot_general3A_31 = tpu.matmul %mul3A_12, %get3A_30, %dot_general3A {dimension_numbers = #tpu.dot_dimension_numbers<[1], [0], [0], [1], [0, 0, 1, 1], [], []>, transpose_lhs_hint = false} : vector<2000x128xf32>, vector<128x256xf32>, vector<2000x256xf32> -> vector<2000x256xf32>
    %get3A_32 = arith.constant 1 : index
    %get3A_33 = arith.constant 0 : index
    %get3A_34 = arith.constant 0 : index
    %get3A_35 = vector.load %arg4[%get3A_32, %get3A_33, %get3A_34] : memref<2x128x256xf32, #tpu.memory_space<vmem>>, vector<1x128x256xf32>
    %get3A_36 = vector.shape_cast %get3A_35 : vector<1x128x256xf32> to vector<128x256xf32>
    %dot_general3A_37 = arith.constant dense<0.000000e+00> : vector<2000x256xf32>
    %dot_general3A_38 = tpu.matmul %mul3A_25, %get3A_36, %dot_general3A_37 {dimension_numbers = #tpu.dot_dimension_numbers<[1], [0], [0], [1], [0, 0, 1, 1], [], []>, transpose_lhs_hint = false} : vector<2000x128xf32>, vector<128x256xf32>, vector<2000x256xf32> -> vector<2000x256xf32>
    %add3A_39 = arith.addf %dot_general3A_31, %dot_general3A_38 : vector<2000x256xf32>
    %get3A_40 = arith.constant 0 : index
    %get3A_41 = arith.constant 0 : index
    %get3A_42 = vector.load %arg5[%get3A_40, %get3A_41] : memref<8x256xf32, #tpu.memory_space<vmem>>, vector<1x256xf32>
    %get3A_43 = vector.shape_cast %get3A_42 : vector<1x256xf32> to vector<256xf32>
    %broadcast_in_dim3A = vector.shape_cast %get3A_43 : vector<256xf32> to vector<1x256xf32>
    %add3A_44 = vector.broadcast %broadcast_in_dim3A : vector<1x256xf32> to vector<2000x256xf32>
    %add3A_45 = arith.addf %add3A_39, %add3A_44 : vector<2000x256xf32>
    %max3A = arith.constant 0.000000e+00 : f32
    %max3A_46 = vector.broadcast %max3A : f32 to vector<2000x256xf32>
    %max3A_47 = arith.maximumf %add3A_45, %max3A_46 : vector<2000x256xf32>
    %get3A_48 = arith.constant 0 : index
    %get3A_49 = arith.constant 0 : index
    %get3A_50 = vector.load %arg6[%get3A_48, %get3A_49] : memref<2000x128xi32, #tpu.memory_space<vmem>>, vector<2000x1xi32>
    %iota3A = tpu.iota {dimensions = array<i32: 1>} : vector<2000x64xi32>
    %eq3A = vector.broadcast %get3A_50 : vector<2000x1xi32> to vector<2000x64xi32>
    %eq3A_51 = arith.cmpi eq, %eq3A, %iota3A : vector<2000x64xi32>
    %convert_element_type3A = arith.extui %eq3A_51 : vector<2000x64xi1> to vector<2000x64xi32>
    %convert_element_type3A_52 = arith.sitofp %convert_element_type3A : vector<2000x64xi32> to vector<2000x64xf32>
    %dot_general3A_53 = arith.constant dense<0.000000e+00> : vector<64x256xf32>
    %dot_general3A_54 = tpu.matmul %convert_element_type3A_52, %max3A_47, %dot_general3A_53 {dimension_numbers = #tpu.dot_dimension_numbers<[0], [0], [1], [1], [0, 1, 1, 1], [], []>, transpose_lhs_hint = false} : vector<2000x64xf32>, vector<2000x256xf32>, vector<64x256xf32> -> vector<64x256xf32>
    %broadcast_in_dim3A_55 = arith.constant 1.000000e+00 : f32
    %broadcast_in_dim3A_56 = vector.broadcast %broadcast_in_dim3A_55 : f32 to vector<2000x256xf32>
    %dot_general3A_57 = arith.constant dense<0.000000e+00> : vector<64x256xf32>
    %dot_general3A_58 = tpu.matmul %convert_element_type3A_52, %broadcast_in_dim3A_56, %dot_general3A_57 {dimension_numbers = #tpu.dot_dimension_numbers<[0], [0], [1], [1], [0, 1, 1, 1], [], []>, transpose_lhs_hint = false} : vector<2000x64xf32>, vector<2000x256xf32>, vector<64x256xf32> -> vector<64x256xf32>
    %eq3A_59 = arith.constant 0 : i32
    %eq3A_60 = arith.cmpi eq, %arg0, %eq3A_59 : i32
    %convert_element_type3A_61 = arith.extui %eq3A_60 : i1 to i32
    %cond3A = arith.constant 0 : i32
    %cond3A_62 = arith.cmpi ne, %convert_element_type3A_61, %cond3A : i32
    scf.if %cond3A_62 {
      %broadcast_in_dim3A_81 = arith.constant 0.000000e+00 : f32
      %broadcast_in_dim3A_82 = vector.broadcast %broadcast_in_dim3A_81 : f32 to vector<64x256xf32>
      %swap3A_83 = arith.constant 0 : index
      %swap3A_84 = arith.constant 0 : index
      %swap3A_85 = vector.load %arg11[%swap3A_83, %swap3A_84] : memref<64x256xf32, #tpu.memory_space<vmem>>, vector<64x256xf32>
      tpu.vector_store %arg11[%swap3A_83, %swap3A_84], %broadcast_in_dim3A_82 {strides = array<i32>} : memref<64x256xf32, #tpu.memory_space<vmem>>, vector<64x256xf32>,
      %broadcast_in_dim3A_86 = arith.constant 0.000000e+00 : f32
      %broadcast_in_dim3A_87 = vector.broadcast %broadcast_in_dim3A_86 : f32 to vector<64x256xf32>
      %swap3A_88 = arith.constant 0 : index
      %swap3A_89 = arith.constant 0 : index
      %swap3A_90 = vector.load %arg12[%swap3A_88, %swap3A_89] : memref<64x256xf32, #tpu.memory_space<vmem>>, vector<64x256xf32>
      tpu.vector_store %arg12[%swap3A_88, %swap3A_89], %broadcast_in_dim3A_87 {strides = array<i32>} : memref<64x256xf32, #tpu.memory_space<vmem>>, vector<64x256xf32>,
      %broadcast_in_dim3A_91 = arith.constant 0.000000e+00 : f32
      %broadcast_in_dim3A_92 = vector.broadcast %broadcast_in_dim3A_91 : f32 to vector<64x128xf32>
      %swap3A_93 = arith.constant 0 : index
      %swap3A_94 = arith.constant 0 : index
      %swap3A_95 = vector.load %arg13[%swap3A_93, %swap3A_94] : memref<64x128xf32, #tpu.memory_space<vmem>>, vector<64x128xf32>
      tpu.vector_store %arg13[%swap3A_93, %swap3A_94], %broadcast_in_dim3A_92 {strides = array<i32>} : memref<64x128xf32, #tpu.memory_space<vmem>>, vector<64x128xf32>,
    } else {
    }
    %get3A_63 = arith.constant 0 : index
    %get3A_64 = arith.constant 0 : index
    %get3A_65 = vector.load %arg11[%get3A_63, %get3A_64] : memref<64x256xf32, #tpu.memory_space<vmem>>, vector<64x256xf32>
    %add3A_66 = arith.addf %get3A_65, %dot_general3A_54 : vector<64x256xf32>
    %swap3A = arith.constant 0 : index
    %swap3A_67 = arith.constant 0 : index
    %swap3A_68 = vector.load %arg11[%swap3A, %swap3A_67] : memref<64x256xf32, #tpu.memory_space<vmem>>, vector<64x256xf32>
    tpu.vector_store %arg11[%swap3A, %swap3A_67], %add3A_66 {strides = array<i32>} : memref<64x256xf32, #tpu.memory_space<vmem>>, vector<64x256xf32>,
    %get3A_69 = arith.constant 0 : index
    %get3A_70 = arith.constant 0 : index
    %get3A_71 = vector.load %arg12[%get3A_69, %get3A_70] : memref<64x256xf32, #tpu.memory_space<vmem>>, vector<64x256xf32>
    %add3A_72 = arith.addf %get3A_71, %dot_general3A_58 : vector<64x256xf32>
    %swap3A_73 = arith.constant 0 : index
    %swap3A_74 = arith.constant 0 : index
    %swap3A_75 = vector.load %arg12[%swap3A_73, %swap3A_74] : memref<64x256xf32, #tpu.memory_space<vmem>>, vector<64x256xf32>
    tpu.vector_store %arg12[%swap3A_73, %swap3A_74], %add3A_72 {strides = array<i32>} : memref<64x256xf32, #tpu.memory_space<vmem>>, vector<64x256xf32>,
    %eq3A_76 = arith.constant 4 : i32
    %eq3A_77 = arith.cmpi eq, %arg0, %eq3A_76 : i32
    %convert_element_type3A_78 = arith.extui %eq3A_77 : i1 to i32
    %cond3A_79 = arith.constant 0 : i32
    %cond3A_80 = arith.cmpi ne, %convert_element_type3A_78, %cond3A_79 : i32
    scf.if %cond3A_80 {
      %get3A_81 = arith.constant 0 : index
      %get3A_82 = arith.constant 0 : index
      %get3A_83 = vector.load %arg11[%get3A_81, %get3A_82] : memref<64x256xf32, #tpu.memory_space<vmem>>, vector<64x256xf32>
      %get3A_84 = arith.constant 0 : index
      %get3A_85 = arith.constant 0 : index
      %get3A_86 = vector.load %arg12[%get3A_84, %get3A_85] : memref<64x256xf32, #tpu.memory_space<vmem>>, vector<64x256xf32>
      %max3A_87 = arith.constant 1.000000e+00 : f32
      %max3A_88 = vector.broadcast %max3A_87 : f32 to vector<64x256xf32>
      %max3A_89 = arith.maximumf %get3A_86, %max3A_88 : vector<64x256xf32>
      %div3A = arith.divf %get3A_83, %max3A_89 : vector<64x256xf32>
      %get3A_90 = arith.constant 0 : index
      %get3A_91 = arith.constant 0 : index
      %get3A_92 = vector.load %arg7[%get3A_90, %get3A_91] : memref<256x128xf32, #tpu.memory_space<vmem>>, vector<256x128xf32>
      %dot_general3A_93 = arith.constant dense<0.000000e+00> : vector<64x128xf32>
      %dot_general3A_94 = tpu.matmul %div3A, %get3A_92, %dot_general3A_93 {dimension_numbers = #tpu.dot_dimension_numbers<[1], [0], [0], [1], [0, 0, 1, 1], [], []>, transpose_lhs_hint = false} : vector<64x256xf32>, vector<256x128xf32>, vector<64x128xf32> -> vector<64x128xf32>
      %get3A_95 = arith.constant 0 : index
      %get3A_96 = arith.constant 0 : index
      %get3A_97 = vector.load %arg8[%get3A_95, %get3A_96] : memref<8x128xf32, #tpu.memory_space<vmem>>, vector<1x128xf32>
      %get3A_98 = vector.shape_cast %get3A_97 : vector<1x128xf32> to vector<128xf32>
      %broadcast_in_dim3A_99 = vector.shape_cast %get3A_98 : vector<128xf32> to vector<1x128xf32>
      %add3A_100 = vector.broadcast %broadcast_in_dim3A_99 : vector<1x128xf32> to vector<64x128xf32>
      %add3A_101 = arith.addf %dot_general3A_94, %add3A_100 : vector<64x128xf32>
      %max3A_102 = arith.constant 0.000000e+00 : f32
      %max3A_103 = vector.broadcast %max3A_102 : f32 to vector<64x128xf32>
      %max3A_104 = arith.maximumf %add3A_101, %max3A_103 : vector<64x128xf32>
      %get3A_105 = arith.constant 0 : index
      %get3A_106 = arith.constant 0 : index
      %get3A_107 = vector.load %arg9[%get3A_105, %get3A_106] : memref<128x128xf32, #tpu.memory_space<vmem>>, vector<128x128xf32>
      %dot_general3A_108 = arith.constant dense<0.000000e+00> : vector<64x128xf32>
      %dot_general3A_109 = tpu.matmul %max3A_104, %get3A_107, %dot_general3A_108 {dimension_numbers = #tpu.dot_dimension_numbers<[1], [0], [0], [1], [0, 0, 1, 1], [], []>, transpose_lhs_hint = false} : vector<64x128xf32>, vector<128x128xf32>, vector<64x128xf32> -> vector<64x128xf32>
      %get3A_110 = arith.constant 0 : index
      %get3A_111 = arith.constant 0 : index
      %get3A_112 = vector.load %arg10[%get3A_110, %get3A_111] : memref<8x128xf32, #tpu.memory_space<vmem>>, vector<1x1xf32>
      %get3A_113 = vector.extract %get3A_112[0, 0] : f32 from vector<1x1xf32>
      %add3A_114 = vector.broadcast %get3A_113 : f32 to vector<64x128xf32>
      %add3A_115 = arith.addf %dot_general3A_109, %add3A_114 : vector<64x128xf32>
      %swap3A_116 = arith.constant 0 : index
      %swap3A_117 = arith.constant 0 : index
      %swap3A_118 = vector.load %arg13[%swap3A_116, %swap3A_117] : memref<64x128xf32, #tpu.memory_space<vmem>>, vector<64x128xf32>
      tpu.vector_store %arg13[%swap3A_116, %swap3A_117], %add3A_115 {strides = array<i32>} : memref<64x128xf32, #tpu.memory_space<vmem>>, vector<64x128xf32>,
    } else {
    }
    return
  }
  func.func @transform_0(%arg0: i32) -> (i32, i32, i32) {
    %c0_i32 = arith.constant 0 : i32
    %c0_i32_0 = arith.constant 0 : i32
    %c0_i32_1 = arith.constant 0 : i32
    return %c0_i32, %arg0, %c0_i32_0 : i32, i32, i32
  }
  func.func @transform_1(%arg0: i32) -> (i32, i32, i32) {
    %c0_i32 = arith.constant 0 : i32
    %c0_i32_0 = arith.constant 0 : i32
    %c0_i32_1 = arith.constant 0 : i32
    return %c0_i32, %arg0, %c0_i32_0 : i32, i32, i32
  }
  func.func @transform_2(%arg0: i32) -> (i32, i32) {
    %c0_i32 = arith.constant 0 : i32
    %c0_i32_0 = arith.constant 0 : i32
    return %arg0, %c0_i32 : i32, i32
  }
  func.func @transform_3(%arg0: i32) -> (i32, i32, i32) {
    %c0_i32 = arith.constant 0 : i32
    %c0_i32_0 = arith.constant 0 : i32
    %c0_i32_1 = arith.constant 0 : i32
    %c0_i32_2 = arith.constant 0 : i32
    return %c0_i32, %c0_i32_0, %c0_i32_1 : i32, i32, i32
  }
  func.func @transform_4(%arg0: i32) -> (i32, i32) {
    %c0_i32 = arith.constant 0 : i32
    %c0_i32_0 = arith.constant 0 : i32
    %c0_i32_1 = arith.constant 0 : i32
    return %c0_i32, %c0_i32_0 : i32, i32
  }
  func.func @transform_5(%arg0: i32) -> (i32, i32) {
    %c0_i32 = arith.constant 0 : i32
    %c0_i32_0 = arith.constant 0 : i32
    return %arg0, %c0_i32 : i32, i32
  }
  func.func @transform_6(%arg0: i32) -> (i32, i32) {
    %c0_i32 = arith.constant 0 : i32
    %c0_i32_0 = arith.constant 0 : i32
    %c0_i32_1 = arith.constant 0 : i32
    return %c0_i32, %c0_i32_0 : i32, i32
  }
  func.func @transform_7(%arg0: i32) -> (i32, i32) {
    %c0_i32 = arith.constant 0 : i32
    %c0_i32_0 = arith.constant 0 : i32
    %c0_i32_1 = arith.constant 0 : i32
    return %c0_i32, %c0_i32_0 : i32, i32
  }
  func.func @transform_8(%arg0: i32) -> (i32, i32) {
    %c0_i32 = arith.constant 0 : i32
    %c0_i32_0 = arith.constant 0 : i32
    %c0_i32_1 = arith.constant 0 : i32
    return %c0_i32, %c0_i32_0 : i32, i32
  }
  func.func @transform_9(%arg0: i32) -> (i32, i32) {
    %c0_i32 = arith.constant 0 : i32
    %c0_i32_0 = arith.constant 0 : i32
    %c0_i32_1 = arith.constant 0 : i32
    return %c0_i32, %c0_i32_0 : i32, i32
  }
  func.func @transform_10(%arg0: i32) -> (i32, i32) {
    %c0_i32 = arith.constant 0 : i32
    %c0_i32_0 = arith.constant 0 : i32
    %c0_i32_1 = arith.constant 0 : i32
    return %c0_i32, %c0_i32_0 : i32, i32
  }
  func.func @transform_11(%arg0: i32) -> (i32, i32) {
    %c0_i32 = arith.constant 0 : i32
    %c0_i32_0 = arith.constant 0 : i32
    %c0_i32_1 = arith.constant 0 : i32
    return %c0_i32, %c0_i32_0 : i32, i32
  }
  func.func @transform_12(%arg0: i32) -> (i32, i32) {
    %c0_i32 = arith.constant 0 : i32
    %c0_i32_0 = arith.constant 0 : i32
    %c0_i32_1 = arith.constant 0 : i32
    return %c0_i32, %c0_i32_0 : i32, i32
  }
}

</mosaic_0001>

<sc_bundles>
// kernel: kernel.10.cloned.1.call-start
scs
__scs_entry_jumppad:
0x0: {  	(pc) =	sbr.rel $0x88, $3  }
0x1: {  	(tag) =	ssettag $0x0;
	lr =	simm.s32 $0x1  }
0x2: {  	[smem:$0x3F94] =	sst lr;
	_ =	strace $0xD0000000  }
0x3: {  	_ = 	snop  }
0x4: {  	_ = 	snop  }
0x5: {  	_ = 	snop  }
0x6: {  	_ = 	snop  }
0x7: {  	_ = 	snop  }
__scs_overlays_trampoline_lowered:
0x8: {  	[smem:$0x3FA3] =	sst s0  }
0x9: {  	[smem:$0x3FA4] =	sst s1  }
0xa: {  	[smem:$0x3FA5] =	sst s2  }
0xb: {  	[smem:$0x3FA6] =	sst s3  }
0xc: {  	[smem:$0x3FA7] =	sst s4  }
0xd: {  	[smem:$0x3FA8] =	sst s5  }
0xe: {  	[smem:$0x3FA9] =	sst s6  }
0xf: {  	[smem:$0x3FAA] =	sst s7  }
0x10: {  	[smem:$0x3FAB] =	sst s8  }
0x11: {  	[smem:$0x3FAC] =	sst s9;
	s0 =	simm.s32 @!p0 $0x0  }
0x12: {  	s1 =	sld [smem:$0x3F92];
	s0 =	simm.s32 @p0 $0x1  }
0x13: {  	[smem:$0x3FAD] =	sst s0;
	s0 =	simm.s32 @!p1 $0x0  }
0x14: {  	s2 =	sld [smem:$0x3F91];
	s0 =	simm.s32 @p1 $0x1  }
0x15: {  	[smem:$0x3FAE] =	sst s0;
	s0 =	simm.s32 @!p2 $0x0  }
0x16: {  	s3 =	sld [smem:$0x3FDB];
	s0 =	simm.s32 @p2 $0x1  }
0x17: {  	s4 =	simm.s32 $0x1BF5;
	[smem:$0x3FB0] =	sst s0  }
0x18: {  	s0 =	sld [smem:$0x3F93];
	_ =	swait.ge [sflag:s4], $0x0  }
0x19: {  	s7 =	sld [smem:$0x3F94]  }
0x1a: {  	s8 =	sadd.s32 $0xFFFFE003, lr  }
0x1b: {  	s9 =	sadd.s32 $0xFFFFFEF7, lr;
	s5 =	simm.s32 $0xFFFFFFFF;
	p2 =	slt.u32 s8, $0xFFFFF086  }
0x1c: {  	p1 =	slt.u32 s9, $0xF7A;
	s5 =	simm.s32 @!p2 $0x0  }
0x1d: {  	s5 =	simm.s32 @p1 $0x1;
	p0 =	seq.s32 s7, s2  }
0x1e: {  	s7 =	smul.u32 @!p0 $0xF7A, s2;
	p2 =	seq.s32 @!p0 s5, $0x0  }
0x1f: {  	s9 =	smul.u32 $0xF7A, s1;
	s8 =	simm.s32 @!p0 $0x1BF5;
	p2 =	por !p2, p0  }
0x20: {  	[sflag:s8] =	ssyncset.s32 @!p0 $0xFFFFF086;
	s6 =	sadd.s32 @!p0 s3, s7;
	s7 =	simm.s32 @!p0 $0x108  }
0x21: {  	s3 =	sadd.s32 s3, s9;
	s6 =	sadd.s32 @!p0 $0x88, s6;
	s7 =	simm.s32 @p2 $0x1082  }
0x22: {  	[simem:s7], [sflag:s8] =	dma.local @!p0 [hbm:s6], $0xF7A  }
0x23: {  	s9 =	sor.u32 $0xD0000000, s2;
	s6 =	simm.s32 $0x108;
	_ =	swait.ge @!p0 [sflag:s8], $0x0  }
0x24: {  	s3 =	sadd.s32 $0x88, s3;
	s6 =	simm.s32 @!p1 $0x1082;
	[sflag:s4] =	ssyncset.s32 $0xFFFFF086  }
0x25: {  	[simem:s6], [sflag:s4] =	dma.local [hbm:s3], $0xF7A  }
0x26: {  	[smem:$0x3F94] =	sst s1;
	(tag) =	ssettag s2;
	_ =	strace s9  }
0x27: {  	s1 =	sld [smem:$0x3FA4]  }
0x28: {  	s2 =	sld [smem:$0x3FA5]  }
0x29: {  	s4 =	sld [smem:$0x3FA7]  }
0x2a: {  	p0 =	seq.s32 s5, $0x0;
	s5 =	sld [smem:$0x3FA8]  }
0x2b: {  	s6 =	sld [smem:$0x3FA9]  }
0x2c: {  	s7 =	sld [smem:$0x3FAA]  }
0x2d: {  	s3 =	simm.s32 $0x108;
	s8 =	sld [smem:$0x3FAB]  }
0x2e: {  	s3 =	simm.s32 @!p0 $0x1082;
	s9 =	sld [smem:$0x3FAC]  }
0x2f: {  	lr =	sadd.s32 s0, s3;
	s0 =	sld [smem:$0x3FA3]  }
0x30: {  	s3 =	sld [smem:$0x3FA6]  }
0x31: {  	[smem:$0x3FAF] =	sst s10  }
0x32: {  	s10 =	sld [smem:$0x3FAD];
	_ =	sdelay $0x3  }
0x33: {  	p0 =	seq.s32 s10, $0x1;
	s10 =	sld [smem:$0x3FAF];
	_ =	sdelay $0x3  }
0x34: {  	[smem:$0x3FAF] =	sst s10  }
0x35: {  	s10 =	sld [smem:$0x3FAE];
	_ =	sdelay $0x3  }
0x36: {  	p1 =	seq.s32 s10, $0x1;
	s10 =	sld [smem:$0x3FAF];
	_ =	sdelay $0x3  }
0x37: {  	[smem:$0x3FAF] =	sst s10  }
0x38: {  	s10 =	sld [smem:$0x3FB0]  }
0x39: {  	_ = 	snop;
	(pc) =	sbr.ind lr, $3  }
0x3a: {  	_ = 	snop  }
0x3b: {  	_ = 	snop  }
0x3c: {  	p2 =	seq.s32 s10, $0x1;
	s10 =	sld [smem:$0x3FAF]  }
0x3d: {  	_ =	shalt  }
0x3e: {  	_ =	shalt  }
0x3f: {  	_ =	shalt  }
0x40: {  	_ =	shalt  }
0x41: {  	_ =	shalt  }
0x42: {  	_ =	shalt  }
0x43: {  	_ =	shalt  }
0x44: {  	_ =	shalt  }
0x45: {  	_ =	shalt  }
0x46: {  	_ =	shalt  }
0x47: {  	_ =	shalt  }
0x48: {  	_ =	shalt  }
0x49: {  	_ =	shalt  }
0x4a: {  	_ =	shalt  }
0x4b: {  	_ =	shalt  }
0x4c: {  	_ =	shalt  }
0x4d: {  	_ =	shalt  }
0x4e: {  	_ =	shalt  }
0x4f: {  	_ =	shalt  }
0x50: {  	_ =	shalt  }
0x51: {  	_ =	shalt  }
0x52: {  	_ =	shalt  }
0x53: {  	_ =	shalt  }
0x54: {  	_ =	shalt  }
0x55: {  	_ =	shalt  }
0x56: {  	_ =	shalt  }
0x57: {  	_ =	shalt  }
0x58: {  	_ =	shalt  }
0x59: {  	_ =	shalt  }
0x5a: {  	_ =	shalt  }
0x5b: {  	_ =	shalt  }
0x5c: {  	_ =	shalt  }
0x5d: {  	_ =	shalt  }
0x5e: {  	_ =	shalt  }
0x5f: {  	_ =	shalt  }
0x60: {  	_ =	shalt  }
0x61: {  	_ =	shalt  }
0x62: {  	_ =	shalt  }
0x63: {  	_ =	shalt  }
0x64: {  	_ =	shalt  }
0x65: {  	_ =	shalt  }
0x66: {  	_ =	shalt  }
0x67: {  	_ =	shalt  }
0x68: {  	_ =	shalt  }
0x69: {  	_ =	shalt  }
0x6a: {  	_ =	shalt  }
0x6b: {  	_ =	shalt  }
0x6c: {  	_ =	shalt  }
0x6d: {  	_ =	shalt  }
0x6e: {  	_ =	shalt  }
0x6f: {  	_ =	shalt  }
0x70: {  	_ =	shalt  }
0x71: {  	_ =	shalt  }
0x72: {  	_ =	shalt  }
0x73: {  	_ =	shalt  }
0x74: {  	_ =	shalt  }
0x75: {  	_ =	shalt  }
0x76: {  	_ =	shalt  }
0x77: {  	_ =	shalt  }
0x78: {  	_ =	shalt  }
0x79: {  	_ =	shalt  }
0x7a: {  	_ =	shalt  }
0x7b: {  	_ =	shalt  }
0x7c: {  	_ =	shalt  }
0x7d: {  	_ =	shalt  }
0x7e: {  	_ =	shalt  }
0x7f: {  	_ =	shalt  }
0x80: {  	_ =	shalt  }
0x81: {  	_ =	shalt  }
0x82: {  	_ =	shalt  }
0x83: {  	_ =	shalt  }
0x84: {  	_ =	shalt  }
0x85: {  	_ =	shalt  }
0x86: {  	_ =	shalt  }
0x87: {  	_ =	shalt  }
.Lfunc_end0:
.L_simem_size_0:
called_computation_lowered:
.L_overlay_start_0:
0x88: {  	s2 =	sld [smem:$0x3FD9]  }
0x89: {  	s3 =	sld [smem:$0x3FFE];
	_ =	sdelay $0x1  }
0x8a: {  	s1 =	srdreg.scid  }
0x8b: {  	s0 =	sand.u32 $0x1, s1  }
0x8c: {  	s16 =	sshll.u32 s0, $0xA;
	s2 =	sadd.s32 s3, s2  }
0x8d: {  	s2 =	sadd.s32 s2, s16  }
0x8e: {  	[smem:$0x3FBB] =	sst s2  }
0x8f: {  	_ = 	snop  }
0x90: {  	(tm) =	ssettm $0x1  }
0x91: {  	s17 =	sld [smem:$0x3FFB];
	_ =	sdelay $0x3  }
0x92: {  	_ =	strace s17  }
0x93: {  	s2 =	sld [smem:$0x3FFC];
	_ =	sdelay $0x3  }
0x94: {  	_ =	strace s2  }
0x95: {  	s2 =	sld [smem:$0x3FFD];
	_ =	sdelay $0x3  }
0x96: {  	_ =	strace s2  }
0x97: {  	_ =	strace $0x8FFFFFFF  }
0x98: {  	s18 =	sld [smem:$0x3FDB];
	_ =	sdelay $0x1  }
0x99: {  	s19 =	simm.s32 $_scs_section_size  }
0x9a: {  	s4 =	simm.s32 $_size__tile_overlayer_lowered;
	s5 =	simm.s32 $_tile_overlayer_lowered  }
0x9b: {  	s22 =	simm.s32 $0x1BFF;
	s21 =	sshll.u32 s5, $0x1;
	s2 =	sadd.s32 s19, s18  }
0x9c: {  	s6 =	simm.s32 $0x0;
	s20 =	sshll.u32 s4, $0x1;
	s4 =	sadd.s32 s21, s2  }
0x9d: {  	[timem:s6], [sflag:s22] =	dma.local [hbm:s4], s20  }
0x9e: {  	_ =	swait.ge [sflag:s22], s20  }
0x9f: {  	s3 =	ssub.s32 $0x0, s20;
	[sflag:s22] =	ssyncset.done $0x0  }
0xa0: {  	[sflag:s22] =	ssyncadd.s32 s3;
	_ =	sdelay $0x1  }
0xa1: {  	s23 =	simm.s32 $0x1B8B  }
0xa2: {  	_ =	swait.ge [sflag:s23], $0x1  }
0xa3: {  	[sflag:s23] =	ssyncset.done $0x0  }
0xa4: {  	s25 =	simm.s32 $0x1B8E;
	s24 =	sld [smem:$0x3FFE];
	[sflag:s23] =	ssyncadd.s32 $0xFFFFFFFF  }
0xa5: {  	s26 =	simm.s32 $execute0_lowered;
	[smem:$0x3FD2] =	sst s25  }
0xa6: {  	s4 =	sshll.u32 s26, $0x1;
	_ =	strace $0x80000046;
	[dreg:$0x1] =	wrdreg $0xFFFFFFFF  }
0xa7: {  	s28 =	simm.s32 $_size_execute0_lowered;
	s2 =	sadd.s32 s2, s4;
	[dreg:$0x0] =	wrdreg $0x0  }
0xa8: {  	s4 =	sshll.u32 s28, $0x1;
	[dreg:$0x2] =	wrdreg s2  }
0xa9: {  	[dreg:$0x3] =	wrdreg s4  }
0xaa: {  	[dreg:$0x4] =	wrdreg $0xC0  }
0xab: {  	_ =	task [dreg:s6], $0x5FFFF  }
0xac: {  	[dreg:$0x1] =	wrdreg $0xFFFFFFFF  }
0xad: {  	[dreg:$0x0] =	wrdreg $0x60  }
0xae: {  	[dreg:$0x2] =	wrdreg s24  }
0xaf: {  	[dreg:$0x3] =	wrdreg $0x68000  }
0xb0: {  	[dreg:$0x4] =	wrdreg $0x9  }
0xb1: {  	_ =	task.clear_ibuf [dreg:s6], $0x5FFFF;
	_ =	strace $0x90000046  }
0xb2: {  	s29 =	simm.s32 $0x9;
	_ =	strace $0x80000048  }
0xb3: {  	_ =	swait.ge [sflag:s29], $0x1  }
0xb4: {  	[sflag:s29] =	ssyncadd.s32 $0xFFFFFFFF  }
0xb5: {  	_ =	strace $0x90000048  }
0xb6: {  	_ =	sfence  }
0xb7: {  	s30 =	sld [smem:$0x0];
	_ =	sdelay $0x2  }
0xb8: {  	s31 =	sshll.u32 s1, $0xD;
	s1 =	sshrl.u32 s1, $0x2  }
0xb9: {  	s3 =	sand.u32 $0x4000, s31;
	s1 =	sadd.s32 s1, s30  }
0xba: {  	s0 =	sor.u32 s3, s0;
	s1 =	sshll.u32 s1, $0x11  }
0xbb: {  	s0 =	sor.u32 s1, s0  }
0xbc: {  	s0 =	sadd.s32 $0x8F2B, s0  }
0xbd: {  	[sflag:s0] =	ssyncadd.remote.s32 $0x1  }
0xbe: {  	_ =	sfence.sel $0xFFFF  }
0xbf: {  	[dreg:$0x0] =	wrdreg $0xFFFFFFFF;
	(pc) =	sbr.abs _section_cstart, $3  }
0xc0: {  	[dreg:$0x1] =	wrdreg $0xFFFFFFFF  }
0xc1: {  	_ =	task.clear_ibuf [dreg:s6], $0x2FFFF;
	_ =	strace $0x9FFFFFFF  }
0xc2: {  	(tm) =	ssettm $0x7FFFFFFF  }
0xc3: {  	_ =	shalt  }
tec
execute0_lowered:
.L_overlay_start_1:
0x0: {  	(tag) =	ssettag $0x1  }
0x1: {  	s6 =	rddreg [dreg:$0x0]  }
0x2: {  	s0 =	srdreg.scid;
	s2 =	rddreg [dreg:$0x1]  }
0x3: {  	s3 =	simm.s32 $0x0;
	s5 =	sand.u32 $0x1, s0;
	s0 =	stileid.u32  }
0x4: {  	s12 =	simm.s32 $0x80;
	[smem:$0x7FF] =	sst s3;
	s13 =	smul.u32 $0x2800, s0  }
0x5: {  	s1 =	sshll.u32 s5, $0x4;
	s8 =	smul.u32 $0x28000, s5;
	s5 =	ssub.s32 $0x2, s5  }
0x6: {  	s9 =	smul.u32 $0x50000, s0;
	s31 =	sshll.u32 s0, $0x6;
	s4 =	sor.u32 s0, s1  }
0x7: {  	s1 =	rddreg [dreg:$0x2];
	_ =	strace $0x80000047;
	s29 =	sshrl.u32 s5, $0x1  }
0x8: {  	s4 =	smul.u32 $0x500, s4;
	s10 =	sadd.s32 s13, s6;
	s30 =	sshrl.u32 s9, $0x2  }
0x9: {  	s8 =	sadd.s32 s8, s6;
	s11 =	ssub.s32 s5, s29;
	s9 =	sadd.s32 s30, s2  }
0xa: {  	s5 =	sadd.s32 $0x17000, s10;
	s14 =	sadd.s32 $0x3F800, s8;
	s8 =	smax.u32 s11, $0x1  }
0xb: {  	s10 =	simm.s32 $0x1;
	s11 =	simm.s32 $0x2800;
	s7 =	sadd.s32 s4, s6  }
0xc: {  	s4 =	sadd.s32 $0x3F000, s6;
	s6 =	sor.u32 $0x1C01, s31;
	s9 =	sshrl.u32 s9, $0x3  }
0xd: {  	s13 =	sadd.s32 s13, s14;
	s14 =	simm.s32 $0x0;
	s7 =	sadd.s32 $0xD000, s7  }
.LBB2_1:
0xe: {  	[spmem:s9], [sflag:s6] =	dma.local [hbm:s5], $0x2800  }
0xf: {  	_ =	swait.ge [sflag:s10], $0x2800  }
0x10: {  	[sflag:s10] =	ssyncset.done $0x0  }
0x11: {  	[sflag:s10] =	ssyncadd.s32 $0xFFFFD800  }
0x12: {  	[tilespmem:s11], [sflag:$0x1] =	stream.linear.gather [hbm4b:s4+s3], $0x4000, $0x38;
	[tilespmem:$0x1A800] =	vst v63  }
0x13: {  	_ =	swait.ge [sflag:s10], $0x4000  }
0x14: {  	[sflag:s10] =	ssyncset.done $0x0  }
0x15: {  	[sflag:s10] =	ssyncadd.s32 $0xFFFFC000  }
0x16: {  	[tilespmem:s3], [sflag:$0x1] =	stream.linear.gather [hbm4b:s7+s3], $0x2800, $0x38;
	[tilespmem:$0x1A800] =	vst v63  }
0x17: {  	_ =	swait.ge [sflag:s10], $0x2800  }
0x18: {  	[sflag:s10] =	ssyncset.done $0x0  }
0x19: {  	[sflag:s10] =	ssyncadd.s32 $0xFFFFD800  }
0x1a: {  	s15 =	simm.s32 $0x0;
	[bflag:$0x0] =	sbarrier.arrive $0xFFFF  }
0x1b: {  	[spmem:s2] =	stream.indirect.scatter.add.f32 [tilespmem:s11], [sflag:$0x1], $0x80, s15, s12, $0xb8;
	[tilespmem:$0x1A800] =	vst v63  }
0x1c: {  	_ =	swait.ge [sflag:s10], $0x4000  }
0x1d: {  	s15 =	simm.s32 $0x200;
	[sflag:s10] =	ssyncset.done $0x0  }
.LBB2_2:
0x1e: {  	s16 =	sshra.s32 s15, $0x2;
	[sflag:s10] =	ssyncadd.s32 $0xFFFFC000;
	p0 =	sne.s32 s15, $0x9E00  }
0x1f: {  	[spmem:s2] =	stream.indirect.scatter.add.f32 [tilespmem:s11], [sflag:$0x1], $0x80, s16, s12, $0xb8;
	[tilespmem:$0x1A800] =	vst v63  }
.Ltmp0:
0x20: {  	_ = 	snop;
	(pc) =	sbr.rel @p0 .LBB2_2-.Ltmp0, $4  }
0x21: {  	_ = 	snop  }
0x22: {  	s15 =	sadd.s32 $0x200, s15  }
0x23: {  	_ =	swait.ge [sflag:s10], $0x4000  }
0x24: {  	[sflag:s10] =	ssyncset.done $0x0  }
0x25: {  	s14 =	sadd.s32 $0x1, s14  }
0x26: {  	[sflag:s10] =	ssyncadd.s32 $0xFFFFC000;
	p0 =	sne.s32 s14, s8  }
.Ltmp1:
0x27: {  	[bflag:$0x0] =	sbarrier.arrive $0xFFFF;
	(pc) =	sbr.rel @p0 .LBB2_1-.Ltmp1, $4  }
0x28: {  	[hbm:s13], [sflag:s6] =	dma.local [spmem:s9], $0x2800  }
0x29: {  	_ =	swait.ge [sflag:s10], $0x2800  }
0x2a: {  	[sflag:s10] =	ssyncset.done $0x0  }
0x2b: {  	[sflag:s10] =	ssyncadd.s32 $0xFFFFD800  }
0x2c: {  	_ =	sfence.sel $0x180000  }
0x2d: {  	[bflag:$0x0] =	sbarrier.arrive $0xFFFF  }
0x2e: {  	p0 =	sne.s32 s0, $0x0;
	_ =	strace $0x90000047  }
0x2f: {  	s0 =	sadd.s32 @!p0 $0x100000, s1;
	[bflag:$0x2] =	sbarrier.arrive $0xFFFF  }
0x30: {  	[sflag:s0] =	ssyncadd.tile.s32 @!p0 $0x1;
	_ =	shalt  }
.Lfunc_end2:
_tile_overlayer_lowered:
.L_overlay_start_2:
0x31: {  	(tag) =	ssettag $0x2  }
0x32: {  	s0 =	rddreg [dreg:$0x0];
	s2 =	stileid.u32  }
0x33: {  	s1 =	rddreg [dreg:$0x1];
	p0 =	sne.s32 s2, $0x0  }
0x34: {  	s3 =	rddreg [dreg:$0x2];
	[bflag:$0x3] =	sbarrier.arrive $0xFFFF;
	s2 =	simm.s32 @!p0 $0x1C01  }
0x35: {  	[timem:s3], [sflag:s2] =	dma.local @!p0 [hbm:s0], s1  }
0x36: {  	s0 =	simm.s32 @!p0 $0x1  }
0x37: {  	_ =	swait.ge @!p0 [sflag:s0], s1  }
0x38: {  	s1 =	ssub.s32 @!p0 $0x0, s1;
	[sflag:s0] =	ssyncset.done @!p0 $0x0  }
0x39: {  	[sflag:s0] =	ssyncadd.s32 @!p0 s1  }
0x3a: {  	[bflag:$0x3] =	sbarrier.arrive $0xFFFF  }
0x3b: {  	_ =	shalt  }

// kernel: kernel.13.cloned.1.call-start
scs
__scs_entry_jumppad:
0x0: {  	(pc) =	sbr.rel $0x88, $3  }
0x1: {  	(tag) =	ssettag $0x0;
	lr =	simm.s32 $0x1  }
0x2: {  	[smem:$0x3F94] =	sst lr;
	_ =	strace $0xD0000000  }
0x3: {  	_ = 	snop  }
0x4: {  	_ = 	snop  }
0x5: {  	_ = 	snop  }
0x6: {  	_ = 	snop  }
0x7: {  	_ = 	snop  }
__scs_overlays_trampoline_lowered:
0x8: {  	[smem:$0x3FA3] =	sst s0  }
0x9: {  	[smem:$0x3FA4] =	sst s1  }
0xa: {  	[smem:$0x3FA5] =	sst s2  }
0xb: {  	[smem:$0x3FA6] =	sst s3  }
0xc: {  	[smem:$0x3FA7] =	sst s4  }
0xd: {  	[smem:$0x3FA8] =	sst s5  }
0xe: {  	[smem:$0x3FA9] =	sst s6  }
0xf: {  	[smem:$0x3FAA] =	sst s7  }
0x10: {  	[smem:$0x3FAB] =	sst s8  }
0x11: {  	[smem:$0x3FAC] =	sst s9;
	s0 =	simm.s32 @!p0 $0x0  }
0x12: {  	s1 =	sld [smem:$0x3F92];
	s0 =	simm.s32 @p0 $0x1  }
0x13: {  	[smem:$0x3FAD] =	sst s0;
	s0 =	simm.s32 @!p1 $0x0  }
0x14: {  	s2 =	sld [smem:$0x3F91];
	s0 =	simm.s32 @p1 $0x1  }
0x15: {  	[smem:$0x3FAE] =	sst s0;
	s0 =	simm.s32 @!p2 $0x0  }
0x16: {  	s3 =	sld [smem:$0x3FDB];
	s0 =	simm.s32 @p2 $0x1  }
0x17: {  	s4 =	simm.s32 $0x1BF5;
	[smem:$0x3FB0] =	sst s0  }
0x18: {  	s0 =	sld [smem:$0x3F93];
	_ =	swait.ge [sflag:s4], $0x0  }
0x19: {  	s7 =	sld [smem:$0x3F94]  }
0x1a: {  	s8 =	sadd.s32 $0xFFFFE003, lr  }
0x1b: {  	s9 =	sadd.s32 $0xFFFFFEF7, lr;
	s5 =	simm.s32 $0xFFFFFFFF;
	p2 =	slt.u32 s8, $0xFFFFF086  }
0x1c: {  	p1 =	slt.u32 s9, $0xF7A;
	s5 =	simm.s32 @!p2 $0x0  }
0x1d: {  	s5 =	simm.s32 @p1 $0x1;
	p0 =	seq.s32 s7, s2  }
0x1e: {  	s7 =	smul.u32 @!p0 $0xF7A, s2;
	p2 =	seq.s32 @!p0 s5, $0x0  }
0x1f: {  	s9 =	smul.u32 $0xF7A, s1;
	s8 =	simm.s32 @!p0 $0x1BF5;
	p2 =	por !p2, p0  }
0x20: {  	[sflag:s8] =	ssyncset.s32 @!p0 $0xFFFFF086;
	s6 =	sadd.s32 @!p0 s3, s7;
	s7 =	simm.s32 @!p0 $0x108  }
0x21: {  	s3 =	sadd.s32 s3, s9;
	s6 =	sadd.s32 @!p0 $0x88, s6;
	s7 =	simm.s32 @p2 $0x1082  }
0x22: {  	[simem:s7], [sflag:s8] =	dma.local @!p0 [hbm:s6], $0xF7A  }
0x23: {  	s9 =	sor.u32 $0xD0000000, s2;
	s6 =	simm.s32 $0x108;
	_ =	swait.ge @!p0 [sflag:s8], $0x0  }
0x24: {  	s3 =	sadd.s32 $0x88, s3;
	s6 =	simm.s32 @!p1 $0x1082;
	[sflag:s4] =	ssyncset.s32 $0xFFFFF086  }
0x25: {  	[simem:s6], [sflag:s4] =	dma.local [hbm:s3], $0xF7A  }
0x26: {  	[smem:$0x3F94] =	sst s1;
	(tag) =	ssettag s2;
	_ =	strace s9  }
0x27: {  	s1 =	sld [smem:$0x3FA4]  }
0x28: {  	s2 =	sld [smem:$0x3FA5]  }
0x29: {  	s4 =	sld [smem:$0x3FA7]  }
0x2a: {  	p0 =	seq.s32 s5, $0x0;
	s5 =	sld [smem:$0x3FA8]  }
0x2b: {  	s6 =	sld [smem:$0x3FA9]  }
0x2c: {  	s7 =	sld [smem:$0x3FAA]  }
0x2d: {  	s3 =	simm.s32 $0x108;
	s8 =	sld [smem:$0x3FAB]  }
0x2e: {  	s3 =	simm.s32 @!p0 $0x1082;
	s9 =	sld [smem:$0x3FAC]  }
0x2f: {  	lr =	sadd.s32 s0, s3;
	s0 =	sld [smem:$0x3FA3]  }
0x30: {  	s3 =	sld [smem:$0x3FA6]  }
0x31: {  	[smem:$0x3FAF] =	sst s10  }
0x32: {  	s10 =	sld [smem:$0x3FAD];
	_ =	sdelay $0x3  }
0x33: {  	p0 =	seq.s32 s10, $0x1;
	s10 =	sld [smem:$0x3FAF];
	_ =	sdelay $0x3  }
0x34: {  	[smem:$0x3FAF] =	sst s10  }
0x35: {  	s10 =	sld [smem:$0x3FAE];
	_ =	sdelay $0x3  }
0x36: {  	p1 =	seq.s32 s10, $0x1;
	s10 =	sld [smem:$0x3FAF];
	_ =	sdelay $0x3  }
0x37: {  	[smem:$0x3FAF] =	sst s10  }
0x38: {  	s10 =	sld [smem:$0x3FB0]  }
0x39: {  	_ = 	snop;
	(pc) =	sbr.ind lr, $3  }
0x3a: {  	_ = 	snop  }
0x3b: {  	_ = 	snop  }
0x3c: {  	p2 =	seq.s32 s10, $0x1;
	s10 =	sld [smem:$0x3FAF]  }
0x3d: {  	_ =	shalt  }
0x3e: {  	_ =	shalt  }
0x3f: {  	_ =	shalt  }
0x40: {  	_ =	shalt  }
0x41: {  	_ =	shalt  }
0x42: {  	_ =	shalt  }
0x43: {  	_ =	shalt  }
0x44: {  	_ =	shalt  }
0x45: {  	_ =	shalt  }
0x46: {  	_ =	shalt  }
0x47: {  	_ =	shalt  }
0x48: {  	_ =	shalt  }
0x49: {  	_ =	shalt  }
0x4a: {  	_ =	shalt  }
0x4b: {  	_ =	shalt  }
0x4c: {  	_ =	shalt  }
0x4d: {  	_ =	shalt  }
0x4e: {  	_ =	shalt  }
0x4f: {  	_ =	shalt  }
0x50: {  	_ =	shalt  }
0x51: {  	_ =	shalt  }
0x52: {  	_ =	shalt  }
0x53: {  	_ =	shalt  }
0x54: {  	_ =	shalt  }
0x55: {  	_ =	shalt  }
0x56: {  	_ =	shalt  }
0x57: {  	_ =	shalt  }
0x58: {  	_ =	shalt  }
0x59: {  	_ =	shalt  }
0x5a: {  	_ =	shalt  }
0x5b: {  	_ =	shalt  }
0x5c: {  	_ =	shalt  }
0x5d: {  	_ =	shalt  }
0x5e: {  	_ =	shalt  }
0x5f: {  	_ =	shalt  }
0x60: {  	_ =	shalt  }
0x61: {  	_ =	shalt  }
0x62: {  	_ =	shalt  }
0x63: {  	_ =	shalt  }
0x64: {  	_ =	shalt  }
0x65: {  	_ =	shalt  }
0x66: {  	_ =	shalt  }
0x67: {  	_ =	shalt  }
0x68: {  	_ =	shalt  }
0x69: {  	_ =	shalt  }
0x6a: {  	_ =	shalt  }
0x6b: {  	_ =	shalt  }
0x6c: {  	_ =	shalt  }
0x6d: {  	_ =	shalt  }
0x6e: {  	_ =	shalt  }
0x6f: {  	_ =	shalt  }
0x70: {  	_ =	shalt  }
0x71: {  	_ =	shalt  }
0x72: {  	_ =	shalt  }
0x73: {  	_ =	shalt  }
0x74: {  	_ =	shalt  }
0x75: {  	_ =	shalt  }
0x76: {  	_ =	shalt  }
0x77: {  	_ =	shalt  }
0x78: {  	_ =	shalt  }
0x79: {  	_ =	shalt  }
0x7a: {  	_ =	shalt  }
0x7b: {  	_ =	shalt  }
0x7c: {  	_ =	shalt  }
0x7d: {  	_ =	shalt  }
0x7e: {  	_ =	shalt  }
0x7f: {  	_ =	shalt  }
0x80: {  	_ =	shalt  }
0x81: {  	_ =	shalt  }
0x82: {  	_ =	shalt  }
0x83: {  	_ =	shalt  }
0x84: {  	_ =	shalt  }
0x85: {  	_ =	shalt  }
0x86: {  	_ =	shalt  }
0x87: {  	_ =	shalt  }
.Lfunc_end0:
.L_simem_size_0:
called_computation.1_lowered:
.L_overlay_start_0:
0x88: {  	s2 =	sld [smem:$0x3FD9]  }
0x89: {  	s3 =	sld [smem:$0x3FFE];
	_ =	sdelay $0x1  }
0x8a: {  	s1 =	srdreg.scid  }
0x8b: {  	s0 =	sand.u32 $0x1, s1  }
0x8c: {  	s16 =	sshll.u32 s0, $0xA;
	s2 =	sadd.s32 s3, s2  }
0x8d: {  	s2 =	sadd.s32 s2, s16  }
0x8e: {  	[smem:$0x3FBB] =	sst s2  }
0x8f: {  	_ = 	snop  }
0x90: {  	(tm) =	ssettm $0x1  }
0x91: {  	s17 =	sld [smem:$0x3FFB];
	_ =	sdelay $0x3  }
0x92: {  	_ =	strace s17  }
0x93: {  	s2 =	sld [smem:$0x3FFC];
	_ =	sdelay $0x3  }
0x94: {  	_ =	strace s2  }
0x95: {  	s2 =	sld [smem:$0x3FFD];
	_ =	sdelay $0x3  }
0x96: {  	_ =	strace s2  }
0x97: {  	_ =	strace $0x8FFFFFFF  }
0x98: {  	s18 =	sld [smem:$0x3FDB];
	_ =	sdelay $0x1  }
0x99: {  	s19 =	simm.s32 $_scs_section_size  }
0x9a: {  	s4 =	simm.s32 $_size__tile_overlayer_lowered;
	s5 =	simm.s32 $_tile_overlayer_lowered  }
0x9b: {  	s22 =	simm.s32 $0x1BFF;
	s21 =	sshll.u32 s5, $0x1;
	s2 =	sadd.s32 s19, s18  }
0x9c: {  	s6 =	simm.s32 $0x0;
	s20 =	sshll.u32 s4, $0x1;
	s4 =	sadd.s32 s21, s2  }
0x9d: {  	[timem:s6], [sflag:s22] =	dma.local [hbm:s4], s20  }
0x9e: {  	_ =	swait.ge [sflag:s22], s20  }
0x9f: {  	s3 =	ssub.s32 $0x0, s20;
	[sflag:s22] =	ssyncset.done $0x0  }
0xa0: {  	[sflag:s22] =	ssyncadd.s32 s3;
	_ =	sdelay $0x1  }
0xa1: {  	s23 =	simm.s32 $0x1B8B  }
0xa2: {  	_ =	swait.ge [sflag:s23], $0x1  }
0xa3: {  	[sflag:s23] =	ssyncset.done $0x0  }
0xa4: {  	s25 =	simm.s32 $0x1B8E;
	s24 =	sld [smem:$0x3FFE];
	[sflag:s23] =	ssyncadd.s32 $0xFFFFFFFF  }
0xa5: {  	s26 =	simm.s32 $execute0_lowered;
	[smem:$0x3FD2] =	sst s25  }
0xa6: {  	s4 =	sshll.u32 s26, $0x1;
	_ =	strace $0x80000049;
	[dreg:$0x1] =	wrdreg $0xFFFFFFFF  }
0xa7: {  	s28 =	simm.s32 $_size_execute0_lowered;
	s2 =	sadd.s32 s2, s4;
	[dreg:$0x0] =	wrdreg $0x0  }
0xa8: {  	s4 =	sshll.u32 s28, $0x1;
	[dreg:$0x2] =	wrdreg s2  }
0xa9: {  	[dreg:$0x3] =	wrdreg s4  }
0xaa: {  	[dreg:$0x4] =	wrdreg $0xC0  }
0xab: {  	_ =	task [dreg:s6], $0x5FFFF  }
0xac: {  	[dreg:$0x1] =	wrdreg $0xFFFFFFFF  }
0xad: {  	[dreg:$0x0] =	wrdreg $0x60  }
0xae: {  	[dreg:$0x2] =	wrdreg s24  }
0xaf: {  	[dreg:$0x3] =	wrdreg $0xA8000  }
0xb0: {  	[dreg:$0x4] =	wrdreg $0x9  }
0xb1: {  	_ =	task.clear_ibuf [dreg:s6], $0x5FFFF;
	_ =	strace $0x90000049  }
0xb2: {  	s29 =	simm.s32 $0x9;
	_ =	strace $0x8000004B  }
0xb3: {  	_ =	swait.ge [sflag:s29], $0x1  }
0xb4: {  	[sflag:s29] =	ssyncadd.s32 $0xFFFFFFFF  }
0xb5: {  	_ =	strace $0x9000004B  }
0xb6: {  	_ =	sfence  }
0xb7: {  	s30 =	sld [smem:$0x0];
	_ =	sdelay $0x2  }
0xb8: {  	s31 =	sshll.u32 s1, $0xD;
	s1 =	sshrl.u32 s1, $0x2  }
0xb9: {  	s3 =	sand.u32 $0x4000, s31;
	s1 =	sadd.s32 s1, s30  }
0xba: {  	s0 =	sor.u32 s3, s0;
	s1 =	sshll.u32 s1, $0x11  }
0xbb: {  	s0 =	sor.u32 s1, s0  }
0xbc: {  	s0 =	sadd.s32 $0x8F2B, s0  }
0xbd: {  	[sflag:s0] =	ssyncadd.remote.s32 $0x1  }
0xbe: {  	_ =	sfence.sel $0xFFFF  }
0xbf: {  	[dreg:$0x0] =	wrdreg $0xFFFFFFFF;
	(pc) =	sbr.abs _section_cstart, $3  }
0xc0: {  	[dreg:$0x1] =	wrdreg $0xFFFFFFFF  }
0xc1: {  	_ =	task.clear_ibuf [dreg:s6], $0x2FFFF;
	_ =	strace $0x9FFFFFFF  }
0xc2: {  	(tm) =	ssettm $0x7FFFFFFF  }
0xc3: {  	_ =	shalt  }
tec
execute0_lowered:
.L_overlay_start_1:
0x0: {  	(tag) =	ssettag $0x1  }
0x1: {  	s5 =	rddreg [dreg:$0x0]  }
0x2: {  	s2 =	rddreg [dreg:$0x1]  }
0x3: {  	s0 =	rddreg [dreg:$0x2]  }
0x4: {  	s3 =	simm.s32 $0x0;
	s1 =	stileid.u32;
	s4 =	srdreg.scid  }
0x5: {  	s15 =	simm.s32 $0x80;
	s16 =	simm.s32 $0x2800;
	s17 =	simm.s32 $0x1  }
0x6: {  	s18 =	simm.s32 $0x6800;
	s19 =	simm.s32 $0x2;
	s20 =	simm.s32 $0x3  }
0x7: {  	s21 =	simm.s32 $0x4;
	s22 =	simm.s32 $0x2780;
	[smem:$0x7FF] =	sst s3  }
0x8: {  	s23 =	smul.u32 $0x2800, s1;
	s6 =	sand.u32 $0x1, s4;
	s4 =	sadd.s32 $0x3F000, s5  }
0x9: {  	s10 =	sadd.s32 $0x3000, s5;
	s11 =	sadd.s32 $0xD000, s5;
	s8 =	smul.u32 $0x50000, s1  }
0xa: {  	s30 =	sshll.u32 s1, $0x6;
	_ =	strace $0x8000004A;
	s7 =	smul.u32 $0x28000, s6  }
0xb: {  	s29 =	ssub.s32 $0x2, s6;
	s6 =	sshll.u32 s6, $0x4;
	s9 =	sadd.s32 s23, s5  }
0xc: {  	s12 =	sshrl.u32 s29, $0x1;
	s8 =	sshrl.u32 s8, $0x2;
	s6 =	sor.u32 s1, s6  }
0xd: {  	s7 =	sadd.s32 s7, s5;
	s12 =	ssub.s32 s29, s12;
	s13 =	sadd.s32 s8, s2  }
0xe: {  	s5 =	sadd.s32 $0x17000, s9;
	s14 =	smul.u32 $0x500, s6;
	s6 =	sor.u32 $0x1C05, s30  }
0xf: {  	s24 =	sadd.s32 $0x66200, s7;
	s7 =	smax.u32 s12, $0x1;
	s12 =	sshrl.u32 s13, $0x3  }
0x10: {  	s13 =	simm.s32 $0x5;
	s8 =	sadd.s32 s10, s14;
	s9 =	sadd.s32 s11, s14  }
0x11: {  	s31 =	sadd.s32 $0x280, s14;
	s14 =	simm.s32 $0x1400;
	s23 =	sadd.s32 s23, s24  }
0x12: {  	s24 =	simm.s32 $0x0;
	s10 =	sadd.s32 s10, s31;
	s11 =	sadd.s32 s11, s31  }
.LBB2_1:
0x13: {  	[spmem:s12], [sflag:s6] =	dma.local [hbm:s5], $0x2800  }
0x14: {  	_ =	swait.ge [sflag:s13], $0x2800  }
0x15: {  	[sflag:s13] =	ssyncset.done $0x0  }
0x16: {  	[sflag:s13] =	ssyncadd.s32 $0xFFFFD800  }
0x17: {  	[bflag:$0x0] =	sbarrier.arrive $0xFFFF  }
0x18: {  	[tilespmem:s3], [sflag:$0x5] =	stream.linear.gather [hbm4b:s8+s3], $0x1400, $0x38;
	[tilespmem:$0x1E800] =	vst v63  }
0x19: {  	_ =	swait.ge [sflag:s13], $0x1400  }
0x1a: {  	[sflag:s13] =	ssyncset.done $0x0  }
0x1b: {  	[sflag:s13] =	ssyncadd.s32 $0xFFFFEC00  }
0x1c: {  	[tilespmem:s14], [sflag:$0x5] =	stream.linear.gather [hbm4b:s9+s3], $0x1400, $0x38;
	[tilespmem:$0x1E800] =	vst v63  }
0x1d: {  	_ =	swait.ge [sflag:s13], $0x1400  }
0x1e: {  	[sflag:s13] =	ssyncset.done $0x0  }
0x1f: {  	[sflag:s13] =	ssyncadd.s32 $0xFFFFEC00  }
0x20: {  	[tilespmem:s16], [sflag:$0x1] =	stream.indirect.gather [hbm4b:s4+s15], $0x80, s3, s15, $0xb8;
	[tilespmem:$0x1E800] =	vst v63  }
0x21: {  	_ =	swait.ge [sflag:s17], $0x4000  }
0x22: {  	[sflag:s17] =	ssyncset.done $0x0  }
0x23: {  	[sflag:s17] =	ssyncadd.s32 $0xFFFFC000  }
0x24: {  	[spmem:s2] =	stream.indirect.scatter.add.f32 [tilespmem:s16], [sflag:$0x3], $0x80, s14, s15, $0xb8;
	[tilespmem:$0x1E800] =	vst v63  }
0x25: {  	_ = 	snop  }
0x26: {  	[tilespmem:s18], [sflag:$0x2] =	stream.indirect.gather [hbm4b:s4+s15], $0x80, s15, s15, $0xb8;
	[tilespmem:$0x1E800] =	vst v63  }
0x27: {  	_ =	swait.ge [sflag:s19], $0x4000  }
0x28: {  	[sflag:s19] =	ssyncset.done $0x0  }
0x29: {  	[sflag:s19] =	ssyncadd.s32 $0xFFFFC000  }
0x2a: {  	_ =	swait.ge [sflag:s20], $0x4000  }
0x2b: {  	[sflag:s20] =	ssyncset.done $0x0  }
0x2c: {  	s25 =	simm.s32 $0x1480;
	[sflag:s20] =	ssyncadd.s32 $0xFFFFC000  }
0x2d: {  	[spmem:s2] =	stream.indirect.scatter.add.f32 [tilespmem:s18], [sflag:$0x4], $0x80, s25, s15, $0xb8;
	[tilespmem:$0x1E800] =	vst v63  }
0x2e: {  	s30 =	simm.s32 $0x100  }
0x2f: {  	[tilespmem:s16], [sflag:$0x1] =	stream.indirect.gather [hbm4b:s4+s15], $0x80, s30, s15, $0xb8;
	[tilespmem:$0x1E800] =	vst v63  }
0x30: {  	_ =	swait.ge [sflag:s17], $0x4000  }
0x31: {  	[sflag:s17] =	ssyncset.done $0x0  }
0x32: {  	[sflag:s17] =	ssyncadd.s32 $0xFFFFC000  }
0x33: {  	_ =	swait.ge [sflag:s21], $0x4000  }
0x34: {  	s31 =	simm.s32 $0x1500;
	[sflag:s21] =	ssyncset.done $0x0  }
0x35: {  	s26 =	simm.s32 $0x180;
	s25 =	simm.s32 $0xFFFFB800;
	[sflag:s21] =	ssyncadd.s32 $0xFFFFC000  }
0x36: {  	[spmem:s2] =	stream.indirect.scatter.add.f32 [tilespmem:s16], [sflag:$0x3], $0x80, s31, s15, $0xb8;
	[tilespmem:$0x1E800] =	vst v63  }
.LBB2_2:
0x37: {  	[tilespmem:s18], [sflag:$0x2] =	stream.indirect.gather [hbm4b:s4+s15], $0x80, s26, s15, $0xb8;
	[tilespmem:$0x1E800] =	vst v63  }
0x38: {  	s26 =	smov.u32 s25  }
0x39: {  	p0 =	sne.s32 s25, $0xFFFFFC00;
	s25 =	sadd.s32 $0x400, s25;
	_ =	swait.ge [sflag:s19], $0x4000  }
0x3a: {  	[sflag:s19] =	ssyncset.done $0x0  }
0x3b: {  	[sflag:s19] =	ssyncadd.s32 $0xFFFFC000  }
0x3c: {  	_ =	swait.ge [sflag:s20], $0x4000  }
0x3d: {  	s26 =	sshra.s32 s26, $0x2;
	[sflag:s20] =	ssyncset.done $0x0  }
0x3e: {  	s28 =	sadd.s32 $0x2780, s26;
	[sflag:s20] =	ssyncadd.s32 $0xFFFFC000  }
0x3f: {  	[spmem:s2] =	stream.indirect.scatter.add.f32 [tilespmem:s18], [sflag:$0x4], $0x80, s28, s15, $0xb8;
	[tilespmem:$0x1E800] =	vst v63  }
0x40: {  	s28 =	sadd.s32 $0x1400, s26  }
0x41: {  	[tilespmem:s16], [sflag:$0x1] =	stream.indirect.gather [hbm4b:s4+s15], $0x80, s28, s15, $0xb8;
	[tilespmem:$0x1E800] =	vst v63  }
0x42: {  	_ =	swait.ge [sflag:s17], $0x4000  }
0x43: {  	[sflag:s17] =	ssyncset.done $0x0  }
0x44: {  	[sflag:s17] =	ssyncadd.s32 $0xFFFFC000  }
.Ltmp0:
0x45: {  	_ =	swait.ge [sflag:s21], $0x4000;
	(pc) =	sbr.rel @p0 .LBB2_2-.Ltmp0, $4  }
0x46: {  	[sflag:s21] =	ssyncset.done $0x0  }
0x47: {  	s28 =	sadd.s32 $0x2800, s26;
	[sflag:s21] =	ssyncadd.s32 $0xFFFFC000  }
0x48: {  	[spmem:s2] =	stream.indirect.scatter.add.f32 [tilespmem:s16], [sflag:$0x3], $0x80, s28, s15, $0xb8;
	[tilespmem:$0x1E800] =	vst v63  }
0x49: {  	s26 =	sadd.s32 $0x1480, s26  }
0x4a: {  	[tilespmem:s18], [sflag:$0x2] =	stream.indirect.gather [hbm4b:s4+s15], $0x80, s26, s15, $0xb8;
	[tilespmem:$0x1E800] =	vst v63  }
0x4b: {  	_ =	swait.ge [sflag:s19], $0x4000  }
0x4c: {  	[sflag:s19] =	ssyncset.done $0x0  }
0x4d: {  	[sflag:s19] =	ssyncadd.s32 $0xFFFFC000  }
0x4e: {  	_ =	swait.ge [sflag:s20], $0x4000  }
0x4f: {  	[sflag:s20] =	ssyncset.done $0x0  }
0x50: {  	[sflag:s20] =	ssyncadd.s32 $0xFFFFC000  }
0x51: {  	[spmem:s2] =	stream.indirect.scatter.add.f32 [tilespmem:s18], [sflag:$0x4], $0x80, s22, s15, $0xb8;
	[tilespmem:$0x1E800] =	vst v63  }
0x52: {  	_ =	swait.ge [sflag:s21], $0x4000  }
0x53: {  	[sflag:s21] =	ssyncset.done $0x0  }
0x54: {  	[sflag:s21] =	ssyncadd.s32 $0xFFFFC000  }
0x55: {  	[tilespmem:s3], [sflag:$0x5] =	stream.linear.gather [hbm4b:s10+s3], $0x1400, $0x38;
	[tilespmem:$0x1E800] =	vst v63  }
0x56: {  	_ =	swait.ge [sflag:s13], $0x1400  }
0x57: {  	[sflag:s13] =	ssyncset.done $0x0  }
0x58: {  	[sflag:s13] =	ssyncadd.s32 $0xFFFFEC00  }
0x59: {  	[tilespmem:s14], [sflag:$0x5] =	stream.linear.gather [hbm4b:s11+s3], $0x1400, $0x38;
	[tilespmem:$0x1E800] =	vst v63  }
0x5a: {  	_ =	swait.ge [sflag:s13], $0x1400  }
0x5b: {  	[sflag:s13] =	ssyncset.done $0x0  }
0x5c: {  	[sflag:s13] =	ssyncadd.s32 $0xFFFFEC00  }
0x5d: {  	[tilespmem:s16], [sflag:$0x1] =	stream.indirect.gather [hbm4b:s4+s15], $0x80, s3, s15, $0xb8;
	[tilespmem:$0x1E800] =	vst v63  }
0x5e: {  	_ =	swait.ge [sflag:s17], $0x4000  }
0x5f: {  	[sflag:s17] =	ssyncset.done $0x0  }
0x60: {  	[sflag:s17] =	ssyncadd.s32 $0xFFFFC000  }
0x61: {  	[spmem:s2] =	stream.indirect.scatter.add.f32 [tilespmem:s16], [sflag:$0x3], $0x80, s14, s15, $0xb8;
	[tilespmem:$0x1E800] =	vst v63  }
0x62: {  	_ = 	snop  }
0x63: {  	[tilespmem:s18], [sflag:$0x2] =	stream.indirect.gather [hbm4b:s4+s15], $0x80, s15, s15, $0xb8;
	[tilespmem:$0x1E800] =	vst v63  }
0x64: {  	_ =	swait.ge [sflag:s19], $0x4000  }
0x65: {  	[sflag:s19] =	ssyncset.done $0x0  }
0x66: {  	[sflag:s19] =	ssyncadd.s32 $0xFFFFC000  }
0x67: {  	_ =	swait.ge [sflag:s20], $0x4000  }
0x68: {  	[sflag:s20] =	ssyncset.done $0x0  }
0x69: {  	s25 =	simm.s32 $0x1480;
	[sflag:s20] =	ssyncadd.s32 $0xFFFFC000  }
0x6a: {  	[spmem:s2] =	stream.indirect.scatter.add.f32 [tilespmem:s18], [sflag:$0x4], $0x80, s25, s15, $0xb8;
	[tilespmem:$0x1E800] =	vst v63  }
0x6b: {  	s30 =	simm.s32 $0x100  }
0x6c: {  	[tilespmem:s16], [sflag:$0x1] =	stream.indirect.gather [hbm4b:s4+s15], $0x80, s30, s15, $0xb8;
	[tilespmem:$0x1E800] =	vst v63  }
0x6d: {  	_ =	swait.ge [sflag:s17], $0x4000  }
0x6e: {  	[sflag:s17] =	ssyncset.done $0x0  }
0x6f: {  	[sflag:s17] =	ssyncadd.s32 $0xFFFFC000  }
0x70: {  	_ =	swait.ge [sflag:s21], $0x4000  }
0x71: {  	s31 =	simm.s32 $0x1500;
	[sflag:s21] =	ssyncset.done $0x0  }
0x72: {  	s26 =	simm.s32 $0x180;
	s25 =	simm.s32 $0xFFFFB800;
	[sflag:s21] =	ssyncadd.s32 $0xFFFFC000  }
0x73: {  	[spmem:s2] =	stream.indirect.scatter.add.f32 [tilespmem:s16], [sflag:$0x3], $0x80, s31, s15, $0xb8;
	[tilespmem:$0x1E800] =	vst v63  }
.LBB2_4:
0x74: {  	[tilespmem:s18], [sflag:$0x2] =	stream.indirect.gather [hbm4b:s4+s15], $0x80, s26, s15, $0xb8;
	[tilespmem:$0x1E800] =	vst v63  }
0x75: {  	s26 =	smov.u32 s25  }
0x76: {  	p0 =	sne.s32 s25, $0xFFFFFC00;
	s25 =	sadd.s32 $0x400, s25;
	_ =	swait.ge [sflag:s19], $0x4000  }
0x77: {  	[sflag:s19] =	ssyncset.done $0x0  }
0x78: {  	[sflag:s19] =	ssyncadd.s32 $0xFFFFC000  }
0x79: {  	_ =	swait.ge [sflag:s20], $0x4000  }
0x7a: {  	s26 =	sshra.s32 s26, $0x2;
	[sflag:s20] =	ssyncset.done $0x0  }
0x7b: {  	s28 =	sadd.s32 $0x2780, s26;
	[sflag:s20] =	ssyncadd.s32 $0xFFFFC000  }
0x7c: {  	[spmem:s2] =	stream.indirect.scatter.add.f32 [tilespmem:s18], [sflag:$0x4], $0x80, s28, s15, $0xb8;
	[tilespmem:$0x1E800] =	vst v63  }
0x7d: {  	s28 =	sadd.s32 $0x1400, s26  }
0x7e: {  	[tilespmem:s16], [sflag:$0x1] =	stream.indirect.gather [hbm4b:s4+s15], $0x80, s28, s15, $0xb8;
	[tilespmem:$0x1E800] =	vst v63  }
0x7f: {  	_ =	swait.ge [sflag:s17], $0x4000  }
0x80: {  	[sflag:s17] =	ssyncset.done $0x0  }
0x81: {  	[sflag:s17] =	ssyncadd.s32 $0xFFFFC000  }
.Ltmp1:
0x82: {  	_ =	swait.ge [sflag:s21], $0x4000;
	(pc) =	sbr.rel @p0 .LBB2_4-.Ltmp1, $4  }
0x83: {  	[sflag:s21] =	ssyncset.done $0x0  }
0x84: {  	s28 =	sadd.s32 $0x2800, s26;
	[sflag:s21] =	ssyncadd.s32 $0xFFFFC000  }
0x85: {  	[spmem:s2] =	stream.indirect.scatter.add.f32 [tilespmem:s16], [sflag:$0x3], $0x80, s28, s15, $0xb8;
	[tilespmem:$0x1E800] =	vst v63  }
0x86: {  	s26 =	sadd.s32 $0x1480, s26  }
0x87: {  	[tilespmem:s18], [sflag:$0x2] =	stream.indirect.gather [hbm4b:s4+s15], $0x80, s26, s15, $0xb8;
	[tilespmem:$0x1E800] =	vst v63  }
0x88: {  	_ =	swait.ge [sflag:s19], $0x4000  }
0x89: {  	[sflag:s19] =	ssyncset.done $0x0  }
0x8a: {  	[sflag:s19] =	ssyncadd.s32 $0xFFFFC000  }
0x8b: {  	_ =	swait.ge [sflag:s20], $0x4000  }
0x8c: {  	[sflag:s20] =	ssyncset.done $0x0  }
0x8d: {  	[sflag:s20] =	ssyncadd.s32 $0xFFFFC000  }
0x8e: {  	[spmem:s2] =	stream.indirect.scatter.add.f32 [tilespmem:s18], [sflag:$0x4], $0x80, s22, s15, $0xb8;
	[tilespmem:$0x1E800] =	vst v63  }
0x8f: {  	_ =	swait.ge [sflag:s21], $0x4000  }
0x90: {  	s24 =	sadd.s32 $0x1, s24;
	[sflag:s21] =	ssyncset.done $0x0  }
0x91: {  	p0 =	sne.s32 s24, s7;
	[sflag:s21] =	ssyncadd.s32 $0xFFFFC000  }
.Ltmp2:
0x92: {  	[bflag:$0x0] =	sbarrier.arrive $0xFFFF;
	(pc) =	sbr.rel @p0 .LBB2_1-.Ltmp2, $4  }
0x93: {  	[hbm:s23], [sflag:s6] =	dma.local [spmem:s12], $0x2800  }
0x94: {  	_ =	swait.ge [sflag:s13], $0x2800  }
0x95: {  	[sflag:s13] =	ssyncset.done $0x0  }
0x96: {  	[sflag:s13] =	ssyncadd.s32 $0xFFFFD800  }
0x97: {  	_ =	sfence.sel $0x180000  }
0x98: {  	[bflag:$0x0] =	sbarrier.arrive $0xFFFF  }
0x99: {  	p0 =	sne.s32 s1, $0x0;
	_ =	strace $0x9000004A  }
0x9a: {  	s0 =	sadd.s32 @!p0 $0x100000, s0;
	[bflag:$0x2] =	sbarrier.arrive $0xFFFF  }
0x9b: {  	[sflag:s0] =	ssyncadd.tile.s32 @!p0 $0x1;
	_ =	shalt  }
.Lfunc_end2:
_tile_overlayer_lowered:
.L_overlay_start_2:
0x9c: {  	(tag) =	ssettag $0x2  }
0x9d: {  	s0 =	rddreg [dreg:$0x0];
	s2 =	stileid.u32  }
0x9e: {  	s1 =	rddreg [dreg:$0x1];
	p0 =	sne.s32 s2, $0x0  }
0x9f: {  	s3 =	rddreg [dreg:$0x2];
	[bflag:$0x3] =	sbarrier.arrive $0xFFFF;
	s2 =	simm.s32 @!p0 $0x1C05  }
0xa0: {  	[timem:s3], [sflag:s2] =	dma.local @!p0 [hbm:s0], s1  }
0xa1: {  	s0 =	simm.s32 @!p0 $0x5  }
0xa2: {  	_ =	swait.ge @!p0 [sflag:s0], s1  }
0xa3: {  	s1 =	ssub.s32 @!p0 $0x0, s1;
	[sflag:s0] =	ssyncset.done @!p0 $0x0  }
0xa4: {  	[sflag:s0] =	ssyncadd.s32 @!p0 s1  }
0xa5: {  	[bflag:$0x3] =	sbarrier.arrive $0xFFFF  }
0xa6: {  	_ =	shalt  }

// kernel: kernel.16.cloned.1.call-start
scs
__scs_entry_jumppad:
0x0: {  	(pc) =	sbr.rel $0x88, $3  }
0x1: {  	(tag) =	ssettag $0x0;
	lr =	simm.s32 $0x1  }
0x2: {  	[smem:$0x3F94] =	sst lr;
	_ =	strace $0xD0000000  }
0x3: {  	_ = 	snop  }
0x4: {  	_ = 	snop  }
0x5: {  	_ = 	snop  }
0x6: {  	_ = 	snop  }
0x7: {  	_ = 	snop  }
__scs_overlays_trampoline_lowered:
0x8: {  	[smem:$0x3FA3] =	sst s0  }
0x9: {  	[smem:$0x3FA4] =	sst s1  }
0xa: {  	[smem:$0x3FA5] =	sst s2  }
0xb: {  	[smem:$0x3FA6] =	sst s3  }
0xc: {  	[smem:$0x3FA7] =	sst s4  }
0xd: {  	[smem:$0x3FA8] =	sst s5  }
0xe: {  	[smem:$0x3FA9] =	sst s6  }
0xf: {  	[smem:$0x3FAA] =	sst s7  }
0x10: {  	[smem:$0x3FAB] =	sst s8  }
0x11: {  	[smem:$0x3FAC] =	sst s9;
	s0 =	simm.s32 @!p0 $0x0  }
0x12: {  	s1 =	sld [smem:$0x3F92];
	s0 =	simm.s32 @p0 $0x1  }
0x13: {  	[smem:$0x3FAD] =	sst s0;
	s0 =	simm.s32 @!p1 $0x0  }
0x14: {  	s2 =	sld [smem:$0x3F91];
	s0 =	simm.s32 @p1 $0x1  }
0x15: {  	[smem:$0x3FAE] =	sst s0;
	s0 =	simm.s32 @!p2 $0x0  }
0x16: {  	s3 =	sld [smem:$0x3FDB];
	s0 =	simm.s32 @p2 $0x1  }
0x17: {  	s4 =	simm.s32 $0x1BF5;
	[smem:$0x3FB0] =	sst s0  }
0x18: {  	s0 =	sld [smem:$0x3F93];
	_ =	swait.ge [sflag:s4], $0x0  }
0x19: {  	s7 =	sld [smem:$0x3F94]  }
0x1a: {  	s8 =	sadd.s32 $0xFFFFE003, lr  }
0x1b: {  	s9 =	sadd.s32 $0xFFFFFEF7, lr;
	s5 =	simm.s32 $0xFFFFFFFF;
	p2 =	slt.u32 s8, $0xFFFFF086  }
0x1c: {  	p1 =	slt.u32 s9, $0xF7A;
	s5 =	simm.s32 @!p2 $0x0  }
0x1d: {  	s5 =	simm.s32 @p1 $0x1;
	p0 =	seq.s32 s7, s2  }
0x1e: {  	s7 =	smul.u32 @!p0 $0xF7A, s2;
	p2 =	seq.s32 @!p0 s5, $0x0  }
0x1f: {  	s9 =	smul.u32 $0xF7A, s1;
	s8 =	simm.s32 @!p0 $0x1BF5;
	p2 =	por !p2, p0  }
0x20: {  	[sflag:s8] =	ssyncset.s32 @!p0 $0xFFFFF086;
	s6 =	sadd.s32 @!p0 s3, s7;
	s7 =	simm.s32 @!p0 $0x108  }
0x21: {  	s3 =	sadd.s32 s3, s9;
	s6 =	sadd.s32 @!p0 $0x88, s6;
	s7 =	simm.s32 @p2 $0x1082  }
0x22: {  	[simem:s7], [sflag:s8] =	dma.local @!p0 [hbm:s6], $0xF7A  }
0x23: {  	s9 =	sor.u32 $0xD0000000, s2;
	s6 =	simm.s32 $0x108;
	_ =	swait.ge @!p0 [sflag:s8], $0x0  }
0x24: {  	s3 =	sadd.s32 $0x88, s3;
	s6 =	simm.s32 @!p1 $0x1082;
	[sflag:s4] =	ssyncset.s32 $0xFFFFF086  }
0x25: {  	[simem:s6], [sflag:s4] =	dma.local [hbm:s3], $0xF7A  }
0x26: {  	[smem:$0x3F94] =	sst s1;
	(tag) =	ssettag s2;
	_ =	strace s9  }
0x27: {  	s1 =	sld [smem:$0x3FA4]  }
0x28: {  	s2 =	sld [smem:$0x3FA5]  }
0x29: {  	s4 =	sld [smem:$0x3FA7]  }
0x2a: {  	p0 =	seq.s32 s5, $0x0;
	s5 =	sld [smem:$0x3FA8]  }
0x2b: {  	s6 =	sld [smem:$0x3FA9]  }
0x2c: {  	s7 =	sld [smem:$0x3FAA]  }
0x2d: {  	s3 =	simm.s32 $0x108;
	s8 =	sld [smem:$0x3FAB]  }
0x2e: {  	s3 =	simm.s32 @!p0 $0x1082;
	s9 =	sld [smem:$0x3FAC]  }
0x2f: {  	lr =	sadd.s32 s0, s3;
	s0 =	sld [smem:$0x3FA3]  }
0x30: {  	s3 =	sld [smem:$0x3FA6]  }
0x31: {  	[smem:$0x3FAF] =	sst s10  }
0x32: {  	s10 =	sld [smem:$0x3FAD];
	_ =	sdelay $0x3  }
0x33: {  	p0 =	seq.s32 s10, $0x1;
	s10 =	sld [smem:$0x3FAF];
	_ =	sdelay $0x3  }
0x34: {  	[smem:$0x3FAF] =	sst s10  }
0x35: {  	s10 =	sld [smem:$0x3FAE];
	_ =	sdelay $0x3  }
0x36: {  	p1 =	seq.s32 s10, $0x1;
	s10 =	sld [smem:$0x3FAF];
	_ =	sdelay $0x3  }
0x37: {  	[smem:$0x3FAF] =	sst s10  }
0x38: {  	s10 =	sld [smem:$0x3FB0]  }
0x39: {  	_ = 	snop;
	(pc) =	sbr.ind lr, $3  }
0x3a: {  	_ = 	snop  }
0x3b: {  	_ = 	snop  }
0x3c: {  	p2 =	seq.s32 s10, $0x1;
	s10 =	sld [smem:$0x3FAF]  }
0x3d: {  	_ =	shalt  }
0x3e: {  	_ =	shalt  }
0x3f: {  	_ =	shalt  }
0x40: {  	_ =	shalt  }
0x41: {  	_ =	shalt  }
0x42: {  	_ =	shalt  }
0x43: {  	_ =	shalt  }
0x44: {  	_ =	shalt  }
0x45: {  	_ =	shalt  }
0x46: {  	_ =	shalt  }
0x47: {  	_ =	shalt  }
0x48: {  	_ =	shalt  }
0x49: {  	_ =	shalt  }
0x4a: {  	_ =	shalt  }
0x4b: {  	_ =	shalt  }
0x4c: {  	_ =	shalt  }
0x4d: {  	_ =	shalt  }
0x4e: {  	_ =	shalt  }
0x4f: {  	_ =	shalt  }
0x50: {  	_ =	shalt  }
0x51: {  	_ =	shalt  }
0x52: {  	_ =	shalt  }
0x53: {  	_ =	shalt  }
0x54: {  	_ =	shalt  }
0x55: {  	_ =	shalt  }
0x56: {  	_ =	shalt  }
0x57: {  	_ =	shalt  }
0x58: {  	_ =	shalt  }
0x59: {  	_ =	shalt  }
0x5a: {  	_ =	shalt  }
0x5b: {  	_ =	shalt  }
0x5c: {  	_ =	shalt  }
0x5d: {  	_ =	shalt  }
0x5e: {  	_ =	shalt  }
0x5f: {  	_ =	shalt  }
0x60: {  	_ =	shalt  }
0x61: {  	_ =	shalt  }
0x62: {  	_ =	shalt  }
0x63: {  	_ =	shalt  }
0x64: {  	_ =	shalt  }
0x65: {  	_ =	shalt  }
0x66: {  	_ =	shalt  }
0x67: {  	_ =	shalt  }
0x68: {  	_ =	shalt  }
0x69: {  	_ =	shalt  }
0x6a: {  	_ =	shalt  }
0x6b: {  	_ =	shalt  }
0x6c: {  	_ =	shalt  }
0x6d: {  	_ =	shalt  }
0x6e: {  	_ =	shalt  }
0x6f: {  	_ =	shalt  }
0x70: {  	_ =	shalt  }
0x71: {  	_ =	shalt  }
0x72: {  	_ =	shalt  }
0x73: {  	_ =	shalt  }
0x74: {  	_ =	shalt  }
0x75: {  	_ =	shalt  }
0x76: {  	_ =	shalt  }
0x77: {  	_ =	shalt  }
0x78: {  	_ =	shalt  }
0x79: {  	_ =	shalt  }
0x7a: {  	_ =	shalt  }
0x7b: {  	_ =	shalt  }
0x7c: {  	_ =	shalt  }
0x7d: {  	_ =	shalt  }
0x7e: {  	_ =	shalt  }
0x7f: {  	_ =	shalt  }
0x80: {  	_ =	shalt  }
0x81: {  	_ =	shalt  }
0x82: {  	_ =	shalt  }
0x83: {  	_ =	shalt  }
0x84: {  	_ =	shalt  }
0x85: {  	_ =	shalt  }
0x86: {  	_ =	shalt  }
0x87: {  	_ =	shalt  }
.Lfunc_end0:
.L_simem_size_0:
called_computation.2_lowered:
.L_overlay_start_0:
0x88: {  	s2 =	sld [smem:$0x3FD9]  }
0x89: {  	s3 =	sld [smem:$0x3FFE];
	_ =	sdelay $0x1  }
0x8a: {  	s1 =	srdreg.scid  }
0x8b: {  	s0 =	sand.u32 $0x1, s1  }
0x8c: {  	s16 =	sshll.u32 s0, $0xA;
	s2 =	sadd.s32 s3, s2  }
0x8d: {  	s2 =	sadd.s32 s2, s16  }
0x8e: {  	[smem:$0x3FBB] =	sst s2  }
0x8f: {  	_ = 	snop  }
0x90: {  	(tm) =	ssettm $0x1  }
0x91: {  	s17 =	sld [smem:$0x3FFB];
	_ =	sdelay $0x3  }
0x92: {  	_ =	strace s17  }
0x93: {  	s2 =	sld [smem:$0x3FFC];
	_ =	sdelay $0x3  }
0x94: {  	_ =	strace s2  }
0x95: {  	s2 =	sld [smem:$0x3FFD];
	_ =	sdelay $0x3  }
0x96: {  	_ =	strace s2  }
0x97: {  	_ =	strace $0x8FFFFFFF  }
0x98: {  	s18 =	sld [smem:$0x3FDB];
	_ =	sdelay $0x1  }
0x99: {  	s19 =	simm.s32 $_scs_section_size  }
0x9a: {  	s4 =	simm.s32 $_size__tile_overlayer_lowered;
	s5 =	simm.s32 $_tile_overlayer_lowered  }
0x9b: {  	s22 =	simm.s32 $0x1BFF;
	s21 =	sshll.u32 s5, $0x1;
	s2 =	sadd.s32 s19, s18  }
0x9c: {  	s6 =	simm.s32 $0x0;
	s20 =	sshll.u32 s4, $0x1;
	s4 =	sadd.s32 s21, s2  }
0x9d: {  	[timem:s6], [sflag:s22] =	dma.local [hbm:s4], s20  }
0x9e: {  	_ =	swait.ge [sflag:s22], s20  }
0x9f: {  	s3 =	ssub.s32 $0x0, s20;
	[sflag:s22] =	ssyncset.done $0x0  }
0xa0: {  	[sflag:s22] =	ssyncadd.s32 s3;
	_ =	sdelay $0x1  }
0xa1: {  	s23 =	simm.s32 $0x1B8B  }
0xa2: {  	_ =	swait.ge [sflag:s23], $0x1  }
0xa3: {  	[sflag:s23] =	ssyncset.done $0x0  }
0xa4: {  	s25 =	simm.s32 $0x1B8E;
	s24 =	sld [smem:$0x3FFE];
	[sflag:s23] =	ssyncadd.s32 $0xFFFFFFFF  }
0xa5: {  	s26 =	simm.s32 $execute0_lowered;
	[smem:$0x3FD2] =	sst s25  }
0xa6: {  	s4 =	sshll.u32 s26, $0x1;
	_ =	strace $0x8000004C;
	[dreg:$0x1] =	wrdreg $0xFFFFFFFF  }
0xa7: {  	s28 =	simm.s32 $_size_execute0_lowered;
	s2 =	sadd.s32 s2, s4;
	[dreg:$0x0] =	wrdreg $0x0  }
0xa8: {  	s4 =	sshll.u32 s28, $0x1;
	[dreg:$0x2] =	wrdreg s2  }
0xa9: {  	[dreg:$0x3] =	wrdreg s4  }
0xaa: {  	[dreg:$0x4] =	wrdreg $0xC0  }
0xab: {  	_ =	task [dreg:s6], $0x5FFFF  }
0xac: {  	[dreg:$0x1] =	wrdreg $0xFFFFFFFF  }
0xad: {  	[dreg:$0x0] =	wrdreg $0x60  }
0xae: {  	[dreg:$0x2] =	wrdreg s24  }
0xaf: {  	[dreg:$0x3] =	wrdreg $0xA8000  }
0xb0: {  	[dreg:$0x4] =	wrdreg $0x9  }
0xb1: {  	_ =	task.clear_ibuf [dreg:s6], $0x5FFFF;
	_ =	strace $0x9000004C  }
0xb2: {  	s29 =	simm.s32 $0x9;
	_ =	strace $0x8000004E  }
0xb3: {  	_ =	swait.ge [sflag:s29], $0x1  }
0xb4: {  	[sflag:s29] =	ssyncadd.s32 $0xFFFFFFFF  }
0xb5: {  	_ =	strace $0x9000004E  }
0xb6: {  	_ =	sfence  }
0xb7: {  	s30 =	sld [smem:$0x0];
	_ =	sdelay $0x2  }
0xb8: {  	s31 =	sshll.u32 s1, $0xD;
	s1 =	sshrl.u32 s1, $0x2  }
0xb9: {  	s3 =	sand.u32 $0x4000, s31;
	s1 =	sadd.s32 s1, s30  }
0xba: {  	s0 =	sor.u32 s3, s0;
	s1 =	sshll.u32 s1, $0x11  }
0xbb: {  	s0 =	sor.u32 s1, s0  }
0xbc: {  	s0 =	sadd.s32 $0x8F2B, s0  }
0xbd: {  	[sflag:s0] =	ssyncadd.remote.s32 $0x1  }
0xbe: {  	_ =	sfence.sel $0xFFFF  }
0xbf: {  	[dreg:$0x0] =	wrdreg $0xFFFFFFFF;
	(pc) =	sbr.abs _section_cstart, $3  }
0xc0: {  	[dreg:$0x1] =	wrdreg $0xFFFFFFFF  }
0xc1: {  	_ =	task.clear_ibuf [dreg:s6], $0x2FFFF;
	_ =	strace $0x9FFFFFFF  }
0xc2: {  	(tm) =	ssettm $0x7FFFFFFF  }
0xc3: {  	_ =	shalt  }
tec
execute0_lowered:
.L_overlay_start_1:
0x0: {  	(tag) =	ssettag $0x1  }
0x1: {  	s6 =	rddreg [dreg:$0x0]  }
0x2: {  	s1 =	rddreg [dreg:$0x1]  }
0x3: {  	s2 =	srdreg.scid;
	s0 =	rddreg [dreg:$0x2]  }
0x4: {  	s3 =	simm.s32 $0x0;
	s15 =	simm.s32 $0x2800;
	s16 =	simm.s32 $0x1  }
0x5: {  	s17 =	simm.s32 $0x6800;
	s18 =	simm.s32 $0x2;
	s5 =	sand.u32 $0x1, s2  }
0x6: {  	s19 =	simm.s32 $0x3;
	s2 =	stileid.u32;
	s7 =	smul.u32 $0xA000, s5  }
0x7: {  	s20 =	simm.s32 $0x4;
	s21 =	simm.s32 $0x2780;
	s22 =	smul.u32 $0x2800, s2  }
0x8: {  	[smem:$0x7FF] =	sst s3;
	s4 =	sadd.s32 $0x3F000, s6;
	s8 =	smul.u32 $0x28000, s5  }
0x9: {  	_ =	strace $0x8000004D;
	s29 =	ssub.s32 $0x2, s5;
	s10 =	smul.u32 $0x50000, s2  }
0xa: {  	s5 =	sadd.s32 $0xD000, s6;
	s31 =	sshll.u32 s2, $0x6;
	s12 =	sshrl.u32 s29, $0x1  }
0xb: {  	s9 =	sadd.s32 s7, s6;
	s11 =	sadd.s32 s22, s6;
	s13 =	sadd.s32 s8, s6  }
0xc: {  	s12 =	ssub.s32 s29, s12;
	s30 =	sshrl.u32 s10, $0x2;
	s7 =	sor.u32 $0x1C05, s31  }
0xd: {  	s8 =	smul.u32 $0xA0, s2;
	s14 =	sadd.s32 s30, s1;
	s6 =	sadd.s32 $0x17000, s11  }
0xe: {  	s9 =	sadd.s32 $0xB6200, s9;
	s23 =	sadd.s32 $0xCA200, s13;
	s10 =	smax.u32 s12, $0x1  }
0xf: {  	s12 =	simm.s32 $0x5;
	s13 =	simm.s32 $0x1400;
	s11 =	sshrl.u32 s14, $0x3  }
0x10: {  	s14 =	simm.s32 $0x80;
	s22 =	sadd.s32 s22, s23;
	s23 =	simm.s32 $0x0  }
.LBB2_1:
0x11: {  	[spmem:s11], [sflag:s7] =	dma.local [hbm:s6], $0x2800  }
0x12: {  	_ =	swait.ge [sflag:s12], $0x2800  }
0x13: {  	[sflag:s12] =	ssyncset.done $0x0  }
0x14: {  	[sflag:s12] =	ssyncadd.s32 $0xFFFFD800  }
0x15: {  	s24 =	simm.s32 $0x0;
	[bflag:$0x0] =	sbarrier.arrive $0xFFFF  }
.LBB2_2:
0x16: {  	s25 =	smul.u32 $0x28, s24;
	_ =	sdelay $0x1  }
0x17: {  	s25 =	sadd.s32 s8, s25  }
0x18: {  	s25 =	sshll.u32 s25, $0x4  }
0x19: {  	s26 =	sadd.s32 s25, s9  }
0x1a: {  	[tilespmem:s3], [sflag:$0x5] =	stream.linear.gather [hbm4b:s26+s3], $0x1400, $0x38;
	[tilespmem:$0x1E800] =	vst v63  }
0x1b: {  	_ =	swait.ge [sflag:s12], $0x1400  }
0x1c: {  	[sflag:s12] =	ssyncset.done $0x0  }
0x1d: {  	s25 =	sadd.s32 s5, s25;
	[sflag:s12] =	ssyncadd.s32 $0xFFFFEC00  }
0x1e: {  	[tilespmem:s13], [sflag:$0x5] =	stream.linear.gather [hbm4b:s25+s3], $0x1400, $0x38;
	[tilespmem:$0x1E800] =	vst v63  }
0x1f: {  	_ =	swait.ge [sflag:s12], $0x1400  }
0x20: {  	[sflag:s12] =	ssyncset.done $0x0  }
0x21: {  	[sflag:s12] =	ssyncadd.s32 $0xFFFFEC00  }
0x22: {  	[tilespmem:s15], [sflag:$0x1] =	stream.indirect.gather [hbm4b:s4+s14], $0x80, s3, s14, $0xb8;
	[tilespmem:$0x1E800] =	vst v63  }
0x23: {  	_ =	swait.ge [sflag:s16], $0x4000  }
0x24: {  	[sflag:s16] =	ssyncset.done $0x0  }
0x25: {  	[sflag:s16] =	ssyncadd.s32 $0xFFFFC000  }
0x26: {  	[spmem:s1] =	stream.indirect.scatter.add.f32 [tilespmem:s15], [sflag:$0x3], $0x80, s13, s14, $0xb8;
	[tilespmem:$0x1E800] =	vst v63  }
0x27: {  	_ = 	snop  }
0x28: {  	[tilespmem:s17], [sflag:$0x2] =	stream.indirect.gather [hbm4b:s4+s14], $0x80, s14, s14, $0xb8;
	[tilespmem:$0x1E800] =	vst v63  }
0x29: {  	_ =	swait.ge [sflag:s18], $0x4000  }
0x2a: {  	[sflag:s18] =	ssyncset.done $0x0  }
0x2b: {  	[sflag:s18] =	ssyncadd.s32 $0xFFFFC000  }
0x2c: {  	_ =	swait.ge [sflag:s19], $0x4000  }
0x2d: {  	[sflag:s19] =	ssyncset.done $0x0  }
0x2e: {  	s29 =	simm.s32 $0x1480;
	[sflag:s19] =	ssyncadd.s32 $0xFFFFC000  }
0x2f: {  	[spmem:s1] =	stream.indirect.scatter.add.f32 [tilespmem:s17], [sflag:$0x4], $0x80, s29, s14, $0xb8;
	[tilespmem:$0x1E800] =	vst v63  }
0x30: {  	s30 =	simm.s32 $0x100  }
0x31: {  	[tilespmem:s15], [sflag:$0x1] =	stream.indirect.gather [hbm4b:s4+s14], $0x80, s30, s14, $0xb8;
	[tilespmem:$0x1E800] =	vst v63  }
0x32: {  	_ =	swait.ge [sflag:s16], $0x4000  }
0x33: {  	[sflag:s16] =	ssyncset.done $0x0  }
0x34: {  	[sflag:s16] =	ssyncadd.s32 $0xFFFFC000  }
0x35: {  	_ =	swait.ge [sflag:s20], $0x4000  }
0x36: {  	s31 =	simm.s32 $0x1500;
	[sflag:s20] =	ssyncset.done $0x0  }
0x37: {  	s26 =	simm.s32 $0x180;
	s25 =	simm.s32 $0xFFFFB800;
	[sflag:s20] =	ssyncadd.s32 $0xFFFFC000  }
0x38: {  	[spmem:s1] =	stream.indirect.scatter.add.f32 [tilespmem:s15], [sflag:$0x3], $0x80, s31, s14, $0xb8;
	[tilespmem:$0x1E800] =	vst v63  }
.LBB2_3:
0x39: {  	[tilespmem:s17], [sflag:$0x2] =	stream.indirect.gather [hbm4b:s4+s14], $0x80, s26, s14, $0xb8;
	[tilespmem:$0x1E800] =	vst v63  }
0x3a: {  	s26 =	smov.u32 s25  }
0x3b: {  	p0 =	sne.s32 s25, $0xFFFFFC00;
	s25 =	sadd.s32 $0x400, s25;
	_ =	swait.ge [sflag:s18], $0x4000  }
0x3c: {  	[sflag:s18] =	ssyncset.done $0x0  }
0x3d: {  	[sflag:s18] =	ssyncadd.s32 $0xFFFFC000  }
0x3e: {  	_ =	swait.ge [sflag:s19], $0x4000  }
0x3f: {  	s26 =	sshra.s32 s26, $0x2;
	[sflag:s19] =	ssyncset.done $0x0  }
0x40: {  	s28 =	sadd.s32 $0x2780, s26;
	[sflag:s19] =	ssyncadd.s32 $0xFFFFC000  }
0x41: {  	[spmem:s1] =	stream.indirect.scatter.add.f32 [tilespmem:s17], [sflag:$0x4], $0x80, s28, s14, $0xb8;
	[tilespmem:$0x1E800] =	vst v63  }
0x42: {  	s28 =	sadd.s32 $0x1400, s26  }
0x43: {  	[tilespmem:s15], [sflag:$0x1] =	stream.indirect.gather [hbm4b:s4+s14], $0x80, s28, s14, $0xb8;
	[tilespmem:$0x1E800] =	vst v63  }
0x44: {  	_ =	swait.ge [sflag:s16], $0x4000  }
0x45: {  	[sflag:s16] =	ssyncset.done $0x0  }
0x46: {  	[sflag:s16] =	ssyncadd.s32 $0xFFFFC000  }
.Ltmp0:
0x47: {  	_ =	swait.ge [sflag:s20], $0x4000;
	(pc) =	sbr.rel @p0 .LBB2_3-.Ltmp0, $4  }
0x48: {  	[sflag:s20] =	ssyncset.done $0x0  }
0x49: {  	s28 =	sadd.s32 $0x2800, s26;
	[sflag:s20] =	ssyncadd.s32 $0xFFFFC000  }
0x4a: {  	[spmem:s1] =	stream.indirect.scatter.add.f32 [tilespmem:s15], [sflag:$0x3], $0x80, s28, s14, $0xb8;
	[tilespmem:$0x1E800] =	vst v63  }
0x4b: {  	s26 =	sadd.s32 $0x1480, s26  }
0x4c: {  	[tilespmem:s17], [sflag:$0x2] =	stream.indirect.gather [hbm4b:s4+s14], $0x80, s26, s14, $0xb8;
	[tilespmem:$0x1E800] =	vst v63  }
0x4d: {  	_ =	swait.ge [sflag:s18], $0x4000  }
0x4e: {  	[sflag:s18] =	ssyncset.done $0x0  }
0x4f: {  	[sflag:s18] =	ssyncadd.s32 $0xFFFFC000  }
0x50: {  	s24 =	sadd.s32 $0x1, s24;
	_ =	swait.ge [sflag:s19], $0x4000  }
0x51: {  	p0 =	sne.s32 s24, $0x4;
	[sflag:s19] =	ssyncset.done $0x0  }
.Ltmp1:
0x52: {  	[sflag:s19] =	ssyncadd.s32 $0xFFFFC000;
	(pc) =	sbr.rel @p0 .LBB2_2-.Ltmp1, $4  }
0x53: {  	[spmem:s1] =	stream.indirect.scatter.add.f32 [tilespmem:s17], [sflag:$0x4], $0x80, s21, s14, $0xb8;
	[tilespmem:$0x1E800] =	vst v63  }
0x54: {  	_ =	swait.ge [sflag:s20], $0x4000  }
0x55: {  	[sflag:s20] =	ssyncset.done $0x0  }
0x56: {  	[sflag:s20] =	ssyncadd.s32 $0xFFFFC000  }
0x57: {  	s23 =	sadd.s32 $0x1, s23  }
0x58: {  	p0 =	sne.s32 s23, s10  }
.Ltmp2:
0x59: {  	[bflag:$0x0] =	sbarrier.arrive $0xFFFF;
	(pc) =	sbr.rel @p0 .LBB2_1-.Ltmp2, $4  }
0x5a: {  	[hbm:s22], [sflag:s7] =	dma.local [spmem:s11], $0x2800  }
0x5b: {  	_ =	swait.ge [sflag:s12], $0x2800  }
0x5c: {  	[sflag:s12] =	ssyncset.done $0x0  }
0x5d: {  	[sflag:s12] =	ssyncadd.s32 $0xFFFFD800  }
0x5e: {  	_ =	sfence.sel $0x180000  }
0x5f: {  	[bflag:$0x0] =	sbarrier.arrive $0xFFFF  }
0x60: {  	p0 =	sne.s32 s2, $0x0;
	_ =	strace $0x9000004D  }
0x61: {  	s0 =	sadd.s32 @!p0 $0x100000, s0;
	[bflag:$0x2] =	sbarrier.arrive $0xFFFF  }
0x62: {  	[sflag:s0] =	ssyncadd.tile.s32 @!p0 $0x1;
	_ =	shalt  }
.Lfunc_end2:
_tile_overlayer_lowered:
.L_overlay_start_2:
0x63: {  	(tag) =	ssettag $0x2  }
0x64: {  	s0 =	rddreg [dreg:$0x0];
	s2 =	stileid.u32  }
0x65: {  	s1 =	rddreg [dreg:$0x1];
	p0 =	sne.s32 s2, $0x0  }
0x66: {  	s3 =	rddreg [dreg:$0x2];
	[bflag:$0x3] =	sbarrier.arrive $0xFFFF;
	s2 =	simm.s32 @!p0 $0x1C05  }
0x67: {  	[timem:s3], [sflag:s2] =	dma.local @!p0 [hbm:s0], s1  }
0x68: {  	s0 =	simm.s32 @!p0 $0x5  }
0x69: {  	_ =	swait.ge @!p0 [sflag:s0], s1  }
0x6a: {  	s1 =	ssub.s32 @!p0 $0x0, s1;
	[sflag:s0] =	ssyncset.done @!p0 $0x0  }
0x6b: {  	[sflag:s0] =	ssyncadd.s32 @!p0 s1  }
0x6c: {  	[bflag:$0x3] =	sbarrier.arrive $0xFFFF  }
0x6d: {  	_ =	shalt  }

// kernel: kernel.19.cloned.1.call-start
scs
__scs_entry_jumppad:
0x0: {  	(pc) =	sbr.rel $0x88, $3  }
0x1: {  	(tag) =	ssettag $0x0;
	lr =	simm.s32 $0x1  }
0x2: {  	[smem:$0x3F94] =	sst lr;
	_ =	strace $0xD0000000  }
0x3: {  	_ = 	snop  }
0x4: {  	_ = 	snop  }
0x5: {  	_ = 	snop  }
0x6: {  	_ = 	snop  }
0x7: {  	_ = 	snop  }
__scs_overlays_trampoline_lowered:
0x8: {  	[smem:$0x3FA3] =	sst s0  }
0x9: {  	[smem:$0x3FA4] =	sst s1  }
0xa: {  	[smem:$0x3FA5] =	sst s2  }
0xb: {  	[smem:$0x3FA6] =	sst s3  }
0xc: {  	[smem:$0x3FA7] =	sst s4  }
0xd: {  	[smem:$0x3FA8] =	sst s5  }
0xe: {  	[smem:$0x3FA9] =	sst s6  }
0xf: {  	[smem:$0x3FAA] =	sst s7  }
0x10: {  	[smem:$0x3FAB] =	sst s8  }
0x11: {  	[smem:$0x3FAC] =	sst s9;
	s0 =	simm.s32 @!p0 $0x0  }
0x12: {  	s1 =	sld [smem:$0x3F92];
	s0 =	simm.s32 @p0 $0x1  }
0x13: {  	[smem:$0x3FAD] =	sst s0;
	s0 =	simm.s32 @!p1 $0x0  }
0x14: {  	s2 =	sld [smem:$0x3F91];
	s0 =	simm.s32 @p1 $0x1  }
0x15: {  	[smem:$0x3FAE] =	sst s0;
	s0 =	simm.s32 @!p2 $0x0  }
0x16: {  	s3 =	sld [smem:$0x3FDB];
	s0 =	simm.s32 @p2 $0x1  }
0x17: {  	s4 =	simm.s32 $0x1BF5;
	[smem:$0x3FB0] =	sst s0  }
0x18: {  	s0 =	sld [smem:$0x3F93];
	_ =	swait.ge [sflag:s4], $0x0  }
0x19: {  	s7 =	sld [smem:$0x3F94]  }
0x1a: {  	s8 =	sadd.s32 $0xFFFFE003, lr  }
0x1b: {  	s9 =	sadd.s32 $0xFFFFFEF7, lr;
	s5 =	simm.s32 $0xFFFFFFFF;
	p2 =	slt.u32 s8, $0xFFFFF086  }
0x1c: {  	p1 =	slt.u32 s9, $0xF7A;
	s5 =	simm.s32 @!p2 $0x0  }
0x1d: {  	s5 =	simm.s32 @p1 $0x1;
	p0 =	seq.s32 s7, s2  }
0x1e: {  	s7 =	smul.u32 @!p0 $0xF7A, s2;
	p2 =	seq.s32 @!p0 s5, $0x0  }
0x1f: {  	s9 =	smul.u32 $0xF7A, s1;
	s8 =	simm.s32 @!p0 $0x1BF5;
	p2 =	por !p2, p0  }
0x20: {  	[sflag:s8] =	ssyncset.s32 @!p0 $0xFFFFF086;
	s6 =	sadd.s32 @!p0 s3, s7;
	s7 =	simm.s32 @!p0 $0x108  }
0x21: {  	s3 =	sadd.s32 s3, s9;
	s6 =	sadd.s32 @!p0 $0x88, s6;
	s7 =	simm.s32 @p2 $0x1082  }
0x22: {  	[simem:s7], [sflag:s8] =	dma.local @!p0 [hbm:s6], $0xF7A  }
0x23: {  	s9 =	sor.u32 $0xD0000000, s2;
	s6 =	simm.s32 $0x108;
	_ =	swait.ge @!p0 [sflag:s8], $0x0  }
0x24: {  	s3 =	sadd.s32 $0x88, s3;
	s6 =	simm.s32 @!p1 $0x1082;
	[sflag:s4] =	ssyncset.s32 $0xFFFFF086  }
0x25: {  	[simem:s6], [sflag:s4] =	dma.local [hbm:s3], $0xF7A  }
0x26: {  	[smem:$0x3F94] =	sst s1;
	(tag) =	ssettag s2;
	_ =	strace s9  }
0x27: {  	s1 =	sld [smem:$0x3FA4]  }
0x28: {  	s2 =	sld [smem:$0x3FA5]  }
0x29: {  	s4 =	sld [smem:$0x3FA7]  }
0x2a: {  	p0 =	seq.s32 s5, $0x0;
	s5 =	sld [smem:$0x3FA8]  }
0x2b: {  	s6 =	sld [smem:$0x3FA9]  }
0x2c: {  	s7 =	sld [smem:$0x3FAA]  }
0x2d: {  	s3 =	simm.s32 $0x108;
	s8 =	sld [smem:$0x3FAB]  }
0x2e: {  	s3 =	simm.s32 @!p0 $0x1082;
	s9 =	sld [smem:$0x3FAC]  }
0x2f: {  	lr =	sadd.s32 s0, s3;
	s0 =	sld [smem:$0x3FA3]  }
0x30: {  	s3 =	sld [smem:$0x3FA6]  }
0x31: {  	[smem:$0x3FAF] =	sst s10  }
0x32: {  	s10 =	sld [smem:$0x3FAD];
	_ =	sdelay $0x3  }
0x33: {  	p0 =	seq.s32 s10, $0x1;
	s10 =	sld [smem:$0x3FAF];
	_ =	sdelay $0x3  }
0x34: {  	[smem:$0x3FAF] =	sst s10  }
0x35: {  	s10 =	sld [smem:$0x3FAE];
	_ =	sdelay $0x3  }
0x36: {  	p1 =	seq.s32 s10, $0x1;
	s10 =	sld [smem:$0x3FAF];
	_ =	sdelay $0x3  }
0x37: {  	[smem:$0x3FAF] =	sst s10  }
0x38: {  	s10 =	sld [smem:$0x3FB0]  }
0x39: {  	_ = 	snop;
	(pc) =	sbr.ind lr, $3  }
0x3a: {  	_ = 	snop  }
0x3b: {  	_ = 	snop  }
0x3c: {  	p2 =	seq.s32 s10, $0x1;
	s10 =	sld [smem:$0x3FAF]  }
0x3d: {  	_ =	shalt  }
0x3e: {  	_ =	shalt  }
0x3f: {  	_ =	shalt  }
0x40: {  	_ =	shalt  }
0x41: {  	_ =	shalt  }
0x42: {  	_ =	shalt  }
0x43: {  	_ =	shalt  }
0x44: {  	_ =	shalt  }
0x45: {  	_ =	shalt  }
0x46: {  	_ =	shalt  }
0x47: {  	_ =	shalt  }
0x48: {  	_ =	shalt  }
0x49: {  	_ =	shalt  }
0x4a: {  	_ =	shalt  }
0x4b: {  	_ =	shalt  }
0x4c: {  	_ =	shalt  }
0x4d: {  	_ =	shalt  }
0x4e: {  	_ =	shalt  }
0x4f: {  	_ =	shalt  }
0x50: {  	_ =	shalt  }
0x51: {  	_ =	shalt  }
0x52: {  	_ =	shalt  }
0x53: {  	_ =	shalt  }
0x54: {  	_ =	shalt  }
0x55: {  	_ =	shalt  }
0x56: {  	_ =	shalt  }
0x57: {  	_ =	shalt  }
0x58: {  	_ =	shalt  }
0x59: {  	_ =	shalt  }
0x5a: {  	_ =	shalt  }
0x5b: {  	_ =	shalt  }
0x5c: {  	_ =	shalt  }
0x5d: {  	_ =	shalt  }
0x5e: {  	_ =	shalt  }
0x5f: {  	_ =	shalt  }
0x60: {  	_ =	shalt  }
0x61: {  	_ =	shalt  }
0x62: {  	_ =	shalt  }
0x63: {  	_ =	shalt  }
0x64: {  	_ =	shalt  }
0x65: {  	_ =	shalt  }
0x66: {  	_ =	shalt  }
0x67: {  	_ =	shalt  }
0x68: {  	_ =	shalt  }
0x69: {  	_ =	shalt  }
0x6a: {  	_ =	shalt  }
0x6b: {  	_ =	shalt  }
0x6c: {  	_ =	shalt  }
0x6d: {  	_ =	shalt  }
0x6e: {  	_ =	shalt  }
0x6f: {  	_ =	shalt  }
0x70: {  	_ =	shalt  }
0x71: {  	_ =	shalt  }
0x72: {  	_ =	shalt  }
0x73: {  	_ =	shalt  }
0x74: {  	_ =	shalt  }
0x75: {  	_ =	shalt  }
0x76: {  	_ =	shalt  }
0x77: {  	_ =	shalt  }
0x78: {  	_ =	shalt  }
0x79: {  	_ =	shalt  }
0x7a: {  	_ =	shalt  }
0x7b: {  	_ =	shalt  }
0x7c: {  	_ =	shalt  }
0x7d: {  	_ =	shalt  }
0x7e: {  	_ =	shalt  }
0x7f: {  	_ =	shalt  }
0x80: {  	_ =	shalt  }
0x81: {  	_ =	shalt  }
0x82: {  	_ =	shalt  }
0x83: {  	_ =	shalt  }
0x84: {  	_ =	shalt  }
0x85: {  	_ =	shalt  }
0x86: {  	_ =	shalt  }
0x87: {  	_ =	shalt  }
.Lfunc_end0:
.L_simem_size_0:
called_computation.3_lowered:
.L_overlay_start_0:
0x88: {  	s2 =	sld [smem:$0x3FD9]  }
0x89: {  	s3 =	sld [smem:$0x3FFE];
	_ =	sdelay $0x1  }
0x8a: {  	s1 =	srdreg.scid  }
0x8b: {  	s0 =	sand.u32 $0x1, s1  }
0x8c: {  	s16 =	sshll.u32 s0, $0xA;
	s2 =	sadd.s32 s3, s2  }
0x8d: {  	s2 =	sadd.s32 s2, s16  }
0x8e: {  	[smem:$0x3FBB] =	sst s2  }
0x8f: {  	_ = 	snop  }
0x90: {  	(tm) =	ssettm $0x1  }
0x91: {  	s17 =	sld [smem:$0x3FFB];
	_ =	sdelay $0x3  }
0x92: {  	_ =	strace s17  }
0x93: {  	s2 =	sld [smem:$0x3FFC];
	_ =	sdelay $0x3  }
0x94: {  	_ =	strace s2  }
0x95: {  	s2 =	sld [smem:$0x3FFD];
	_ =	sdelay $0x3  }
0x96: {  	_ =	strace s2  }
0x97: {  	_ =	strace $0x8FFFFFFF  }
0x98: {  	s18 =	sld [smem:$0x3FDB];
	_ =	sdelay $0x1  }
0x99: {  	s19 =	simm.s32 $_scs_section_size  }
0x9a: {  	s4 =	simm.s32 $_size__tile_overlayer_lowered;
	s5 =	simm.s32 $_tile_overlayer_lowered  }
0x9b: {  	s22 =	simm.s32 $0x1BFF;
	s21 =	sshll.u32 s5, $0x1;
	s2 =	sadd.s32 s19, s18  }
0x9c: {  	s6 =	simm.s32 $0x0;
	s20 =	sshll.u32 s4, $0x1;
	s4 =	sadd.s32 s21, s2  }
0x9d: {  	[timem:s6], [sflag:s22] =	dma.local [hbm:s4], s20  }
0x9e: {  	_ =	swait.ge [sflag:s22], s20  }
0x9f: {  	s3 =	ssub.s32 $0x0, s20;
	[sflag:s22] =	ssyncset.done $0x0  }
0xa0: {  	[sflag:s22] =	ssyncadd.s32 s3;
	_ =	sdelay $0x1  }
0xa1: {  	s23 =	simm.s32 $0x1B8B  }
0xa2: {  	_ =	swait.ge [sflag:s23], $0x1  }
0xa3: {  	[sflag:s23] =	ssyncset.done $0x0  }
0xa4: {  	s25 =	simm.s32 $0x1B8E;
	s24 =	sld [smem:$0x3FFE];
	[sflag:s23] =	ssyncadd.s32 $0xFFFFFFFF  }
0xa5: {  	s26 =	simm.s32 $execute0_lowered;
	[smem:$0x3FD2] =	sst s25  }
0xa6: {  	s4 =	sshll.u32 s26, $0x1;
	_ =	strace $0x8000004F;
	[dreg:$0x1] =	wrdreg $0xFFFFFFFF  }
0xa7: {  	s28 =	simm.s32 $_size_execute0_lowered;
	s2 =	sadd.s32 s2, s4;
	[dreg:$0x0] =	wrdreg $0x0  }
0xa8: {  	s4 =	sshll.u32 s28, $0x1;
	[dreg:$0x2] =	wrdreg s2  }
0xa9: {  	[dreg:$0x3] =	wrdreg s4  }
0xaa: {  	[dreg:$0x4] =	wrdreg $0xC0  }
0xab: {  	_ =	task [dreg:s6], $0x5FFFF  }
0xac: {  	[dreg:$0x1] =	wrdreg $0xFFFFFFFF  }
0xad: {  	[dreg:$0x0] =	wrdreg $0x60  }
0xae: {  	[dreg:$0x2] =	wrdreg s24  }
0xaf: {  	[dreg:$0x3] =	wrdreg $0xA8000  }
0xb0: {  	[dreg:$0x4] =	wrdreg $0x9  }
0xb1: {  	_ =	task.clear_ibuf [dreg:s6], $0x5FFFF;
	_ =	strace $0x9000004F  }
0xb2: {  	s29 =	simm.s32 $0x9;
	_ =	strace $0x80000051  }
0xb3: {  	_ =	swait.ge [sflag:s29], $0x1  }
0xb4: {  	[sflag:s29] =	ssyncadd.s32 $0xFFFFFFFF  }
0xb5: {  	_ =	strace $0x90000051  }
0xb6: {  	_ =	sfence  }
0xb7: {  	s30 =	sld [smem:$0x0];
	_ =	sdelay $0x2  }
0xb8: {  	s31 =	sshll.u32 s1, $0xD;
	s1 =	sshrl.u32 s1, $0x2  }
0xb9: {  	s3 =	sand.u32 $0x4000, s31;
	s1 =	sadd.s32 s1, s30  }
0xba: {  	s0 =	sor.u32 s3, s0;
	s1 =	sshll.u32 s1, $0x11  }
0xbb: {  	s0 =	sor.u32 s1, s0  }
0xbc: {  	s0 =	sadd.s32 $0x8F2B, s0  }
0xbd: {  	[sflag:s0] =	ssyncadd.remote.s32 $0x1  }
0xbe: {  	_ =	sfence.sel $0xFFFF  }
0xbf: {  	[dreg:$0x0] =	wrdreg $0xFFFFFFFF;
	(pc) =	sbr.abs _section_cstart, $3  }
0xc0: {  	[dreg:$0x1] =	wrdreg $0xFFFFFFFF  }
0xc1: {  	_ =	task.clear_ibuf [dreg:s6], $0x2FFFF;
	_ =	strace $0x9FFFFFFF  }
0xc2: {  	(tm) =	ssettm $0x7FFFFFFF  }
0xc3: {  	_ =	shalt  }
tec
execute0_lowered:
.L_overlay_start_1:
0x0: {  	(tag) =	ssettag $0x1  }
0x1: {  	s6 =	rddreg [dreg:$0x0]  }
0x2: {  	s1 =	rddreg [dreg:$0x1]  }
0x3: {  	s2 =	srdreg.scid;
	s0 =	rddreg [dreg:$0x2]  }
0x4: {  	s3 =	simm.s32 $0x0;
	s15 =	simm.s32 $0x2800;
	s16 =	simm.s32 $0x1  }
0x5: {  	s17 =	simm.s32 $0x6800;
	s18 =	simm.s32 $0x2;
	s5 =	sand.u32 $0x1, s2  }
0x6: {  	s19 =	simm.s32 $0x3;
	s2 =	stileid.u32;
	s7 =	smul.u32 $0xA000, s5  }
0x7: {  	s20 =	simm.s32 $0x4;
	s21 =	simm.s32 $0x2780;
	s22 =	smul.u32 $0x2800, s2  }
0x8: {  	[smem:$0x7FF] =	sst s3;
	s4 =	sadd.s32 $0x3F000, s6;
	s8 =	smul.u32 $0x28000, s5  }
0x9: {  	_ =	strace $0x80000050;
	s29 =	ssub.s32 $0x2, s5;
	s10 =	smul.u32 $0x50000, s2  }
0xa: {  	s5 =	sadd.s32 $0xD000, s6;
	s31 =	sshll.u32 s2, $0x6;
	s12 =	sshrl.u32 s29, $0x1  }
0xb: {  	s9 =	sadd.s32 s7, s6;
	s11 =	sadd.s32 s22, s6;
	s13 =	sadd.s32 s8, s6  }
0xc: {  	s12 =	ssub.s32 s29, s12;
	s30 =	sshrl.u32 s10, $0x2;
	s7 =	sor.u32 $0x1C05, s31  }
0xd: {  	s8 =	smul.u32 $0xA0, s2;
	s14 =	sadd.s32 s30, s1;
	s6 =	sadd.s32 $0x17000, s11  }
0xe: {  	s9 =	sadd.s32 $0xB6200, s9;
	s23 =	sadd.s32 $0xCA200, s13;
	s10 =	smax.u32 s12, $0x1  }
0xf: {  	s12 =	simm.s32 $0x5;
	s13 =	simm.s32 $0x1400;
	s11 =	sshrl.u32 s14, $0x3  }
0x10: {  	s14 =	simm.s32 $0x80;
	s22 =	sadd.s32 s22, s23;
	s23 =	simm.s32 $0x0  }
.LBB2_1:
0x11: {  	[spmem:s11], [sflag:s7] =	dma.local [hbm:s6], $0x2800  }
0x12: {  	_ =	swait.ge [sflag:s12], $0x2800  }
0x13: {  	[sflag:s12] =	ssyncset.done $0x0  }
0x14: {  	[sflag:s12] =	ssyncadd.s32 $0xFFFFD800  }
0x15: {  	s24 =	simm.s32 $0x0;
	[bflag:$0x0] =	sbarrier.arrive $0xFFFF  }
.LBB2_2:
0x16: {  	s25 =	smul.u32 $0x28, s24;
	_ =	sdelay $0x1  }
0x17: {  	s25 =	sadd.s32 s8, s25  }
0x18: {  	s25 =	sshll.u32 s25, $0x4  }
0x19: {  	s26 =	sadd.s32 s25, s9  }
0x1a: {  	[tilespmem:s3], [sflag:$0x5] =	stream.linear.gather [hbm4b:s26+s3], $0x1400, $0x38;
	[tilespmem:$0x1E800] =	vst v63  }
0x1b: {  	_ =	swait.ge [sflag:s12], $0x1400  }
0x1c: {  	[sflag:s12] =	ssyncset.done $0x0  }
0x1d: {  	s25 =	sadd.s32 s5, s25;
	[sflag:s12] =	ssyncadd.s32 $0xFFFFEC00  }
0x1e: {  	[tilespmem:s13], [sflag:$0x5] =	stream.linear.gather [hbm4b:s25+s3], $0x1400, $0x38;
	[tilespmem:$0x1E800] =	vst v63  }
0x1f: {  	_ =	swait.ge [sflag:s12], $0x1400  }
0x20: {  	[sflag:s12] =	ssyncset.done $0x0  }
0x21: {  	[sflag:s12] =	ssyncadd.s32 $0xFFFFEC00  }
0x22: {  	[tilespmem:s15], [sflag:$0x1] =	stream.indirect.gather [hbm4b:s4+s14], $0x80, s3, s14, $0xb8;
	[tilespmem:$0x1E800] =	vst v63  }
0x23: {  	_ =	swait.ge [sflag:s16], $0x4000  }
0x24: {  	[sflag:s16] =	ssyncset.done $0x0  }
0x25: {  	[sflag:s16] =	ssyncadd.s32 $0xFFFFC000  }
0x26: {  	[spmem:s1] =	stream.indirect.scatter.add.f32 [tilespmem:s15], [sflag:$0x3], $0x80, s13, s14, $0xb8;
	[tilespmem:$0x1E800] =	vst v63  }
0x27: {  	_ = 	snop  }
0x28: {  	[tilespmem:s17], [sflag:$0x2] =	stream.indirect.gather [hbm4b:s4+s14], $0x80, s14, s14, $0xb8;
	[tilespmem:$0x1E800] =	vst v63  }
0x29: {  	_ =	swait.ge [sflag:s18], $0x4000  }
0x2a: {  	[sflag:s18] =	ssyncset.done $0x0  }
0x2b: {  	[sflag:s18] =	ssyncadd.s32 $0xFFFFC000  }
0x2c: {  	_ =	swait.ge [sflag:s19], $0x4000  }
0x2d: {  	[sflag:s19] =	ssyncset.done $0x0  }
0x2e: {  	s29 =	simm.s32 $0x1480;
	[sflag:s19] =	ssyncadd.s32 $0xFFFFC000  }
0x2f: {  	[spmem:s1] =	stream.indirect.scatter.add.f32 [tilespmem:s17], [sflag:$0x4], $0x80, s29, s14, $0xb8;
	[tilespmem:$0x1E800] =	vst v63  }
0x30: {  	s30 =	simm.s32 $0x100  }
0x31: {  	[tilespmem:s15], [sflag:$0x1] =	stream.indirect.gather [hbm4b:s4+s14], $0x80, s30, s14, $0xb8;
	[tilespmem:$0x1E800] =	vst v63  }
0x32: {  	_ =	swait.ge [sflag:s16], $0x4000  }
0x33: {  	[sflag:s16] =	ssyncset.done $0x0  }
0x34: {  	[sflag:s16] =	ssyncadd.s32 $0xFFFFC000  }
0x35: {  	_ =	swait.ge [sflag:s20], $0x4000  }
0x36: {  	s31 =	simm.s32 $0x1500;
	[sflag:s20] =	ssyncset.done $0x0  }
0x37: {  	s26 =	simm.s32 $0x180;
	s25 =	simm.s32 $0xFFFFB800;
	[sflag:s20] =	ssyncadd.s32 $0xFFFFC000  }
0x38: {  	[spmem:s1] =	stream.indirect.scatter.add.f32 [tilespmem:s15], [sflag:$0x3], $0x80, s31, s14, $0xb8;
	[tilespmem:$0x1E800] =	vst v63  }
.LBB2_3:
0x39: {  	[tilespmem:s17], [sflag:$0x2] =	stream.indirect.gather [hbm4b:s4+s14], $0x80, s26, s14, $0xb8;
	[tilespmem:$0x1E800] =	vst v63  }
0x3a: {  	s26 =	smov.u32 s25  }
0x3b: {  	p0 =	sne.s32 s25, $0xFFFFFC00;
	s25 =	sadd.s32 $0x400, s25;
	_ =	swait.ge [sflag:s18], $0x4000  }
0x3c: {  	[sflag:s18] =	ssyncset.done $0x0  }
0x3d: {  	[sflag:s18] =	ssyncadd.s32 $0xFFFFC000  }
0x3e: {  	_ =	swait.ge [sflag:s19], $0x4000  }
0x3f: {  	s26 =	sshra.s32 s26, $0x2;
	[sflag:s19] =	ssyncset.done $0x0  }
0x40: {  	s28 =	sadd.s32 $0x2780, s26;
	[sflag:s19] =	ssyncadd.s32 $0xFFFFC000  }
0x41: {  	[spmem:s1] =	stream.indirect.scatter.add.f32 [tilespmem:s17], [sflag:$0x4], $0x80, s28, s14, $0xb8;
	[tilespmem:$0x1E800] =	vst v63  }
0x42: {  	s28 =	sadd.s32 $0x1400, s26  }
0x43: {  	[tilespmem:s15], [sflag:$0x1] =	stream.indirect.gather [hbm4b:s4+s14], $0x80, s28, s14, $0xb8;
	[tilespmem:$0x1E800] =	vst v63  }
0x44: {  	_ =	swait.ge [sflag:s16], $0x4000  }
0x45: {  	[sflag:s16] =	ssyncset.done $0x0  }
0x46: {  	[sflag:s16] =	ssyncadd.s32 $0xFFFFC000  }
.Ltmp0:
0x47: {  	_ =	swait.ge [sflag:s20], $0x4000;
	(pc) =	sbr.rel @p0 .LBB2_3-.Ltmp0, $4  }
0x48: {  	[sflag:s20] =	ssyncset.done $0x0  }
0x49: {  	s28 =	sadd.s32 $0x2800, s26;
	[sflag:s20] =	ssyncadd.s32 $0xFFFFC000  }
0x4a: {  	[spmem:s1] =	stream.indirect.scatter.add.f32 [tilespmem:s15], [sflag:$0x3], $0x80, s28, s14, $0xb8;
	[tilespmem:$0x1E800] =	vst v63  }
0x4b: {  	s26 =	sadd.s32 $0x1480, s26  }
0x4c: {  	[tilespmem:s17], [sflag:$0x2] =	stream.indirect.gather [hbm4b:s4+s14], $0x80, s26, s14, $0xb8;
	[tilespmem:$0x1E800] =	vst v63  }
0x4d: {  	_ =	swait.ge [sflag:s18], $0x4000  }
0x4e: {  	[sflag:s18] =	ssyncset.done $0x0  }
0x4f: {  	[sflag:s18] =	ssyncadd.s32 $0xFFFFC000  }
0x50: {  	s24 =	sadd.s32 $0x1, s24;
	_ =	swait.ge [sflag:s19], $0x4000  }
0x51: {  	p0 =	sne.s32 s24, $0x4;
	[sflag:s19] =	ssyncset.done $0x0  }
.Ltmp1:
0x52: {  	[sflag:s19] =	ssyncadd.s32 $0xFFFFC000;
	(pc) =	sbr.rel @p0 .LBB2_2-.Ltmp1, $4  }
0x53: {  	[spmem:s1] =	stream.indirect.scatter.add.f32 [tilespmem:s17], [sflag:$0x4], $0x80, s21, s14, $0xb8;
	[tilespmem:$0x1E800] =	vst v63  }
0x54: {  	_ =	swait.ge [sflag:s20], $0x4000  }
0x55: {  	[sflag:s20] =	ssyncset.done $0x0  }
0x56: {  	[sflag:s20] =	ssyncadd.s32 $0xFFFFC000  }
0x57: {  	s23 =	sadd.s32 $0x1, s23  }
0x58: {  	p0 =	sne.s32 s23, s10  }
.Ltmp2:
0x59: {  	[bflag:$0x0] =	sbarrier.arrive $0xFFFF;
	(pc) =	sbr.rel @p0 .LBB2_1-.Ltmp2, $4  }
0x5a: {  	[hbm:s22], [sflag:s7] =	dma.local [spmem:s11], $0x2800  }
0x5b: {  	_ =	swait.ge [sflag:s12], $0x2800  }
0x5c: {  	[sflag:s12] =	ssyncset.done $0x0  }
0x5d: {  	[sflag:s12] =	ssyncadd.s32 $0xFFFFD800  }
0x5e: {  	_ =	sfence.sel $0x180000  }
0x5f: {  	[bflag:$0x0] =	sbarrier.arrive $0xFFFF  }
0x60: {  	p0 =	sne.s32 s2, $0x0;
	_ =	strace $0x90000050  }
0x61: {  	s0 =	sadd.s32 @!p0 $0x100000, s0;
	[bflag:$0x2] =	sbarrier.arrive $0xFFFF  }
0x62: {  	[sflag:s0] =	ssyncadd.tile.s32 @!p0 $0x1;
	_ =	shalt  }
.Lfunc_end2:
_tile_overlayer_lowered:
.L_overlay_start_2:
0x63: {  	(tag) =	ssettag $0x2  }
0x64: {  	s0 =	rddreg [dreg:$0x0];
	s2 =	stileid.u32  }
0x65: {  	s1 =	rddreg [dreg:$0x1];
	p0 =	sne.s32 s2, $0x0  }
0x66: {  	s3 =	rddreg [dreg:$0x2];
	[bflag:$0x3] =	sbarrier.arrive $0xFFFF;
	s2 =	simm.s32 @!p0 $0x1C05  }
0x67: {  	[timem:s3], [sflag:s2] =	dma.local @!p0 [hbm:s0], s1  }
0x68: {  	s0 =	simm.s32 @!p0 $0x5  }
0x69: {  	_ =	swait.ge @!p0 [sflag:s0], s1  }
0x6a: {  	s1 =	ssub.s32 @!p0 $0x0, s1;
	[sflag:s0] =	ssyncset.done @!p0 $0x0  }
0x6b: {  	[sflag:s0] =	ssyncadd.s32 @!p0 s1  }
0x6c: {  	[bflag:$0x3] =	sbarrier.arrive $0xFFFF  }
0x6d: {  	_ =	shalt  }

</sc_bundles>
